<compile_context>
chip_gen: v7x
topology: tpu7x:2x2x1
jax: 0.10.2.dev20260603
libtpu: 0.0.44.dev20260713+nightly
codegen_flags: <defaults>
</compile_context>

<pallas_src>
import jax
import jax.numpy as jnp
from jax import lax
from jax.experimental import pallas as pl
from jax.experimental.pallas import tpu as pltpu
from jax.experimental.pallas import tpu_sc as plsc

NC = 2
NS = 16
NW = NC * NS

B_CTX = 4096
B_LIST = 50
DIM = 64
LPAD = 56
DPAD = 128
CTX_PER_W = B_CTX // NW
EX_PER_W = CTX_PER_W * B_LIST
NBUF = 2
BB = 8
CHUNK = BB * B_LIST
EX_CHUNKS = CTX_PER_W // BB


def _sc_body(ctx_table, ex_table, ctx_ids, ex_ids, ctx_out, ex_out,
             cidx, crows, eidx, bufs, gsems, ssems, csem):
    wid = lax.axis_index("s") * NC + lax.axis_index("c")
    batch0 = wid * CTX_PER_W

    pltpu.sync_copy(ctx_ids.at[pl.ds(batch0, CTX_PER_W)], cidx)
    ctx_gather = pltpu.async_copy(ctx_table.at[cidx], crows, csem)

    pltpu.sync_copy(ex_ids.at[wid], eidx)

    def gather_start(c, b):
        pltpu.async_copy(
            ex_table.at[eidx.at[pl.ds(c * CHUNK, CHUNK)]], bufs.at[b],
            gsems.at[b])

    def gather_wait(c, b):
        pltpu.make_async_copy(
            ex_table.at[eidx.at[pl.ds(c * CHUNK, CHUNK)]], bufs.at[b],
            gsems.at[b]).wait()

    def store_parts(c, b):
        for i in range(BB):
            src = bufs.at[b].at[pl.ds(i * B_LIST, B_LIST)]
            dst = ex_out.at[batch0 + c * BB + i, pl.ds(0, B_LIST),
                            pl.ds(0, DIM)]
            yield src, dst

    def store_start(c, b):
        for src, dst in store_parts(c, b):
            pltpu.async_copy(src, dst, ssems.at[b])

    def store_wait(c, b):
        for src, dst in store_parts(c, b):
            pltpu.make_async_copy(src, dst, ssems.at[b]).wait()

    for b in range(NBUF):
        gather_start(b, b)

    ctx_gather.wait()
    pltpu.sync_copy(
        crows, ctx_out.at[pl.ds(batch0, CTX_PER_W), pl.ds(0, DIM)])

    @pl.loop(0, EX_CHUNKS - NBUF, step=NBUF)
    def _(j):
        for b in range(NBUF):
            gather_wait(j + b, b)
            store_start(j + b, b)
        for b in range(NBUF):
            store_wait(j + b, b)
            gather_start(j + b + NBUF, b)

    for b in range(NBUF):
        c = EX_CHUNKS - NBUF + b
        gather_wait(c, b)
        store_start(c, b)
    for b in range(NBUF):
        store_wait(EX_CHUNKS - NBUF + b, b)


@jax.jit
def _encode(ctx_table, ex_table, ctx_ids, ex_ids):
    mesh = plsc.VectorSubcoreMesh(core_axis_name="c", subcore_axis_name="s")
    ctx_out, ex_out = pl.kernel(
        _sc_body,
        out_type=(
            jax.ShapeDtypeStruct((B_CTX, DPAD), jnp.float32),
            jax.ShapeDtypeStruct((B_CTX, LPAD, DPAD), jnp.float32),
        ),
        mesh=mesh,
        compiler_params=pltpu.CompilerParams(use_tc_tiling_on_sc=False),
        scratch_types=[
            pltpu.VMEM((CTX_PER_W,), jnp.int32),
            pltpu.VMEM((CTX_PER_W, DIM), jnp.float32),
            pltpu.VMEM((EX_PER_W,), jnp.int32),
            pltpu.VMEM((NBUF, CHUNK, DIM), jnp.float32),
            pltpu.SemaphoreType.DMA((NBUF,)),
            pltpu.SemaphoreType.DMA((NBUF,)),
            pltpu.SemaphoreType.DMA,
        ],
    )(ctx_table, ex_table, ctx_ids, ex_ids)
    return ctx_out, ex_out


def kernel(context_table, example_table, context_ids, example_ids):
    B, L = example_ids.shape
    ctx_ids = jnp.asarray(context_ids, jnp.int32)
    ex_ids = jnp.asarray(example_ids, jnp.int32).reshape(NW, EX_PER_W)
    ctx_out, ex_out = _encode(context_table, example_table, ctx_ids, ex_ids)
    return ctx_out[:, :DIM], ex_out[:, :L, :DIM]

# --- scband reference (transcript-rebuilt; emitter-appended) ---
"""Pipeline reference for scband-encode-listwise-features-867583394068 (READ-ONLY COPY).

The authoritative reference and input builder live on the scoring server;
editing this copy changes nothing except your own understanding.
"""

import jax, jax.numpy as jnp
import numpy as np


def setup_inputs(seed: int = 0) -> dict:
    key = jax.random.key(seed)
    k1, k2, k3, k4 = jax.random.split(key, 4)
    context_ids = jax.random.randint(k1, (4096,), 0, 100000)
    example_ids = jax.random.randint(k2, (4096, 50), 0, 100000)
    context_table = jax.random.normal(k3, (100000, 64), dtype=jnp.float32) * 0.05
    example_table = jax.random.normal(k4, (100000, 64), dtype=jnp.float32) * 0.05
    return {
        "context_table": context_table,
        "example_table": example_table,
        "context_ids": context_ids,
        "example_ids": example_ids,
    }


def reference(context_table, example_table, context_ids, example_ids):
    # Context features: 2D categorical ids -> dense [batch, dim] via embedding column.
    context_feat = jnp.take(context_table, context_ids, axis=0)  # [B, d]

    # Example features: 3D [batch, list_size] ids are flattened to
    # [batch * list_size] (utils.reshape_first_ndims), run through the
    # DenseFeatures embedding lookup, then reshaped back to
    # [batch, list_size, dim] -- mirroring encode_listwise_features.
    B, L = example_ids.shape
    flat_ids = example_ids.reshape(B * L)
    example_flat = jnp.take(example_table, flat_ids, axis=0)  # [B*L, d]
    example_feat = example_flat.reshape(B, L, example_table.shape[1])  # [B, L, d]

    # Layer returns (context_features dict, example_features dict); here we
    # return the single dense tensor per dict as a tuple.
    return (context_feat, example_feat)

if __name__ == "__main__":
    import jax
    _d = setup_inputs()
    print(jax.jit(kernel)(*tuple(_d.values())))

</pallas_src>

<mosaic_0001>
#map = affine_map<(d0, d1) -> (0, 0)>
#map1 = affine_map<(d0, d1) -> (0)>
#map2 = affine_map<(d0, d1) -> (0, 0, 0)>
module attributes {stable_mosaic.version = 14 : i64} {
  func.func @_sc_body(%arg0: i32, %arg1: i32, %arg2: memref<100000x64xf32, #tpu.memory_space<hbm>>, %arg3: memref<100000x64xf32, #tpu.memory_space<hbm>>, %arg4: memref<4096xi32, #tpu.memory_space<hbm>>, %arg5: memref<32x6400xi32, #tpu.memory_space<hbm>>, %arg6: memref<4096x128xf32, #tpu.memory_space<hbm>>, %arg7: memref<4096x56x128xf32, #tpu.memory_space<hbm>>, %arg8: memref<128xi32, #tpu.memory_space<vmem>>, %arg9: memref<128x64xf32, #tpu.memory_space<vmem>>, %arg10: memref<6400xi32, #tpu.memory_space<vmem>>, %arg11: memref<2x400x64xf32, #tpu.memory_space<vmem>>, %arg12: memref<2x!tpu.dma_semaphore, #tpu.memory_space<semaphore_mem>>, %arg13: memref<2x!tpu.dma_semaphore, #tpu.memory_space<semaphore_mem>>, %arg14: memref<!tpu.dma_semaphore, #tpu.memory_space<semaphore_mem>>) attributes {dimension_semantics = [#tpu.dimension_semantics<core_parallel>, #tpu.dimension_semantics<subcore_parallel>], iteration_bounds = array<i64: 2, 16>, scalar_prefetch = 0 : i64, scratch_operands = 7 : i64, tpu.core_type = #tpu.core_type<sc_vector_subcore>, window_params = [{transform_indices = #map}, {transform_indices = #map}, {transform_indices = #map1}, {transform_indices = #map}, {transform_indices = #map}, {transform_indices = #map2}]} {
    %mul3A = arith.constant 2 : i32
    %mul3A_0 = arith.muli %arg1, %mul3A : i32
    %add3A = arith.addi %mul3A_0, %arg0 : i32
    %mul3A_1 = arith.constant 128 : i32
    %mul3A_2 = arith.muli %add3A, %mul3A_1 : i32
    "tpu.region"() ({
      %run_scoped3A = tpu.sem_alloc : memref<!tpu.dma_semaphore, #tpu.memory_space<semaphore_mem>>
      %dma_start3A_1023 = tpu.memref_slice %arg4[%mul3A_2] : memref<4096xi32, #tpu.memory_space<hbm>> -> memref<128xi32, #tpu.memory_space<hbm>>
      %dma_start3A_1024 = tpu.memref_slice %arg4[%mul3A_2] : memref<4096xi32, #tpu.memory_space<hbm>> -> memref<128xi32, #tpu.memory_space<hbm>>
      tpu.enqueue_dma source(%dma_start3A_1024 : memref<128xi32, #tpu.memory_space<hbm>>) target(%arg8 : memref<128xi32, #tpu.memory_space<vmem>>) target_semaphore(%run_scoped3A : memref<!tpu.dma_semaphore, #tpu.memory_space<semaphore_mem>>)
      %dma_wait3A_1025 = tpu.memref_slice %arg4[%mul3A_2] : memref<4096xi32, #tpu.memory_space<hbm>> -> memref<128xi32, #tpu.memory_space<hbm>>
      %dma_wait3A_1026 = tpu.memref_slice %arg4[%mul3A_2] : memref<4096xi32, #tpu.memory_space<hbm>> -> memref<128xi32, #tpu.memory_space<hbm>>
      tpu.wait_dma2 semaphore(%run_scoped3A : memref<!tpu.dma_semaphore, #tpu.memory_space<semaphore_mem>>) src(%dma_wait3A_1026 : memref<128xi32, #tpu.memory_space<hbm>>) dst(%arg8 : memref<128xi32, #tpu.memory_space<vmem>>)
      tpu.yield
    }) : () -> ()
    %dma_start3A = arith.constant 0 : i32
    %dma_start3A_3 = arith.constant 0 : i32
    %dma_start3A_4 = tpu.memref_slice %arg2[%dma_start3A, %dma_start3A_3] : memref<100000x64xf32, #tpu.memory_space<hbm>> -> memref<100000x64xf32, #tpu.memory_space<hbm>>
    tpu.enqueue_indirect_dma source(%dma_start3A_4 : memref<100000x64xf32, #tpu.memory_space<hbm>>) target(%arg9 : memref<128x64xf32, #tpu.memory_space<vmem>>) offsets(%arg8 : memref<128xi32, #tpu.memory_space<vmem>>) semaphore(%arg14 : memref<!tpu.dma_semaphore, #tpu.memory_space<semaphore_mem>>)
    "tpu.region"() ({
      %run_scoped3A = tpu.sem_alloc : memref<!tpu.dma_semaphore, #tpu.memory_space<semaphore_mem>>
      %dma_start3A_1023 = arith.constant 0 : i32
      %dma_start3A_1024 = tpu.memref_slice %arg5[%add3A, %dma_start3A_1023] : memref<32x6400xi32, #tpu.memory_space<hbm>> -> memref<1x6400xi32, #tpu.memory_space<hbm>>
      %dma_start3A_1025 = tpu.memref_squeeze %dma_start3A_1024 : memref<1x6400xi32, #tpu.memory_space<hbm>> -> memref<6400xi32, #tpu.memory_space<hbm>>
      %dma_start3A_1026 = arith.constant 0 : i32
      %dma_start3A_1027 = tpu.memref_slice %arg5[%add3A, %dma_start3A_1026] : memref<32x6400xi32, #tpu.memory_space<hbm>> -> memref<1x6400xi32, #tpu.memory_space<hbm>>
      %dma_start3A_1028 = tpu.memref_squeeze %dma_start3A_1027 : memref<1x6400xi32, #tpu.memory_space<hbm>> -> memref<6400xi32, #tpu.memory_space<hbm>>
      tpu.enqueue_dma source(%dma_start3A_1028 : memref<6400xi32, #tpu.memory_space<hbm>>) target(%arg10 : memref<6400xi32, #tpu.memory_space<vmem>>) target_semaphore(%run_scoped3A : memref<!tpu.dma_semaphore, #tpu.memory_space<semaphore_mem>>)
      %dma_wait3A_1029 = arith.constant 0 : i32
      %dma_wait3A_1030 = tpu.memref_slice %arg5[%add3A, %dma_wait3A_1029] : memref<32x6400xi32, #tpu.memory_space<hbm>> -> memref<1x6400xi32, #tpu.memory_space<hbm>>
      %dma_wait3A_1031 = tpu.memref_squeeze %dma_wait3A_1030 : memref<1x6400xi32, #tpu.memory_space<hbm>> -> memref<6400xi32, #tpu.memory_space<hbm>>
      %dma_wait3A_1032 = arith.constant 0 : i32
      %dma_wait3A_1033 = tpu.memref_slice %arg5[%add3A, %dma_wait3A_1032] : memref<32x6400xi32, #tpu.memory_space<hbm>> -> memref<1x6400xi32, #tpu.memory_space<hbm>>
      %dma_wait3A_1034 = tpu.memref_squeeze %dma_wait3A_1033 : memref<1x6400xi32, #tpu.memory_space<hbm>> -> memref<6400xi32, #tpu.memory_space<hbm>>
      tpu.wait_dma2 semaphore(%run_scoped3A : memref<!tpu.dma_semaphore, #tpu.memory_space<semaphore_mem>>) src(%dma_wait3A_1034 : memref<6400xi32, #tpu.memory_space<hbm>>) dst(%arg10 : memref<6400xi32, #tpu.memory_space<vmem>>)
      tpu.yield
    }) : () -> ()
    %dma_start3A_5 = arith.constant 0 : i32
    %dma_start3A_6 = arith.constant 0 : i32
    %dma_start3A_7 = arith.constant 0 : i32
    %dma_start3A_8 = arith.constant 0 : i32
    %dma_start3A_9 = tpu.memref_slice %arg11[%dma_start3A_5, %dma_start3A_7, %dma_start3A_8] : memref<2x400x64xf32, #tpu.memory_space<vmem>> -> memref<1x400x64xf32, #tpu.memory_space<vmem>>
    %dma_start3A_10 = tpu.memref_squeeze %dma_start3A_9 : memref<1x400x64xf32, #tpu.memory_space<vmem>> -> memref<400x64xf32, #tpu.memory_space<vmem>>
    %dma_start3A_11 = arith.constant 0 : i32
    %dma_start3A_12 = tpu.memref_slice %arg10[%dma_start3A_11] : memref<6400xi32, #tpu.memory_space<vmem>> -> memref<400xi32, #tpu.memory_space<vmem>>
    %dma_start3A_13 = arith.constant 0 : i32
    %dma_start3A_14 = arith.constant 0 : i32
    %dma_start3A_15 = tpu.memref_slice %arg3[%dma_start3A_13, %dma_start3A_14] : memref<100000x64xf32, #tpu.memory_space<hbm>> -> memref<100000x64xf32, #tpu.memory_space<hbm>>
    %dma_start3A_16 = tpu.memref_slice %arg12[%dma_start3A_6] : memref<2x!tpu.dma_semaphore, #tpu.memory_space<semaphore_mem>> -> memref<1x!tpu.dma_semaphore, #tpu.memory_space<semaphore_mem>>
    %dma_start3A_17 = tpu.memref_squeeze %dma_start3A_16 : memref<1x!tpu.dma_semaphore, #tpu.memory_space<semaphore_mem>> -> memref<!tpu.dma_semaphore, #tpu.memory_space<semaphore_mem>>
    tpu.enqueue_indirect_dma source(%dma_start3A_15 : memref<100000x64xf32, #tpu.memory_space<hbm>>) target(%dma_start3A_10 : memref<400x64xf32, #tpu.memory_space<vmem>>) offsets(%dma_start3A_12 : memref<400xi32, #tpu.memory_space<vmem>>) semaphore(%dma_start3A_17 : memref<!tpu.dma_semaphore, #tpu.memory_space<semaphore_mem>>)
    %dma_start3A_18 = arith.constant 1 : i32
    %dma_start3A_19 = arith.constant 1 : i32
    %dma_start3A_20 = arith.constant 0 : i32
    %dma_start3A_21 = arith.constant 0 : i32
    %dma_start3A_22 = tpu.memref_slice %arg11[%dma_start3A_18, %dma_start3A_20, %dma_start3A_21] : memref<2x400x64xf32, #tpu.memory_space<vmem>> -> memref<1x400x64xf32, #tpu.memory_space<vmem>>
    %dma_start3A_23 = tpu.memref_squeeze %dma_start3A_22 : memref<1x400x64xf32, #tpu.memory_space<vmem>> -> memref<400x64xf32, #tpu.memory_space<vmem>>
    %dma_start3A_24 = arith.constant 400 : i32
    %dma_start3A_25 = tpu.memref_slice %arg10[%dma_start3A_24] : memref<6400xi32, #tpu.memory_space<vmem>> -> memref<400xi32, #tpu.memory_space<vmem>>
    %dma_start3A_26 = arith.constant 0 : i32
    %dma_start3A_27 = arith.constant 0 : i32
    %dma_start3A_28 = tpu.memref_slice %arg3[%dma_start3A_26, %dma_start3A_27] : memref<100000x64xf32, #tpu.memory_space<hbm>> -> memref<100000x64xf32, #tpu.memory_space<hbm>>
    %dma_start3A_29 = tpu.memref_slice %arg12[%dma_start3A_19] : memref<2x!tpu.dma_semaphore, #tpu.memory_space<semaphore_mem>> -> memref<1x!tpu.dma_semaphore, #tpu.memory_space<semaphore_mem>>
    %dma_start3A_30 = tpu.memref_squeeze %dma_start3A_29 : memref<1x!tpu.dma_semaphore, #tpu.memory_space<semaphore_mem>> -> memref<!tpu.dma_semaphore, #tpu.memory_space<semaphore_mem>>
    tpu.enqueue_indirect_dma source(%dma_start3A_28 : memref<100000x64xf32, #tpu.memory_space<hbm>>) target(%dma_start3A_23 : memref<400x64xf32, #tpu.memory_space<vmem>>) offsets(%dma_start3A_25 : memref<400xi32, #tpu.memory_space<vmem>>) semaphore(%dma_start3A_30 : memref<!tpu.dma_semaphore, #tpu.memory_space<semaphore_mem>>)
    %dma_wait3A = arith.constant 0 : i32
    %dma_wait3A_31 = arith.constant 0 : i32
    %dma_wait3A_32 = tpu.memref_slice %arg2[%dma_wait3A, %dma_wait3A_31] : memref<100000x64xf32, #tpu.memory_space<hbm>> -> memref<100000x64xf32, #tpu.memory_space<hbm>>
    tpu.wait_indirect_dma semaphore(%arg14 : memref<!tpu.dma_semaphore, #tpu.memory_space<semaphore_mem>>) src(%dma_wait3A_32 : memref<100000x64xf32, #tpu.memory_space<hbm>>) dst(%arg9 : memref<128x64xf32, #tpu.memory_space<vmem>>)
    "tpu.region"() ({
      %run_scoped3A = tpu.sem_alloc : memref<!tpu.dma_semaphore, #tpu.memory_space<semaphore_mem>>
      %dma_start3A_1023 = arith.constant 0 : i32
      %dma_start3A_1024 = tpu.memref_slice %arg6[%mul3A_2, %dma_start3A_1023] : memref<4096x128xf32, #tpu.memory_space<hbm>> -> memref<128x64xf32, #tpu.memory_space<hbm>>
      %dma_start3A_1025 = arith.constant 0 : i32
      %dma_start3A_1026 = tpu.memref_slice %arg6[%mul3A_2, %dma_start3A_1025] : memref<4096x128xf32, #tpu.memory_space<hbm>> -> memref<128x64xf32, #tpu.memory_space<hbm>>
      tpu.enqueue_dma source(%arg9 : memref<128x64xf32, #tpu.memory_space<vmem>>) target(%dma_start3A_1026 : memref<128x64xf32, #tpu.memory_space<hbm>>) target_semaphore(%run_scoped3A : memref<!tpu.dma_semaphore, #tpu.memory_space<semaphore_mem>>)
      %dma_wait3A_1027 = arith.constant 0 : i32
      %dma_wait3A_1028 = tpu.memref_slice %arg6[%mul3A_2, %dma_wait3A_1027] : memref<4096x128xf32, #tpu.memory_space<hbm>> -> memref<128x64xf32, #tpu.memory_space<hbm>>
      %dma_wait3A_1029 = arith.constant 0 : i32
      %dma_wait3A_1030 = tpu.memref_slice %arg6[%mul3A_2, %dma_wait3A_1029] : memref<4096x128xf32, #tpu.memory_space<hbm>> -> memref<128x64xf32, #tpu.memory_space<hbm>>
      tpu.wait_dma2 semaphore(%run_scoped3A : memref<!tpu.dma_semaphore, #tpu.memory_space<semaphore_mem>>) src(%arg9 : memref<128x64xf32, #tpu.memory_space<vmem>>) dst(%dma_wait3A_1030 : memref<128x64xf32, #tpu.memory_space<hbm>>)
      tpu.yield
    }) : () -> ()
    %scan3A = arith.constant 0 : i32
    %scan3A_33 = arith.constant 7 : i32
    %scan3A_34 = arith.addi %scan3A, %scan3A_33 : i32
    %scan3A_35 = arith.constant 1 : i32
    scf.for %scan3A_1023 = %scan3A to %scan3A_34 step %scan3A_35  : i32 {
      %mul3A_1024 = arith.constant 2 : i32
      %mul3A_1025 = arith.muli %scan3A_1023, %mul3A_1024 : i32
      %add3A_1026 = arith.constant 0 : i32
      %add3A_1027 = arith.addi %add3A_1026, %mul3A_1025 : i32
      %add3A_1028 = arith.constant 0 : i32
      %add3A_1029 = arith.addi %add3A_1027, %add3A_1028 : i32
      %mul3A_1030 = arith.constant 400 : i32
      %mul3A_1031 = arith.muli %add3A_1029, %mul3A_1030 : i32
      %dma_wait3A_1032 = arith.constant 0 : i32
      %dma_wait3A_1033 = arith.constant 0 : i32
      %dma_wait3A_1034 = arith.constant 0 : i32
      %dma_wait3A_1035 = arith.constant 0 : i32
      %dma_wait3A_1036 = tpu.memref_slice %arg11[%dma_wait3A_1032, %dma_wait3A_1034, %dma_wait3A_1035] : memref<2x400x64xf32, #tpu.memory_space<vmem>> -> memref<1x400x64xf32, #tpu.memory_space<vmem>>
      %dma_wait3A_1037 = tpu.memref_squeeze %dma_wait3A_1036 : memref<1x400x64xf32, #tpu.memory_space<vmem>> -> memref<400x64xf32, #tpu.memory_space<vmem>>
      %dma_wait3A_1038 = tpu.memref_slice %arg10[%mul3A_1031] : memref<6400xi32, #tpu.memory_space<vmem>> -> memref<400xi32, #tpu.memory_space<vmem>>
      %dma_wait3A_1039 = arith.constant 0 : i32
      %dma_wait3A_1040 = arith.constant 0 : i32
      %dma_wait3A_1041 = tpu.memref_slice %arg3[%dma_wait3A_1039, %dma_wait3A_1040] : memref<100000x64xf32, #tpu.memory_space<hbm>> -> memref<100000x64xf32, #tpu.memory_space<hbm>>
      %dma_wait3A_1042 = tpu.memref_slice %arg12[%dma_wait3A_1033] : memref<2x!tpu.dma_semaphore, #tpu.memory_space<semaphore_mem>> -> memref<1x!tpu.dma_semaphore, #tpu.memory_space<semaphore_mem>>
      %dma_wait3A_1043 = tpu.memref_squeeze %dma_wait3A_1042 : memref<1x!tpu.dma_semaphore, #tpu.memory_space<semaphore_mem>> -> memref<!tpu.dma_semaphore, #tpu.memory_space<semaphore_mem>>
      tpu.wait_indirect_dma semaphore(%dma_wait3A_1043 : memref<!tpu.dma_semaphore, #tpu.memory_space<semaphore_mem>>) src(%dma_wait3A_1041 : memref<100000x64xf32, #tpu.memory_space<hbm>>) dst(%dma_wait3A_1037 : memref<400x64xf32, #tpu.memory_space<vmem>>)
      %add3A_1044 = arith.constant 0 : i32
      %add3A_1045 = arith.addi %add3A_1027, %add3A_1044 : i32
      %mul3A_1046 = arith.constant 8 : i32
      %mul3A_1047 = arith.muli %add3A_1045, %mul3A_1046 : i32
      %add3A_1048 = arith.addi %mul3A_2, %mul3A_1047 : i32
      %add3A_1049 = arith.constant 0 : i32
      %add3A_1050 = arith.addi %add3A_1048, %add3A_1049 : i32
      %dma_start3A_1051 = arith.constant 0 : i32
      %dma_start3A_1052 = arith.constant 0 : i32
      %dma_start3A_1053 = arith.constant 0 : i32
      %dma_start3A_1054 = arith.constant 0 : i32
      %dma_start3A_1055 = tpu.memref_slice %arg11[%dma_start3A_1051, %dma_start3A_1053, %dma_start3A_1054] : memref<2x400x64xf32, #tpu.memory_space<vmem>> -> memref<1x400x64xf32, #tpu.memory_space<vmem>>
      %dma_start3A_1056 = tpu.memref_squeeze %dma_start3A_1055 : memref<1x400x64xf32, #tpu.memory_space<vmem>> -> memref<400x64xf32, #tpu.memory_space<vmem>>
      %dma_start3A_1057 = arith.constant 0 : i32
      %dma_start3A_1058 = arith.constant 0 : i32
      %dma_start3A_1059 = tpu.memref_slice %dma_start3A_1056[%dma_start3A_1057, %dma_start3A_1058] : memref<400x64xf32, #tpu.memory_space<vmem>> -> memref<50x64xf32, #tpu.memory_space<vmem>>
      %dma_start3A_1060 = arith.constant 0 : i32
      %dma_start3A_1061 = arith.constant 0 : i32
      %dma_start3A_1062 = tpu.memref_slice %arg7[%add3A_1050, %dma_start3A_1060, %dma_start3A_1061] : memref<4096x56x128xf32, #tpu.memory_space<hbm>> -> memref<1x50x64xf32, #tpu.memory_space<hbm>>
      %dma_start3A_1063 = tpu.memref_squeeze %dma_start3A_1062 : memref<1x50x64xf32, #tpu.memory_space<hbm>> -> memref<50x64xf32, #tpu.memory_space<hbm>>
      %dma_start3A_1064 = tpu.memref_slice %arg13[%dma_start3A_1052] : memref<2x!tpu.dma_semaphore, #tpu.memory_space<semaphore_mem>> -> memref<1x!tpu.dma_semaphore, #tpu.memory_space<semaphore_mem>>
      %dma_start3A_1065 = tpu.memref_squeeze %dma_start3A_1064 : memref<1x!tpu.dma_semaphore, #tpu.memory_space<semaphore_mem>> -> memref<!tpu.dma_semaphore, #tpu.memory_space<semaphore_mem>>
      %dma_start3A_1066 = arith.constant 0 : i32
      %dma_start3A_1067 = arith.constant 0 : i32
      %dma_start3A_1068 = tpu.memref_slice %arg7[%add3A_1050, %dma_start3A_1066, %dma_start3A_1067] : memref<4096x56x128xf32, #tpu.memory_space<hbm>> -> memref<1x50x64xf32, #tpu.memory_space<hbm>>
      %dma_start3A_1069 = tpu.memref_squeeze %dma_start3A_1068 : memref<1x50x64xf32, #tpu.memory_space<hbm>> -> memref<50x64xf32, #tpu.memory_space<hbm>>
      %dma_start3A_1070 = arith.constant 0 : i32
      %dma_start3A_1071 = arith.constant 0 : i32
      %dma_start3A_1072 = tpu.memref_slice %arg11[%dma_start3A_1051, %dma_start3A_1070, %dma_start3A_1071] : memref<2x400x64xf32, #tpu.memory_space<vmem>> -> memref<1x400x64xf32, #tpu.memory_space<vmem>>
      %dma_start3A_1073 = tpu.memref_squeeze %dma_start3A_1072 : memref<1x400x64xf32, #tpu.memory_space<vmem>> -> memref<400x64xf32, #tpu.memory_space<vmem>>
      %dma_start3A_1074 = arith.constant 0 : i32
      %dma_start3A_1075 = arith.constant 0 : i32
      %dma_start3A_1076 = tpu.memref_slice %dma_start3A_1073[%dma_start3A_1074, %dma_start3A_1075] : memref<400x64xf32, #tpu.memory_space<vmem>> -> memref<50x64xf32, #tpu.memory_space<vmem>>
      tpu.enqueue_dma source(%dma_start3A_1076 : memref<50x64xf32, #tpu.memory_space<vmem>>) target(%dma_start3A_1069 : memref<50x64xf32, #tpu.memory_space<hbm>>) target_semaphore(%dma_start3A_1065 : memref<!tpu.dma_semaphore, #tpu.memory_space<semaphore_mem>>)
      %mul3A_1077 = arith.constant 8 : i32
      %mul3A_1078 = arith.muli %add3A_1045, %mul3A_1077 : i32
      %add3A_1079 = arith.addi %mul3A_2, %mul3A_1078 : i32
      %add3A_1080 = arith.constant 1 : i32
      %add3A_1081 = arith.addi %add3A_1079, %add3A_1080 : i32
      %dma_start3A_1082 = arith.constant 0 : i32
      %dma_start3A_1083 = arith.constant 0 : i32
      %dma_start3A_1084 = arith.constant 0 : i32
      %dma_start3A_1085 = arith.constant 0 : i32
      %dma_start3A_1086 = tpu.memref_slice %arg11[%dma_start3A_1082, %dma_start3A_1084, %dma_start3A_1085] : memref<2x400x64xf32, #tpu.memory_space<vmem>> -> memref<1x400x64xf32, #tpu.memory_space<vmem>>
      %dma_start3A_1087 = tpu.memref_squeeze %dma_start3A_1086 : memref<1x400x64xf32, #tpu.memory_space<vmem>> -> memref<400x64xf32, #tpu.memory_space<vmem>>
      %dma_start3A_1088 = arith.constant 50 : i32
      %dma_start3A_1089 = arith.constant 0 : i32
      %dma_start3A_1090 = tpu.memref_slice %dma_start3A_1087[%dma_start3A_1088, %dma_start3A_1089] : memref<400x64xf32, #tpu.memory_space<vmem>> -> memref<50x64xf32, #tpu.memory_space<vmem>>
      %dma_start3A_1091 = arith.constant 0 : i32
      %dma_start3A_1092 = arith.constant 0 : i32
      %dma_start3A_1093 = tpu.memref_slice %arg7[%add3A_1081, %dma_start3A_1091, %dma_start3A_1092] : memref<4096x56x128xf32, #tpu.memory_space<hbm>> -> memref<1x50x64xf32, #tpu.memory_space<hbm>>
      %dma_start3A_1094 = tpu.memref_squeeze %dma_start3A_1093 : memref<1x50x64xf32, #tpu.memory_space<hbm>> -> memref<50x64xf32, #tpu.memory_space<hbm>>
      %dma_start3A_1095 = tpu.memref_slice %arg13[%dma_start3A_1083] : memref<2x!tpu.dma_semaphore, #tpu.memory_space<semaphore_mem>> -> memref<1x!tpu.dma_semaphore, #tpu.memory_space<semaphore_mem>>
      %dma_start3A_1096 = tpu.memref_squeeze %dma_start3A_1095 : memref<1x!tpu.dma_semaphore, #tpu.memory_space<semaphore_mem>> -> memref<!tpu.dma_semaphore, #tpu.memory_space<semaphore_mem>>
      %dma_start3A_1097 = arith.constant 0 : i32
      %dma_start3A_1098 = arith.constant 0 : i32
      %dma_start3A_1099 = tpu.memref_slice %arg7[%add3A_1081, %dma_start3A_1097, %dma_start3A_1098] : memref<4096x56x128xf32, #tpu.memory_space<hbm>> -> memref<1x50x64xf32, #tpu.memory_space<hbm>>
      %dma_start3A_1100 = tpu.memref_squeeze %dma_start3A_1099 : memref<1x50x64xf32, #tpu.memory_space<hbm>> -> memref<50x64xf32, #tpu.memory_space<hbm>>
      %dma_start3A_1101 = arith.constant 0 : i32
      %dma_start3A_1102 = arith.constant 0 : i32
      %dma_start3A_1103 = tpu.memref_slice %arg11[%dma_start3A_1082, %dma_start3A_1101, %dma_start3A_1102] : memref<2x400x64xf32, #tpu.memory_space<vmem>> -> memref<1x400x64xf32, #tpu.memory_space<vmem>>
      %dma_start3A_1104 = tpu.memref_squeeze %dma_start3A_1103 : memref<1x400x64xf32, #tpu.memory_space<vmem>> -> memref<400x64xf32, #tpu.memory_space<vmem>>
      %dma_start3A_1105 = arith.constant 50 : i32
      %dma_start3A_1106 = arith.constant 0 : i32
      %dma_start3A_1107 = tpu.memref_slice %dma_start3A_1104[%dma_start3A_1105, %dma_start3A_1106] : memref<400x64xf32, #tpu.memory_space<vmem>> -> memref<50x64xf32, #tpu.memory_space<vmem>>
      tpu.enqueue_dma source(%dma_start3A_1107 : memref<50x64xf32, #tpu.memory_space<vmem>>) target(%dma_start3A_1100 : memref<50x64xf32, #tpu.memory_space<hbm>>) target_semaphore(%dma_start3A_1096 : memref<!tpu.dma_semaphore, #tpu.memory_space<semaphore_mem>>)
      %mul3A_1108 = arith.constant 8 : i32
      %mul3A_1109 = arith.muli %add3A_1045, %mul3A_1108 : i32
      %add3A_1110 = arith.addi %mul3A_2, %mul3A_1109 : i32
      %add3A_1111 = arith.constant 2 : i32
      %add3A_1112 = arith.addi %add3A_1110, %add3A_1111 : i32
      %dma_start3A_1113 = arith.constant 0 : i32
      %dma_start3A_1114 = arith.constant 0 : i32
      %dma_start3A_1115 = arith.constant 0 : i32
      %dma_start3A_1116 = arith.constant 0 : i32
      %dma_start3A_1117 = tpu.memref_slice %arg11[%dma_start3A_1113, %dma_start3A_1115, %dma_start3A_1116] : memref<2x400x64xf32, #tpu.memory_space<vmem>> -> memref<1x400x64xf32, #tpu.memory_space<vmem>>
      %dma_start3A_1118 = tpu.memref_squeeze %dma_start3A_1117 : memref<1x400x64xf32, #tpu.memory_space<vmem>> -> memref<400x64xf32, #tpu.memory_space<vmem>>
      %dma_start3A_1119 = arith.constant 100 : i32
      %dma_start3A_1120 = arith.constant 0 : i32
      %dma_start3A_1121 = tpu.memref_slice %dma_start3A_1118[%dma_start3A_1119, %dma_start3A_1120] : memref<400x64xf32, #tpu.memory_space<vmem>> -> memref<50x64xf32, #tpu.memory_space<vmem>>
      %dma_start3A_1122 = arith.constant 0 : i32
      %dma_start3A_1123 = arith.constant 0 : i32
      %dma_start3A_1124 = tpu.memref_slice %arg7[%add3A_1112, %dma_start3A_1122, %dma_start3A_1123] : memref<4096x56x128xf32, #tpu.memory_space<hbm>> -> memref<1x50x64xf32, #tpu.memory_space<hbm>>
      %dma_start3A_1125 = tpu.memref_squeeze %dma_start3A_1124 : memref<1x50x64xf32, #tpu.memory_space<hbm>> -> memref<50x64xf32, #tpu.memory_space<hbm>>
      %dma_start3A_1126 = tpu.memref_slice %arg13[%dma_start3A_1114] : memref<2x!tpu.dma_semaphore, #tpu.memory_space<semaphore_mem>> -> memref<1x!tpu.dma_semaphore, #tpu.memory_space<semaphore_mem>>
      %dma_start3A_1127 = tpu.memref_squeeze %dma_start3A_1126 : memref<1x!tpu.dma_semaphore, #tpu.memory_space<semaphore_mem>> -> memref<!tpu.dma_semaphore, #tpu.memory_space<semaphore_mem>>
      %dma_start3A_1128 = arith.constant 0 : i32
      %dma_start3A_1129 = arith.constant 0 : i32
      %dma_start3A_1130 = tpu.memref_slice %arg7[%add3A_1112, %dma_start3A_1128, %dma_start3A_1129] : memref<4096x56x128xf32, #tpu.memory_space<hbm>> -> memref<1x50x64xf32, #tpu.memory_space<hbm>>
      %dma_start3A_1131 = tpu.memref_squeeze %dma_start3A_1130 : memref<1x50x64xf32, #tpu.memory_space<hbm>> -> memref<50x64xf32, #tpu.memory_space<hbm>>
      %dma_start3A_1132 = arith.constant 0 : i32
      %dma_start3A_1133 = arith.constant 0 : i32
      %dma_start3A_1134 = tpu.memref_slice %arg11[%dma_start3A_1113, %dma_start3A_1132, %dma_start3A_1133] : memref<2x400x64xf32, #tpu.memory_space<vmem>> -> memref<1x400x64xf32, #tpu.memory_space<vmem>>
      %dma_start3A_1135 = tpu.memref_squeeze %dma_start3A_1134 : memref<1x400x64xf32, #tpu.memory_space<vmem>> -> memref<400x64xf32, #tpu.memory_space<vmem>>
      %dma_start3A_1136 = arith.constant 100 : i32
      %dma_start3A_1137 = arith.constant 0 : i32
      %dma_start3A_1138 = tpu.memref_slice %dma_start3A_1135[%dma_start3A_1136, %dma_start3A_1137] : memref<400x64xf32, #tpu.memory_space<vmem>> -> memref<50x64xf32, #tpu.memory_space<vmem>>
      tpu.enqueue_dma source(%dma_start3A_1138 : memref<50x64xf32, #tpu.memory_space<vmem>>) target(%dma_start3A_1131 : memref<50x64xf32, #tpu.memory_space<hbm>>) target_semaphore(%dma_start3A_1127 : memref<!tpu.dma_semaphore, #tpu.memory_space<semaphore_mem>>)
      %mul3A_1139 = arith.constant 8 : i32
      %mul3A_1140 = arith.muli %add3A_1045, %mul3A_1139 : i32
      %add3A_1141 = arith.addi %mul3A_2, %mul3A_1140 : i32
      %add3A_1142 = arith.constant 3 : i32
      %add3A_1143 = arith.addi %add3A_1141, %add3A_1142 : i32
      %dma_start3A_1144 = arith.constant 0 : i32
      %dma_start3A_1145 = arith.constant 0 : i32
      %dma_start3A_1146 = arith.constant 0 : i32
      %dma_start3A_1147 = arith.constant 0 : i32
      %dma_start3A_1148 = tpu.memref_slice %arg11[%dma_start3A_1144, %dma_start3A_1146, %dma_start3A_1147] : memref<2x400x64xf32, #tpu.memory_space<vmem>> -> memref<1x400x64xf32, #tpu.memory_space<vmem>>
      %dma_start3A_1149 = tpu.memref_squeeze %dma_start3A_1148 : memref<1x400x64xf32, #tpu.memory_space<vmem>> -> memref<400x64xf32, #tpu.memory_space<vmem>>
      %dma_start3A_1150 = arith.constant 150 : i32
      %dma_start3A_1151 = arith.constant 0 : i32
      %dma_start3A_1152 = tpu.memref_slice %dma_start3A_1149[%dma_start3A_1150, %dma_start3A_1151] : memref<400x64xf32, #tpu.memory_space<vmem>> -> memref<50x64xf32, #tpu.memory_space<vmem>>
      %dma_start3A_1153 = arith.constant 0 : i32
      %dma_start3A_1154 = arith.constant 0 : i32
      %dma_start3A_1155 = tpu.memref_slice %arg7[%add3A_1143, %dma_start3A_1153, %dma_start3A_1154] : memref<4096x56x128xf32, #tpu.memory_space<hbm>> -> memref<1x50x64xf32, #tpu.memory_space<hbm>>
      %dma_start3A_1156 = tpu.memref_squeeze %dma_start3A_1155 : memref<1x50x64xf32, #tpu.memory_space<hbm>> -> memref<50x64xf32, #tpu.memory_space<hbm>>
      %dma_start3A_1157 = tpu.memref_slice %arg13[%dma_start3A_1145] : memref<2x!tpu.dma_semaphore, #tpu.memory_space<semaphore_mem>> -> memref<1x!tpu.dma_semaphore, #tpu.memory_space<semaphore_mem>>
      %dma_start3A_1158 = tpu.memref_squeeze %dma_start3A_1157 : memref<1x!tpu.dma_semaphore, #tpu.memory_space<semaphore_mem>> -> memref<!tpu.dma_semaphore, #tpu.memory_space<semaphore_mem>>
      %dma_start3A_1159 = arith.constant 0 : i32
      %dma_start3A_1160 = arith.constant 0 : i32
      %dma_start3A_1161 = tpu.memref_slice %arg7[%add3A_1143, %dma_start3A_1159, %dma_start3A_1160] : memref<4096x56x128xf32, #tpu.memory_space<hbm>> -> memref<1x50x64xf32, #tpu.memory_space<hbm>>
      %dma_start3A_1162 = tpu.memref_squeeze %dma_start3A_1161 : memref<1x50x64xf32, #tpu.memory_space<hbm>> -> memref<50x64xf32, #tpu.memory_space<hbm>>
      %dma_start3A_1163 = arith.constant 0 : i32
      %dma_start3A_1164 = arith.constant 0 : i32
      %dma_start3A_1165 = tpu.memref_slice %arg11[%dma_start3A_1144, %dma_start3A_1163, %dma_start3A_1164] : memref<2x400x64xf32, #tpu.memory_space<vmem>> -> memref<1x400x64xf32, #tpu.memory_space<vmem>>
      %dma_start3A_1166 = tpu.memref_squeeze %dma_start3A_1165 : memref<1x400x64xf32, #tpu.memory_space<vmem>> -> memref<400x64xf32, #tpu.memory_space<vmem>>
      %dma_start3A_1167 = arith.constant 150 : i32
      %dma_start3A_1168 = arith.constant 0 : i32
      %dma_start3A_1169 = tpu.memref_slice %dma_start3A_1166[%dma_start3A_1167, %dma_start3A_1168] : memref<400x64xf32, #tpu.memory_space<vmem>> -> memref<50x64xf32, #tpu.memory_space<vmem>>
      tpu.enqueue_dma source(%dma_start3A_1169 : memref<50x64xf32, #tpu.memory_space<vmem>>) target(%dma_start3A_1162 : memref<50x64xf32, #tpu.memory_space<hbm>>) target_semaphore(%dma_start3A_1158 : memref<!tpu.dma_semaphore, #tpu.memory_space<semaphore_mem>>)
      %mul3A_1170 = arith.constant 8 : i32
      %mul3A_1171 = arith.muli %add3A_1045, %mul3A_1170 : i32
      %add3A_1172 = arith.addi %mul3A_2, %mul3A_1171 : i32
      %add3A_1173 = arith.constant 4 : i32
      %add3A_1174 = arith.addi %add3A_1172, %add3A_1173 : i32
      %dma_start3A_1175 = arith.constant 0 : i32
      %dma_start3A_1176 = arith.constant 0 : i32
      %dma_start3A_1177 = arith.constant 0 : i32
      %dma_start3A_1178 = arith.constant 0 : i32
      %dma_start3A_1179 = tpu.memref_slice %arg11[%dma_start3A_1175, %dma_start3A_1177, %dma_start3A_1178] : memref<2x400x64xf32, #tpu.memory_space<vmem>> -> memref<1x400x64xf32, #tpu.memory_space<vmem>>
      %dma_start3A_1180 = tpu.memref_squeeze %dma_start3A_1179 : memref<1x400x64xf32, #tpu.memory_space<vmem>> -> memref<400x64xf32, #tpu.memory_space<vmem>>
      %dma_start3A_1181 = arith.constant 200 : i32
      %dma_start3A_1182 = arith.constant 0 : i32
      %dma_start3A_1183 = tpu.memref_slice %dma_start3A_1180[%dma_start3A_1181, %dma_start3A_1182] : memref<400x64xf32, #tpu.memory_space<vmem>> -> memref<50x64xf32, #tpu.memory_space<vmem>>
      %dma_start3A_1184 = arith.constant 0 : i32
      %dma_start3A_1185 = arith.constant 0 : i32
      %dma_start3A_1186 = tpu.memref_slice %arg7[%add3A_1174, %dma_start3A_1184, %dma_start3A_1185] : memref<4096x56x128xf32, #tpu.memory_space<hbm>> -> memref<1x50x64xf32, #tpu.memory_space<hbm>>
      %dma_start3A_1187 = tpu.memref_squeeze %dma_start3A_1186 : memref<1x50x64xf32, #tpu.memory_space<hbm>> -> memref<50x64xf32, #tpu.memory_space<hbm>>
      %dma_start3A_1188 = tpu.memref_slice %arg13[%dma_start3A_1176] : memref<2x!tpu.dma_semaphore, #tpu.memory_space<semaphore_mem>> -> memref<1x!tpu.dma_semaphore, #tpu.memory_space<semaphore_mem>>
      %dma_start3A_1189 = tpu.memref_squeeze %dma_start3A_1188 : memref<1x!tpu.dma_semaphore, #tpu.memory_space<semaphore_mem>> -> memref<!tpu.dma_semaphore, #tpu.memory_space<semaphore_mem>>
      %dma_start3A_1190 = arith.constant 0 : i32
      %dma_start3A_1191 = arith.constant 0 : i32
      %dma_start3A_1192 = tpu.memref_slice %arg7[%add3A_1174, %dma_start3A_1190, %dma_start3A_1191] : memref<4096x56x128xf32, #tpu.memory_space<hbm>> -> memref<1x50x64xf32, #tpu.memory_space<hbm>>
      %dma_start3A_1193 = tpu.memref_squeeze %dma_start3A_1192 : memref<1x50x64xf32, #tpu.memory_space<hbm>> -> memref<50x64xf32, #tpu.memory_space<hbm>>
      %dma_start3A_1194 = arith.constant 0 : i32
      %dma_start3A_1195 = arith.constant 0 : i32
      %dma_start3A_1196 = tpu.memref_slice %arg11[%dma_start3A_1175, %dma_start3A_1194, %dma_start3A_1195] : memref<2x400x64xf32, #tpu.memory_space<vmem>> -> memref<1x400x64xf32, #tpu.memory_space<vmem>>
      %dma_start3A_1197 = tpu.memref_squeeze %dma_start3A_1196 : memref<1x400x64xf32, #tpu.memory_space<vmem>> -> memref<400x64xf32, #tpu.memory_space<vmem>>
      %dma_start3A_1198 = arith.constant 200 : i32
      %dma_start3A_1199 = arith.constant 0 : i32
      %dma_start3A_1200 = tpu.memref_slice %dma_start3A_1197[%dma_start3A_1198, %dma_start3A_1199] : memref<400x64xf32, #tpu.memory_space<vmem>> -> memref<50x64xf32, #tpu.memory_space<vmem>>
      tpu.enqueue_dma source(%dma_start3A_1200 : memref<50x64xf32, #tpu.memory_space<vmem>>) target(%dma_start3A_1193 : memref<50x64xf32, #tpu.memory_space<hbm>>) target_semaphore(%dma_start3A_1189 : memref<!tpu.dma_semaphore, #tpu.memory_space<semaphore_mem>>)
      %mul3A_1201 = arith.constant 8 : i32
      %mul3A_1202 = arith.muli %add3A_1045, %mul3A_1201 : i32
      %add3A_1203 = arith.addi %mul3A_2, %mul3A_1202 : i32
      %add3A_1204 = arith.constant 5 : i32
      %add3A_1205 = arith.addi %add3A_1203, %add3A_1204 : i32
      %dma_start3A_1206 = arith.constant 0 : i32
      %dma_start3A_1207 = arith.constant 0 : i32
      %dma_start3A_1208 = arith.constant 0 : i32
      %dma_start3A_1209 = arith.constant 0 : i32
      %dma_start3A_1210 = tpu.memref_slice %arg11[%dma_start3A_1206, %dma_start3A_1208, %dma_start3A_1209] : memref<2x400x64xf32, #tpu.memory_space<vmem>> -> memref<1x400x64xf32, #tpu.memory_space<vmem>>
      %dma_start3A_1211 = tpu.memref_squeeze %dma_start3A_1210 : memref<1x400x64xf32, #tpu.memory_space<vmem>> -> memref<400x64xf32, #tpu.memory_space<vmem>>
      %dma_start3A_1212 = arith.constant 250 : i32
      %dma_start3A_1213 = arith.constant 0 : i32
      %dma_start3A_1214 = tpu.memref_slice %dma_start3A_1211[%dma_start3A_1212, %dma_start3A_1213] : memref<400x64xf32, #tpu.memory_space<vmem>> -> memref<50x64xf32, #tpu.memory_space<vmem>>
      %dma_start3A_1215 = arith.constant 0 : i32
      %dma_start3A_1216 = arith.constant 0 : i32
      %dma_start3A_1217 = tpu.memref_slice %arg7[%add3A_1205, %dma_start3A_1215, %dma_start3A_1216] : memref<4096x56x128xf32, #tpu.memory_space<hbm>> -> memref<1x50x64xf32, #tpu.memory_space<hbm>>
      %dma_start3A_1218 = tpu.memref_squeeze %dma_start3A_1217 : memref<1x50x64xf32, #tpu.memory_space<hbm>> -> memref<50x64xf32, #tpu.memory_space<hbm>>
      %dma_start3A_1219 = tpu.memref_slice %arg13[%dma_start3A_1207] : memref<2x!tpu.dma_semaphore, #tpu.memory_space<semaphore_mem>> -> memref<1x!tpu.dma_semaphore, #tpu.memory_space<semaphore_mem>>
      %dma_start3A_1220 = tpu.memref_squeeze %dma_start3A_1219 : memref<1x!tpu.dma_semaphore, #tpu.memory_space<semaphore_mem>> -> memref<!tpu.dma_semaphore, #tpu.memory_space<semaphore_mem>>
      %dma_start3A_1221 = arith.constant 0 : i32
      %dma_start3A_1222 = arith.constant 0 : i32
      %dma_start3A_1223 = tpu.memref_slice %arg7[%add3A_1205, %dma_start3A_1221, %dma_start3A_1222] : memref<4096x56x128xf32, #tpu.memory_space<hbm>> -> memref<1x50x64xf32, #tpu.memory_space<hbm>>
      %dma_start3A_1224 = tpu.memref_squeeze %dma_start3A_1223 : memref<1x50x64xf32, #tpu.memory_space<hbm>> -> memref<50x64xf32, #tpu.memory_space<hbm>>
      %dma_start3A_1225 = arith.constant 0 : i32
      %dma_start3A_1226 = arith.constant 0 : i32
      %dma_start3A_1227 = tpu.memref_slice %arg11[%dma_start3A_1206, %dma_start3A_1225, %dma_start3A_1226] : memref<2x400x64xf32, #tpu.memory_space<vmem>> -> memref<1x400x64xf32, #tpu.memory_space<vmem>>
      %dma_start3A_1228 = tpu.memref_squeeze %dma_start3A_1227 : memref<1x400x64xf32, #tpu.memory_space<vmem>> -> memref<400x64xf32, #tpu.memory_space<vmem>>
      %dma_start3A_1229 = arith.constant 250 : i32
      %dma_start3A_1230 = arith.constant 0 : i32
      %dma_start3A_1231 = tpu.memref_slice %dma_start3A_1228[%dma_start3A_1229, %dma_start3A_1230] : memref<400x64xf32, #tpu.memory_space<vmem>> -> memref<50x64xf32, #tpu.memory_space<vmem>>
      tpu.enqueue_dma source(%dma_start3A_1231 : memref<50x64xf32, #tpu.memory_space<vmem>>) target(%dma_start3A_1224 : memref<50x64xf32, #tpu.memory_space<hbm>>) target_semaphore(%dma_start3A_1220 : memref<!tpu.dma_semaphore, #tpu.memory_space<semaphore_mem>>)
      %mul3A_1232 = arith.constant 8 : i32
      %mul3A_1233 = arith.muli %add3A_1045, %mul3A_1232 : i32
      %add3A_1234 = arith.addi %mul3A_2, %mul3A_1233 : i32
      %add3A_1235 = arith.constant 6 : i32
      %add3A_1236 = arith.addi %add3A_1234, %add3A_1235 : i32
      %dma_start3A_1237 = arith.constant 0 : i32
      %dma_start3A_1238 = arith.constant 0 : i32
      %dma_start3A_1239 = arith.constant 0 : i32
      %dma_start3A_1240 = arith.constant 0 : i32
      %dma_start3A_1241 = tpu.memref_slice %arg11[%dma_start3A_1237, %dma_start3A_1239, %dma_start3A_1240] : memref<2x400x64xf32, #tpu.memory_space<vmem>> -> memref<1x400x64xf32, #tpu.memory_space<vmem>>
      %dma_start3A_1242 = tpu.memref_squeeze %dma_start3A_1241 : memref<1x400x64xf32, #tpu.memory_space<vmem>> -> memref<400x64xf32, #tpu.memory_space<vmem>>
      %dma_start3A_1243 = arith.constant 300 : i32
      %dma_start3A_1244 = arith.constant 0 : i32
      %dma_start3A_1245 = tpu.memref_slice %dma_start3A_1242[%dma_start3A_1243, %dma_start3A_1244] : memref<400x64xf32, #tpu.memory_space<vmem>> -> memref<50x64xf32, #tpu.memory_space<vmem>>
      %dma_start3A_1246 = arith.constant 0 : i32
      %dma_start3A_1247 = arith.constant 0 : i32
      %dma_start3A_1248 = tpu.memref_slice %arg7[%add3A_1236, %dma_start3A_1246, %dma_start3A_1247] : memref<4096x56x128xf32, #tpu.memory_space<hbm>> -> memref<1x50x64xf32, #tpu.memory_space<hbm>>
      %dma_start3A_1249 = tpu.memref_squeeze %dma_start3A_1248 : memref<1x50x64xf32, #tpu.memory_space<hbm>> -> memref<50x64xf32, #tpu.memory_space<hbm>>
      %dma_start3A_1250 = tpu.memref_slice %arg13[%dma_start3A_1238] : memref<2x!tpu.dma_semaphore, #tpu.memory_space<semaphore_mem>> -> memref<1x!tpu.dma_semaphore, #tpu.memory_space<semaphore_mem>>
      %dma_start3A_1251 = tpu.memref_squeeze %dma_start3A_1250 : memref<1x!tpu.dma_semaphore, #tpu.memory_space<semaphore_mem>> -> memref<!tpu.dma_semaphore, #tpu.memory_space<semaphore_mem>>
      %dma_start3A_1252 = arith.constant 0 : i32
      %dma_start3A_1253 = arith.constant 0 : i32
      %dma_start3A_1254 = tpu.memref_slice %arg7[%add3A_1236, %dma_start3A_1252, %dma_start3A_1253] : memref<4096x56x128xf32, #tpu.memory_space<hbm>> -> memref<1x50x64xf32, #tpu.memory_space<hbm>>
      %dma_start3A_1255 = tpu.memref_squeeze %dma_start3A_1254 : memref<1x50x64xf32, #tpu.memory_space<hbm>> -> memref<50x64xf32, #tpu.memory_space<hbm>>
      %dma_start3A_1256 = arith.constant 0 : i32
      %dma_start3A_1257 = arith.constant 0 : i32
      %dma_start3A_1258 = tpu.memref_slice %arg11[%dma_start3A_1237, %dma_start3A_1256, %dma_start3A_1257] : memref<2x400x64xf32, #tpu.memory_space<vmem>> -> memref<1x400x64xf32, #tpu.memory_space<vmem>>
      %dma_start3A_1259 = tpu.memref_squeeze %dma_start3A_1258 : memref<1x400x64xf32, #tpu.memory_space<vmem>> -> memref<400x64xf32, #tpu.memory_space<vmem>>
      %dma_start3A_1260 = arith.constant 300 : i32
      %dma_start3A_1261 = arith.constant 0 : i32
      %dma_start3A_1262 = tpu.memref_slice %dma_start3A_1259[%dma_start3A_1260, %dma_start3A_1261] : memref<400x64xf32, #tpu.memory_space<vmem>> -> memref<50x64xf32, #tpu.memory_space<vmem>>
      tpu.enqueue_dma source(%dma_start3A_1262 : memref<50x64xf32, #tpu.memory_space<vmem>>) target(%dma_start3A_1255 : memref<50x64xf32, #tpu.memory_space<hbm>>) target_semaphore(%dma_start3A_1251 : memref<!tpu.dma_semaphore, #tpu.memory_space<semaphore_mem>>)
      %mul3A_1263 = arith.constant 8 : i32
      %mul3A_1264 = arith.muli %add3A_1045, %mul3A_1263 : i32
      %add3A_1265 = arith.addi %mul3A_2, %mul3A_1264 : i32
      %add3A_1266 = arith.constant 7 : i32
      %add3A_1267 = arith.addi %add3A_1265, %add3A_1266 : i32
      %dma_start3A_1268 = arith.constant 0 : i32
      %dma_start3A_1269 = arith.constant 0 : i32
      %dma_start3A_1270 = arith.constant 0 : i32
      %dma_start3A_1271 = arith.constant 0 : i32
      %dma_start3A_1272 = tpu.memref_slice %arg11[%dma_start3A_1268, %dma_start3A_1270, %dma_start3A_1271] : memref<2x400x64xf32, #tpu.memory_space<vmem>> -> memref<1x400x64xf32, #tpu.memory_space<vmem>>
      %dma_start3A_1273 = tpu.memref_squeeze %dma_start3A_1272 : memref<1x400x64xf32, #tpu.memory_space<vmem>> -> memref<400x64xf32, #tpu.memory_space<vmem>>
      %dma_start3A_1274 = arith.constant 350 : i32
      %dma_start3A_1275 = arith.constant 0 : i32
      %dma_start3A_1276 = tpu.memref_slice %dma_start3A_1273[%dma_start3A_1274, %dma_start3A_1275] : memref<400x64xf32, #tpu.memory_space<vmem>> -> memref<50x64xf32, #tpu.memory_space<vmem>>
      %dma_start3A_1277 = arith.constant 0 : i32
      %dma_start3A_1278 = arith.constant 0 : i32
      %dma_start3A_1279 = tpu.memref_slice %arg7[%add3A_1267, %dma_start3A_1277, %dma_start3A_1278] : memref<4096x56x128xf32, #tpu.memory_space<hbm>> -> memref<1x50x64xf32, #tpu.memory_space<hbm>>
      %dma_start3A_1280 = tpu.memref_squeeze %dma_start3A_1279 : memref<1x50x64xf32, #tpu.memory_space<hbm>> -> memref<50x64xf32, #tpu.memory_space<hbm>>
      %dma_start3A_1281 = tpu.memref_slice %arg13[%dma_start3A_1269] : memref<2x!tpu.dma_semaphore, #tpu.memory_space<semaphore_mem>> -> memref<1x!tpu.dma_semaphore, #tpu.memory_space<semaphore_mem>>
      %dma_start3A_1282 = tpu.memref_squeeze %dma_start3A_1281 : memref<1x!tpu.dma_semaphore, #tpu.memory_space<semaphore_mem>> -> memref<!tpu.dma_semaphore, #tpu.memory_space<semaphore_mem>>
      %dma_start3A_1283 = arith.constant 0 : i32
      %dma_start3A_1284 = arith.constant 0 : i32
      %dma_start3A_1285 = tpu.memref_slice %arg7[%add3A_1267, %dma_start3A_1283, %dma_start3A_1284] : memref<4096x56x128xf32, #tpu.memory_space<hbm>> -> memref<1x50x64xf32, #tpu.memory_space<hbm>>
      %dma_start3A_1286 = tpu.memref_squeeze %dma_start3A_1285 : memref<1x50x64xf32, #tpu.memory_space<hbm>> -> memref<50x64xf32, #tpu.memory_space<hbm>>
      %dma_start3A_1287 = arith.constant 0 : i32
      %dma_start3A_1288 = arith.constant 0 : i32
      %dma_start3A_1289 = tpu.memref_slice %arg11[%dma_start3A_1268, %dma_start3A_1287, %dma_start3A_1288] : memref<2x400x64xf32, #tpu.memory_space<vmem>> -> memref<1x400x64xf32, #tpu.memory_space<vmem>>
      %dma_start3A_1290 = tpu.memref_squeeze %dma_start3A_1289 : memref<1x400x64xf32, #tpu.memory_space<vmem>> -> memref<400x64xf32, #tpu.memory_space<vmem>>
      %dma_start3A_1291 = arith.constant 350 : i32
      %dma_start3A_1292 = arith.constant 0 : i32
      %dma_start3A_1293 = tpu.memref_slice %dma_start3A_1290[%dma_start3A_1291, %dma_start3A_1292] : memref<400x64xf32, #tpu.memory_space<vmem>> -> memref<50x64xf32, #tpu.memory_space<vmem>>
      tpu.enqueue_dma source(%dma_start3A_1293 : memref<50x64xf32, #tpu.memory_space<vmem>>) target(%dma_start3A_1286 : memref<50x64xf32, #tpu.memory_space<hbm>>) target_semaphore(%dma_start3A_1282 : memref<!tpu.dma_semaphore, #tpu.memory_space<semaphore_mem>>)
      %add3A_1294 = arith.constant 1 : i32
      %add3A_1295 = arith.addi %add3A_1027, %add3A_1294 : i32
      %mul3A_1296 = arith.constant 400 : i32
      %mul3A_1297 = arith.muli %add3A_1295, %mul3A_1296 : i32
      %dma_wait3A_1298 = arith.constant 1 : i32
      %dma_wait3A_1299 = arith.constant 1 : i32
      %dma_wait3A_1300 = arith.constant 0 : i32
      %dma_wait3A_1301 = arith.constant 0 : i32
      %dma_wait3A_1302 = tpu.memref_slice %arg11[%dma_wait3A_1298, %dma_wait3A_1300, %dma_wait3A_1301] : memref<2x400x64xf32, #tpu.memory_space<vmem>> -> memref<1x400x64xf32, #tpu.memory_space<vmem>>
      %dma_wait3A_1303 = tpu.memref_squeeze %dma_wait3A_1302 : memref<1x400x64xf32, #tpu.memory_space<vmem>> -> memref<400x64xf32, #tpu.memory_space<vmem>>
      %dma_wait3A_1304 = tpu.memref_slice %arg10[%mul3A_1297] : memref<6400xi32, #tpu.memory_space<vmem>> -> memref<400xi32, #tpu.memory_space<vmem>>
      %dma_wait3A_1305 = arith.constant 0 : i32
      %dma_wait3A_1306 = arith.constant 0 : i32
      %dma_wait3A_1307 = tpu.memref_slice %arg3[%dma_wait3A_1305, %dma_wait3A_1306] : memref<100000x64xf32, #tpu.memory_space<hbm>> -> memref<100000x64xf32, #tpu.memory_space<hbm>>
      %dma_wait3A_1308 = tpu.memref_slice %arg12[%dma_wait3A_1299] : memref<2x!tpu.dma_semaphore, #tpu.memory_space<semaphore_mem>> -> memref<1x!tpu.dma_semaphore, #tpu.memory_space<semaphore_mem>>
      %dma_wait3A_1309 = tpu.memref_squeeze %dma_wait3A_1308 : memref<1x!tpu.dma_semaphore, #tpu.memory_space<semaphore_mem>> -> memref<!tpu.dma_semaphore, #tpu.memory_space<semaphore_mem>>
      tpu.wait_indirect_dma semaphore(%dma_wait3A_1309 : memref<!tpu.dma_semaphore, #tpu.memory_space<semaphore_mem>>) src(%dma_wait3A_1307 : memref<100000x64xf32, #tpu.memory_space<hbm>>) dst(%dma_wait3A_1303 : memref<400x64xf32, #tpu.memory_space<vmem>>)
      %add3A_1310 = arith.constant 1 : i32
      %add3A_1311 = arith.addi %add3A_1027, %add3A_1310 : i32
      %mul3A_1312 = arith.constant 8 : i32
      %mul3A_1313 = arith.muli %add3A_1311, %mul3A_1312 : i32
      %add3A_1314 = arith.addi %mul3A_2, %mul3A_1313 : i32
      %add3A_1315 = arith.constant 0 : i32
      %add3A_1316 = arith.addi %add3A_1314, %add3A_1315 : i32
      %dma_start3A_1317 = arith.constant 1 : i32
      %dma_start3A_1318 = arith.constant 1 : i32
      %dma_start3A_1319 = arith.constant 0 : i32
      %dma_start3A_1320 = arith.constant 0 : i32
      %dma_start3A_1321 = tpu.memref_slice %arg11[%dma_start3A_1317, %dma_start3A_1319, %dma_start3A_1320] : memref<2x400x64xf32, #tpu.memory_space<vmem>> -> memref<1x400x64xf32, #tpu.memory_space<vmem>>
      %dma_start3A_1322 = tpu.memref_squeeze %dma_start3A_1321 : memref<1x400x64xf32, #tpu.memory_space<vmem>> -> memref<400x64xf32, #tpu.memory_space<vmem>>
      %dma_start3A_1323 = arith.constant 0 : i32
      %dma_start3A_1324 = arith.constant 0 : i32
      %dma_start3A_1325 = tpu.memref_slice %dma_start3A_1322[%dma_start3A_1323, %dma_start3A_1324] : memref<400x64xf32, #tpu.memory_space<vmem>> -> memref<50x64xf32, #tpu.memory_space<vmem>>
      %dma_start3A_1326 = arith.constant 0 : i32
      %dma_start3A_1327 = arith.constant 0 : i32
      %dma_start3A_1328 = tpu.memref_slice %arg7[%add3A_1316, %dma_start3A_1326, %dma_start3A_1327] : memref<4096x56x128xf32, #tpu.memory_space<hbm>> -> memref<1x50x64xf32, #tpu.memory_space<hbm>>
      %dma_start3A_1329 = tpu.memref_squeeze %dma_start3A_1328 : memref<1x50x64xf32, #tpu.memory_space<hbm>> -> memref<50x64xf32, #tpu.memory_space<hbm>>
      %dma_start3A_1330 = tpu.memref_slice %arg13[%dma_start3A_1318] : memref<2x!tpu.dma_semaphore, #tpu.memory_space<semaphore_mem>> -> memref<1x!tpu.dma_semaphore, #tpu.memory_space<semaphore_mem>>
      %dma_start3A_1331 = tpu.memref_squeeze %dma_start3A_1330 : memref<1x!tpu.dma_semaphore, #tpu.memory_space<semaphore_mem>> -> memref<!tpu.dma_semaphore, #tpu.memory_space<semaphore_mem>>
      %dma_start3A_1332 = arith.constant 0 : i32
      %dma_start3A_1333 = arith.constant 0 : i32
      %dma_start3A_1334 = tpu.memref_slice %arg7[%add3A_1316, %dma_start3A_1332, %dma_start3A_1333] : memref<4096x56x128xf32, #tpu.memory_space<hbm>> -> memref<1x50x64xf32, #tpu.memory_space<hbm>>
      %dma_start3A_1335 = tpu.memref_squeeze %dma_start3A_1334 : memref<1x50x64xf32, #tpu.memory_space<hbm>> -> memref<50x64xf32, #tpu.memory_space<hbm>>
      %dma_start3A_1336 = arith.constant 0 : i32
      %dma_start3A_1337 = arith.constant 0 : i32
      %dma_start3A_1338 = tpu.memref_slice %arg11[%dma_start3A_1317, %dma_start3A_1336, %dma_start3A_1337] : memref<2x400x64xf32, #tpu.memory_space<vmem>> -> memref<1x400x64xf32, #tpu.memory_space<vmem>>
      %dma_start3A_1339 = tpu.memref_squeeze %dma_start3A_1338 : memref<1x400x64xf32, #tpu.memory_space<vmem>> -> memref<400x64xf32, #tpu.memory_space<vmem>>
      %dma_start3A_1340 = arith.constant 0 : i32
      %dma_start3A_1341 = arith.constant 0 : i32
      %dma_start3A_1342 = tpu.memref_slice %dma_start3A_1339[%dma_start3A_1340, %dma_start3A_1341] : memref<400x64xf32, #tpu.memory_space<vmem>> -> memref<50x64xf32, #tpu.memory_space<vmem>>
      tpu.enqueue_dma source(%dma_start3A_1342 : memref<50x64xf32, #tpu.memory_space<vmem>>) target(%dma_start3A_1335 : memref<50x64xf32, #tpu.memory_space<hbm>>) target_semaphore(%dma_start3A_1331 : memref<!tpu.dma_semaphore, #tpu.memory_space<semaphore_mem>>)
      %mul3A_1343 = arith.constant 8 : i32
      %mul3A_1344 = arith.muli %add3A_1311, %mul3A_1343 : i32
      %add3A_1345 = arith.addi %mul3A_2, %mul3A_1344 : i32
      %add3A_1346 = arith.constant 1 : i32
      %add3A_1347 = arith.addi %add3A_1345, %add3A_1346 : i32
      %dma_start3A_1348 = arith.constant 1 : i32
      %dma_start3A_1349 = arith.constant 1 : i32
      %dma_start3A_1350 = arith.constant 0 : i32
      %dma_start3A_1351 = arith.constant 0 : i32
      %dma_start3A_1352 = tpu.memref_slice %arg11[%dma_start3A_1348, %dma_start3A_1350, %dma_start3A_1351] : memref<2x400x64xf32, #tpu.memory_space<vmem>> -> memref<1x400x64xf32, #tpu.memory_space<vmem>>
      %dma_start3A_1353 = tpu.memref_squeeze %dma_start3A_1352 : memref<1x400x64xf32, #tpu.memory_space<vmem>> -> memref<400x64xf32, #tpu.memory_space<vmem>>
      %dma_start3A_1354 = arith.constant 50 : i32
      %dma_start3A_1355 = arith.constant 0 : i32
      %dma_start3A_1356 = tpu.memref_slice %dma_start3A_1353[%dma_start3A_1354, %dma_start3A_1355] : memref<400x64xf32, #tpu.memory_space<vmem>> -> memref<50x64xf32, #tpu.memory_space<vmem>>
      %dma_start3A_1357 = arith.constant 0 : i32
      %dma_start3A_1358 = arith.constant 0 : i32
      %dma_start3A_1359 = tpu.memref_slice %arg7[%add3A_1347, %dma_start3A_1357, %dma_start3A_1358] : memref<4096x56x128xf32, #tpu.memory_space<hbm>> -> memref<1x50x64xf32, #tpu.memory_space<hbm>>
      %dma_start3A_1360 = tpu.memref_squeeze %dma_start3A_1359 : memref<1x50x64xf32, #tpu.memory_space<hbm>> -> memref<50x64xf32, #tpu.memory_space<hbm>>
      %dma_start3A_1361 = tpu.memref_slice %arg13[%dma_start3A_1349] : memref<2x!tpu.dma_semaphore, #tpu.memory_space<semaphore_mem>> -> memref<1x!tpu.dma_semaphore, #tpu.memory_space<semaphore_mem>>
      %dma_start3A_1362 = tpu.memref_squeeze %dma_start3A_1361 : memref<1x!tpu.dma_semaphore, #tpu.memory_space<semaphore_mem>> -> memref<!tpu.dma_semaphore, #tpu.memory_space<semaphore_mem>>
      %dma_start3A_1363 = arith.constant 0 : i32
      %dma_start3A_1364 = arith.constant 0 : i32
      %dma_start3A_1365 = tpu.memref_slice %arg7[%add3A_1347, %dma_start3A_1363, %dma_start3A_1364] : memref<4096x56x128xf32, #tpu.memory_space<hbm>> -> memref<1x50x64xf32, #tpu.memory_space<hbm>>
      %dma_start3A_1366 = tpu.memref_squeeze %dma_start3A_1365 : memref<1x50x64xf32, #tpu.memory_space<hbm>> -> memref<50x64xf32, #tpu.memory_space<hbm>>
      %dma_start3A_1367 = arith.constant 0 : i32
      %dma_start3A_1368 = arith.constant 0 : i32
      %dma_start3A_1369 = tpu.memref_slice %arg11[%dma_start3A_1348, %dma_start3A_1367, %dma_start3A_1368] : memref<2x400x64xf32, #tpu.memory_space<vmem>> -> memref<1x400x64xf32, #tpu.memory_space<vmem>>
      %dma_start3A_1370 = tpu.memref_squeeze %dma_start3A_1369 : memref<1x400x64xf32, #tpu.memory_space<vmem>> -> memref<400x64xf32, #tpu.memory_space<vmem>>
      %dma_start3A_1371 = arith.constant 50 : i32
      %dma_start3A_1372 = arith.constant 0 : i32
      %dma_start3A_1373 = tpu.memref_slice %dma_start3A_1370[%dma_start3A_1371, %dma_start3A_1372] : memref<400x64xf32, #tpu.memory_space<vmem>> -> memref<50x64xf32, #tpu.memory_space<vmem>>
      tpu.enqueue_dma source(%dma_start3A_1373 : memref<50x64xf32, #tpu.memory_space<vmem>>) target(%dma_start3A_1366 : memref<50x64xf32, #tpu.memory_space<hbm>>) target_semaphore(%dma_start3A_1362 : memref<!tpu.dma_semaphore, #tpu.memory_space<semaphore_mem>>)
      %mul3A_1374 = arith.constant 8 : i32
      %mul3A_1375 = arith.muli %add3A_1311, %mul3A_1374 : i32
      %add3A_1376 = arith.addi %mul3A_2, %mul3A_1375 : i32
      %add3A_1377 = arith.constant 2 : i32
      %add3A_1378 = arith.addi %add3A_1376, %add3A_1377 : i32
      %dma_start3A_1379 = arith.constant 1 : i32
      %dma_start3A_1380 = arith.constant 1 : i32
      %dma_start3A_1381 = arith.constant 0 : i32
      %dma_start3A_1382 = arith.constant 0 : i32
      %dma_start3A_1383 = tpu.memref_slice %arg11[%dma_start3A_1379, %dma_start3A_1381, %dma_start3A_1382] : memref<2x400x64xf32, #tpu.memory_space<vmem>> -> memref<1x400x64xf32, #tpu.memory_space<vmem>>
      %dma_start3A_1384 = tpu.memref_squeeze %dma_start3A_1383 : memref<1x400x64xf32, #tpu.memory_space<vmem>> -> memref<400x64xf32, #tpu.memory_space<vmem>>
      %dma_start3A_1385 = arith.constant 100 : i32
      %dma_start3A_1386 = arith.constant 0 : i32
      %dma_start3A_1387 = tpu.memref_slice %dma_start3A_1384[%dma_start3A_1385, %dma_start3A_1386] : memref<400x64xf32, #tpu.memory_space<vmem>> -> memref<50x64xf32, #tpu.memory_space<vmem>>
      %dma_start3A_1388 = arith.constant 0 : i32
      %dma_start3A_1389 = arith.constant 0 : i32
      %dma_start3A_1390 = tpu.memref_slice %arg7[%add3A_1378, %dma_start3A_1388, %dma_start3A_1389] : memref<4096x56x128xf32, #tpu.memory_space<hbm>> -> memref<1x50x64xf32, #tpu.memory_space<hbm>>
      %dma_start3A_1391 = tpu.memref_squeeze %dma_start3A_1390 : memref<1x50x64xf32, #tpu.memory_space<hbm>> -> memref<50x64xf32, #tpu.memory_space<hbm>>
      %dma_start3A_1392 = tpu.memref_slice %arg13[%dma_start3A_1380] : memref<2x!tpu.dma_semaphore, #tpu.memory_space<semaphore_mem>> -> memref<1x!tpu.dma_semaphore, #tpu.memory_space<semaphore_mem>>
      %dma_start3A_1393 = tpu.memref_squeeze %dma_start3A_1392 : memref<1x!tpu.dma_semaphore, #tpu.memory_space<semaphore_mem>> -> memref<!tpu.dma_semaphore, #tpu.memory_space<semaphore_mem>>
      %dma_start3A_1394 = arith.constant 0 : i32
      %dma_start3A_1395 = arith.constant 0 : i32
      %dma_start3A_1396 = tpu.memref_slice %arg7[%add3A_1378, %dma_start3A_1394, %dma_start3A_1395] : memref<4096x56x128xf32, #tpu.memory_space<hbm>> -> memref<1x50x64xf32, #tpu.memory_space<hbm>>
      %dma_start3A_1397 = tpu.memref_squeeze %dma_start3A_1396 : memref<1x50x64xf32, #tpu.memory_space<hbm>> -> memref<50x64xf32, #tpu.memory_space<hbm>>
      %dma_start3A_1398 = arith.constant 0 : i32
      %dma_start3A_1399 = arith.constant 0 : i32
      %dma_start3A_1400 = tpu.memref_slice %arg11[%dma_start3A_1379, %dma_start3A_1398, %dma_start3A_1399] : memref<2x400x64xf32, #tpu.memory_space<vmem>> -> memref<1x400x64xf32, #tpu.memory_space<vmem>>
      %dma_start3A_1401 = tpu.memref_squeeze %dma_start3A_1400 : memref<1x400x64xf32, #tpu.memory_space<vmem>> -> memref<400x64xf32, #tpu.memory_space<vmem>>
      %dma_start3A_1402 = arith.constant 100 : i32
      %dma_start3A_1403 = arith.constant 0 : i32
      %dma_start3A_1404 = tpu.memref_slice %dma_start3A_1401[%dma_start3A_1402, %dma_start3A_1403] : memref<400x64xf32, #tpu.memory_space<vmem>> -> memref<50x64xf32, #tpu.memory_space<vmem>>
      tpu.enqueue_dma source(%dma_start3A_1404 : memref<50x64xf32, #tpu.memory_space<vmem>>) target(%dma_start3A_1397 : memref<50x64xf32, #tpu.memory_space<hbm>>) target_semaphore(%dma_start3A_1393 : memref<!tpu.dma_semaphore, #tpu.memory_space<semaphore_mem>>)
      %mul3A_1405 = arith.constant 8 : i32
      %mul3A_1406 = arith.muli %add3A_1311, %mul3A_1405 : i32
      %add3A_1407 = arith.addi %mul3A_2, %mul3A_1406 : i32
      %add3A_1408 = arith.constant 3 : i32
      %add3A_1409 = arith.addi %add3A_1407, %add3A_1408 : i32
      %dma_start3A_1410 = arith.constant 1 : i32
      %dma_start3A_1411 = arith.constant 1 : i32
      %dma_start3A_1412 = arith.constant 0 : i32
      %dma_start3A_1413 = arith.constant 0 : i32
      %dma_start3A_1414 = tpu.memref_slice %arg11[%dma_start3A_1410, %dma_start3A_1412, %dma_start3A_1413] : memref<2x400x64xf32, #tpu.memory_space<vmem>> -> memref<1x400x64xf32, #tpu.memory_space<vmem>>
      %dma_start3A_1415 = tpu.memref_squeeze %dma_start3A_1414 : memref<1x400x64xf32, #tpu.memory_space<vmem>> -> memref<400x64xf32, #tpu.memory_space<vmem>>
      %dma_start3A_1416 = arith.constant 150 : i32
      %dma_start3A_1417 = arith.constant 0 : i32
      %dma_start3A_1418 = tpu.memref_slice %dma_start3A_1415[%dma_start3A_1416, %dma_start3A_1417] : memref<400x64xf32, #tpu.memory_space<vmem>> -> memref<50x64xf32, #tpu.memory_space<vmem>>
      %dma_start3A_1419 = arith.constant 0 : i32
      %dma_start3A_1420 = arith.constant 0 : i32
      %dma_start3A_1421 = tpu.memref_slice %arg7[%add3A_1409, %dma_start3A_1419, %dma_start3A_1420] : memref<4096x56x128xf32, #tpu.memory_space<hbm>> -> memref<1x50x64xf32, #tpu.memory_space<hbm>>
      %dma_start3A_1422 = tpu.memref_squeeze %dma_start3A_1421 : memref<1x50x64xf32, #tpu.memory_space<hbm>> -> memref<50x64xf32, #tpu.memory_space<hbm>>
      %dma_start3A_1423 = tpu.memref_slice %arg13[%dma_start3A_1411] : memref<2x!tpu.dma_semaphore, #tpu.memory_space<semaphore_mem>> -> memref<1x!tpu.dma_semaphore, #tpu.memory_space<semaphore_mem>>
      %dma_start3A_1424 = tpu.memref_squeeze %dma_start3A_1423 : memref<1x!tpu.dma_semaphore, #tpu.memory_space<semaphore_mem>> -> memref<!tpu.dma_semaphore, #tpu.memory_space<semaphore_mem>>
      %dma_start3A_1425 = arith.constant 0 : i32
      %dma_start3A_1426 = arith.constant 0 : i32
      %dma_start3A_1427 = tpu.memref_slice %arg7[%add3A_1409, %dma_start3A_1425, %dma_start3A_1426] : memref<4096x56x128xf32, #tpu.memory_space<hbm>> -> memref<1x50x64xf32, #tpu.memory_space<hbm>>
      %dma_start3A_1428 = tpu.memref_squeeze %dma_start3A_1427 : memref<1x50x64xf32, #tpu.memory_space<hbm>> -> memref<50x64xf32, #tpu.memory_space<hbm>>
      %dma_start3A_1429 = arith.constant 0 : i32
      %dma_start3A_1430 = arith.constant 0 : i32
      %dma_start3A_1431 = tpu.memref_slice %arg11[%dma_start3A_1410, %dma_start3A_1429, %dma_start3A_1430] : memref<2x400x64xf32, #tpu.memory_space<vmem>> -> memref<1x400x64xf32, #tpu.memory_space<vmem>>
      %dma_start3A_1432 = tpu.memref_squeeze %dma_start3A_1431 : memref<1x400x64xf32, #tpu.memory_space<vmem>> -> memref<400x64xf32, #tpu.memory_space<vmem>>
      %dma_start3A_1433 = arith.constant 150 : i32
      %dma_start3A_1434 = arith.constant 0 : i32
      %dma_start3A_1435 = tpu.memref_slice %dma_start3A_1432[%dma_start3A_1433, %dma_start3A_1434] : memref<400x64xf32, #tpu.memory_space<vmem>> -> memref<50x64xf32, #tpu.memory_space<vmem>>
      tpu.enqueue_dma source(%dma_start3A_1435 : memref<50x64xf32, #tpu.memory_space<vmem>>) target(%dma_start3A_1428 : memref<50x64xf32, #tpu.memory_space<hbm>>) target_semaphore(%dma_start3A_1424 : memref<!tpu.dma_semaphore, #tpu.memory_space<semaphore_mem>>)
      %mul3A_1436 = arith.constant 8 : i32
      %mul3A_1437 = arith.muli %add3A_1311, %mul3A_1436 : i32
      %add3A_1438 = arith.addi %mul3A_2, %mul3A_1437 : i32
      %add3A_1439 = arith.constant 4 : i32
      %add3A_1440 = arith.addi %add3A_1438, %add3A_1439 : i32
      %dma_start3A_1441 = arith.constant 1 : i32
      %dma_start3A_1442 = arith.constant 1 : i32
      %dma_start3A_1443 = arith.constant 0 : i32
      %dma_start3A_1444 = arith.constant 0 : i32
      %dma_start3A_1445 = tpu.memref_slice %arg11[%dma_start3A_1441, %dma_start3A_1443, %dma_start3A_1444] : memref<2x400x64xf32, #tpu.memory_space<vmem>> -> memref<1x400x64xf32, #tpu.memory_space<vmem>>
      %dma_start3A_1446 = tpu.memref_squeeze %dma_start3A_1445 : memref<1x400x64xf32, #tpu.memory_space<vmem>> -> memref<400x64xf32, #tpu.memory_space<vmem>>
      %dma_start3A_1447 = arith.constant 200 : i32
      %dma_start3A_1448 = arith.constant 0 : i32
      %dma_start3A_1449 = tpu.memref_slice %dma_start3A_1446[%dma_start3A_1447, %dma_start3A_1448] : memref<400x64xf32, #tpu.memory_space<vmem>> -> memref<50x64xf32, #tpu.memory_space<vmem>>
      %dma_start3A_1450 = arith.constant 0 : i32
      %dma_start3A_1451 = arith.constant 0 : i32
      %dma_start3A_1452 = tpu.memref_slice %arg7[%add3A_1440, %dma_start3A_1450, %dma_start3A_1451] : memref<4096x56x128xf32, #tpu.memory_space<hbm>> -> memref<1x50x64xf32, #tpu.memory_space<hbm>>
      %dma_start3A_1453 = tpu.memref_squeeze %dma_start3A_1452 : memref<1x50x64xf32, #tpu.memory_space<hbm>> -> memref<50x64xf32, #tpu.memory_space<hbm>>
      %dma_start3A_1454 = tpu.memref_slice %arg13[%dma_start3A_1442] : memref<2x!tpu.dma_semaphore, #tpu.memory_space<semaphore_mem>> -> memref<1x!tpu.dma_semaphore, #tpu.memory_space<semaphore_mem>>
      %dma_start3A_1455 = tpu.memref_squeeze %dma_start3A_1454 : memref<1x!tpu.dma_semaphore, #tpu.memory_space<semaphore_mem>> -> memref<!tpu.dma_semaphore, #tpu.memory_space<semaphore_mem>>
      %dma_start3A_1456 = arith.constant 0 : i32
      %dma_start3A_1457 = arith.constant 0 : i32
      %dma_start3A_1458 = tpu.memref_slice %arg7[%add3A_1440, %dma_start3A_1456, %dma_start3A_1457] : memref<4096x56x128xf32, #tpu.memory_space<hbm>> -> memref<1x50x64xf32, #tpu.memory_space<hbm>>
      %dma_start3A_1459 = tpu.memref_squeeze %dma_start3A_1458 : memref<1x50x64xf32, #tpu.memory_space<hbm>> -> memref<50x64xf32, #tpu.memory_space<hbm>>
      %dma_start3A_1460 = arith.constant 0 : i32
      %dma_start3A_1461 = arith.constant 0 : i32
      %dma_start3A_1462 = tpu.memref_slice %arg11[%dma_start3A_1441, %dma_start3A_1460, %dma_start3A_1461] : memref<2x400x64xf32, #tpu.memory_space<vmem>> -> memref<1x400x64xf32, #tpu.memory_space<vmem>>
      %dma_start3A_1463 = tpu.memref_squeeze %dma_start3A_1462 : memref<1x400x64xf32, #tpu.memory_space<vmem>> -> memref<400x64xf32, #tpu.memory_space<vmem>>
      %dma_start3A_1464 = arith.constant 200 : i32
      %dma_start3A_1465 = arith.constant 0 : i32
      %dma_start3A_1466 = tpu.memref_slice %dma_start3A_1463[%dma_start3A_1464, %dma_start3A_1465] : memref<400x64xf32, #tpu.memory_space<vmem>> -> memref<50x64xf32, #tpu.memory_space<vmem>>
      tpu.enqueue_dma source(%dma_start3A_1466 : memref<50x64xf32, #tpu.memory_space<vmem>>) target(%dma_start3A_1459 : memref<50x64xf32, #tpu.memory_space<hbm>>) target_semaphore(%dma_start3A_1455 : memref<!tpu.dma_semaphore, #tpu.memory_space<semaphore_mem>>)
      %mul3A_1467 = arith.constant 8 : i32
      %mul3A_1468 = arith.muli %add3A_1311, %mul3A_1467 : i32
      %add3A_1469 = arith.addi %mul3A_2, %mul3A_1468 : i32
      %add3A_1470 = arith.constant 5 : i32
      %add3A_1471 = arith.addi %add3A_1469, %add3A_1470 : i32
      %dma_start3A_1472 = arith.constant 1 : i32
      %dma_start3A_1473 = arith.constant 1 : i32
      %dma_start3A_1474 = arith.constant 0 : i32
      %dma_start3A_1475 = arith.constant 0 : i32
      %dma_start3A_1476 = tpu.memref_slice %arg11[%dma_start3A_1472, %dma_start3A_1474, %dma_start3A_1475] : memref<2x400x64xf32, #tpu.memory_space<vmem>> -> memref<1x400x64xf32, #tpu.memory_space<vmem>>
      %dma_start3A_1477 = tpu.memref_squeeze %dma_start3A_1476 : memref<1x400x64xf32, #tpu.memory_space<vmem>> -> memref<400x64xf32, #tpu.memory_space<vmem>>
      %dma_start3A_1478 = arith.constant 250 : i32
      %dma_start3A_1479 = arith.constant 0 : i32
      %dma_start3A_1480 = tpu.memref_slice %dma_start3A_1477[%dma_start3A_1478, %dma_start3A_1479] : memref<400x64xf32, #tpu.memory_space<vmem>> -> memref<50x64xf32, #tpu.memory_space<vmem>>
      %dma_start3A_1481 = arith.constant 0 : i32
      %dma_start3A_1482 = arith.constant 0 : i32
      %dma_start3A_1483 = tpu.memref_slice %arg7[%add3A_1471, %dma_start3A_1481, %dma_start3A_1482] : memref<4096x56x128xf32, #tpu.memory_space<hbm>> -> memref<1x50x64xf32, #tpu.memory_space<hbm>>
      %dma_start3A_1484 = tpu.memref_squeeze %dma_start3A_1483 : memref<1x50x64xf32, #tpu.memory_space<hbm>> -> memref<50x64xf32, #tpu.memory_space<hbm>>
      %dma_start3A_1485 = tpu.memref_slice %arg13[%dma_start3A_1473] : memref<2x!tpu.dma_semaphore, #tpu.memory_space<semaphore_mem>> -> memref<1x!tpu.dma_semaphore, #tpu.memory_space<semaphore_mem>>
      %dma_start3A_1486 = tpu.memref_squeeze %dma_start3A_1485 : memref<1x!tpu.dma_semaphore, #tpu.memory_space<semaphore_mem>> -> memref<!tpu.dma_semaphore, #tpu.memory_space<semaphore_mem>>
      %dma_start3A_1487 = arith.constant 0 : i32
      %dma_start3A_1488 = arith.constant 0 : i32
      %dma_start3A_1489 = tpu.memref_slice %arg7[%add3A_1471, %dma_start3A_1487, %dma_start3A_1488] : memref<4096x56x128xf32, #tpu.memory_space<hbm>> -> memref<1x50x64xf32, #tpu.memory_space<hbm>>
      %dma_start3A_1490 = tpu.memref_squeeze %dma_start3A_1489 : memref<1x50x64xf32, #tpu.memory_space<hbm>> -> memref<50x64xf32, #tpu.memory_space<hbm>>
      %dma_start3A_1491 = arith.constant 0 : i32
      %dma_start3A_1492 = arith.constant 0 : i32
      %dma_start3A_1493 = tpu.memref_slice %arg11[%dma_start3A_1472, %dma_start3A_1491, %dma_start3A_1492] : memref<2x400x64xf32, #tpu.memory_space<vmem>> -> memref<1x400x64xf32, #tpu.memory_space<vmem>>
      %dma_start3A_1494 = tpu.memref_squeeze %dma_start3A_1493 : memref<1x400x64xf32, #tpu.memory_space<vmem>> -> memref<400x64xf32, #tpu.memory_space<vmem>>
      %dma_start3A_1495 = arith.constant 250 : i32
      %dma_start3A_1496 = arith.constant 0 : i32
      %dma_start3A_1497 = tpu.memref_slice %dma_start3A_1494[%dma_start3A_1495, %dma_start3A_1496] : memref<400x64xf32, #tpu.memory_space<vmem>> -> memref<50x64xf32, #tpu.memory_space<vmem>>
      tpu.enqueue_dma source(%dma_start3A_1497 : memref<50x64xf32, #tpu.memory_space<vmem>>) target(%dma_start3A_1490 : memref<50x64xf32, #tpu.memory_space<hbm>>) target_semaphore(%dma_start3A_1486 : memref<!tpu.dma_semaphore, #tpu.memory_space<semaphore_mem>>)
      %mul3A_1498 = arith.constant 8 : i32
      %mul3A_1499 = arith.muli %add3A_1311, %mul3A_1498 : i32
      %add3A_1500 = arith.addi %mul3A_2, %mul3A_1499 : i32
      %add3A_1501 = arith.constant 6 : i32
      %add3A_1502 = arith.addi %add3A_1500, %add3A_1501 : i32
      %dma_start3A_1503 = arith.constant 1 : i32
      %dma_start3A_1504 = arith.constant 1 : i32
      %dma_start3A_1505 = arith.constant 0 : i32
      %dma_start3A_1506 = arith.constant 0 : i32
      %dma_start3A_1507 = tpu.memref_slice %arg11[%dma_start3A_1503, %dma_start3A_1505, %dma_start3A_1506] : memref<2x400x64xf32, #tpu.memory_space<vmem>> -> memref<1x400x64xf32, #tpu.memory_space<vmem>>
      %dma_start3A_1508 = tpu.memref_squeeze %dma_start3A_1507 : memref<1x400x64xf32, #tpu.memory_space<vmem>> -> memref<400x64xf32, #tpu.memory_space<vmem>>
      %dma_start3A_1509 = arith.constant 300 : i32
      %dma_start3A_1510 = arith.constant 0 : i32
      %dma_start3A_1511 = tpu.memref_slice %dma_start3A_1508[%dma_start3A_1509, %dma_start3A_1510] : memref<400x64xf32, #tpu.memory_space<vmem>> -> memref<50x64xf32, #tpu.memory_space<vmem>>
      %dma_start3A_1512 = arith.constant 0 : i32
      %dma_start3A_1513 = arith.constant 0 : i32
      %dma_start3A_1514 = tpu.memref_slice %arg7[%add3A_1502, %dma_start3A_1512, %dma_start3A_1513] : memref<4096x56x128xf32, #tpu.memory_space<hbm>> -> memref<1x50x64xf32, #tpu.memory_space<hbm>>
      %dma_start3A_1515 = tpu.memref_squeeze %dma_start3A_1514 : memref<1x50x64xf32, #tpu.memory_space<hbm>> -> memref<50x64xf32, #tpu.memory_space<hbm>>
      %dma_start3A_1516 = tpu.memref_slice %arg13[%dma_start3A_1504] : memref<2x!tpu.dma_semaphore, #tpu.memory_space<semaphore_mem>> -> memref<1x!tpu.dma_semaphore, #tpu.memory_space<semaphore_mem>>
      %dma_start3A_1517 = tpu.memref_squeeze %dma_start3A_1516 : memref<1x!tpu.dma_semaphore, #tpu.memory_space<semaphore_mem>> -> memref<!tpu.dma_semaphore, #tpu.memory_space<semaphore_mem>>
      %dma_start3A_1518 = arith.constant 0 : i32
      %dma_start3A_1519 = arith.constant 0 : i32
      %dma_start3A_1520 = tpu.memref_slice %arg7[%add3A_1502, %dma_start3A_1518, %dma_start3A_1519] : memref<4096x56x128xf32, #tpu.memory_space<hbm>> -> memref<1x50x64xf32, #tpu.memory_space<hbm>>
      %dma_start3A_1521 = tpu.memref_squeeze %dma_start3A_1520 : memref<1x50x64xf32, #tpu.memory_space<hbm>> -> memref<50x64xf32, #tpu.memory_space<hbm>>
      %dma_start3A_1522 = arith.constant 0 : i32
      %dma_start3A_1523 = arith.constant 0 : i32
      %dma_start3A_1524 = tpu.memref_slice %arg11[%dma_start3A_1503, %dma_start3A_1522, %dma_start3A_1523] : memref<2x400x64xf32, #tpu.memory_space<vmem>> -> memref<1x400x64xf32, #tpu.memory_space<vmem>>
      %dma_start3A_1525 = tpu.memref_squeeze %dma_start3A_1524 : memref<1x400x64xf32, #tpu.memory_space<vmem>> -> memref<400x64xf32, #tpu.memory_space<vmem>>
      %dma_start3A_1526 = arith.constant 300 : i32
      %dma_start3A_1527 = arith.constant 0 : i32
      %dma_start3A_1528 = tpu.memref_slice %dma_start3A_1525[%dma_start3A_1526, %dma_start3A_1527] : memref<400x64xf32, #tpu.memory_space<vmem>> -> memref<50x64xf32, #tpu.memory_space<vmem>>
      tpu.enqueue_dma source(%dma_start3A_1528 : memref<50x64xf32, #tpu.memory_space<vmem>>) target(%dma_start3A_1521 : memref<50x64xf32, #tpu.memory_space<hbm>>) target_semaphore(%dma_start3A_1517 : memref<!tpu.dma_semaphore, #tpu.memory_space<semaphore_mem>>)
      %mul3A_1529 = arith.constant 8 : i32
      %mul3A_1530 = arith.muli %add3A_1311, %mul3A_1529 : i32
      %add3A_1531 = arith.addi %mul3A_2, %mul3A_1530 : i32
      %add3A_1532 = arith.constant 7 : i32
      %add3A_1533 = arith.addi %add3A_1531, %add3A_1532 : i32
      %dma_start3A_1534 = arith.constant 1 : i32
      %dma_start3A_1535 = arith.constant 1 : i32
      %dma_start3A_1536 = arith.constant 0 : i32
      %dma_start3A_1537 = arith.constant 0 : i32
      %dma_start3A_1538 = tpu.memref_slice %arg11[%dma_start3A_1534, %dma_start3A_1536, %dma_start3A_1537] : memref<2x400x64xf32, #tpu.memory_space<vmem>> -> memref<1x400x64xf32, #tpu.memory_space<vmem>>
      %dma_start3A_1539 = tpu.memref_squeeze %dma_start3A_1538 : memref<1x400x64xf32, #tpu.memory_space<vmem>> -> memref<400x64xf32, #tpu.memory_space<vmem>>
      %dma_start3A_1540 = arith.constant 350 : i32
      %dma_start3A_1541 = arith.constant 0 : i32
      %dma_start3A_1542 = tpu.memref_slice %dma_start3A_1539[%dma_start3A_1540, %dma_start3A_1541] : memref<400x64xf32, #tpu.memory_space<vmem>> -> memref<50x64xf32, #tpu.memory_space<vmem>>
      %dma_start3A_1543 = arith.constant 0 : i32
      %dma_start3A_1544 = arith.constant 0 : i32
      %dma_start3A_1545 = tpu.memref_slice %arg7[%add3A_1533, %dma_start3A_1543, %dma_start3A_1544] : memref<4096x56x128xf32, #tpu.memory_space<hbm>> -> memref<1x50x64xf32, #tpu.memory_space<hbm>>
      %dma_start3A_1546 = tpu.memref_squeeze %dma_start3A_1545 : memref<1x50x64xf32, #tpu.memory_space<hbm>> -> memref<50x64xf32, #tpu.memory_space<hbm>>
      %dma_start3A_1547 = tpu.memref_slice %arg13[%dma_start3A_1535] : memref<2x!tpu.dma_semaphore, #tpu.memory_space<semaphore_mem>> -> memref<1x!tpu.dma_semaphore, #tpu.memory_space<semaphore_mem>>
      %dma_start3A_1548 = tpu.memref_squeeze %dma_start3A_1547 : memref<1x!tpu.dma_semaphore, #tpu.memory_space<semaphore_mem>> -> memref<!tpu.dma_semaphore, #tpu.memory_space<semaphore_mem>>
      %dma_start3A_1549 = arith.constant 0 : i32
      %dma_start3A_1550 = arith.constant 0 : i32
      %dma_start3A_1551 = tpu.memref_slice %arg7[%add3A_1533, %dma_start3A_1549, %dma_start3A_1550] : memref<4096x56x128xf32, #tpu.memory_space<hbm>> -> memref<1x50x64xf32, #tpu.memory_space<hbm>>
      %dma_start3A_1552 = tpu.memref_squeeze %dma_start3A_1551 : memref<1x50x64xf32, #tpu.memory_space<hbm>> -> memref<50x64xf32, #tpu.memory_space<hbm>>
      %dma_start3A_1553 = arith.constant 0 : i32
      %dma_start3A_1554 = arith.constant 0 : i32
      %dma_start3A_1555 = tpu.memref_slice %arg11[%dma_start3A_1534, %dma_start3A_1553, %dma_start3A_1554] : memref<2x400x64xf32, #tpu.memory_space<vmem>> -> memref<1x400x64xf32, #tpu.memory_space<vmem>>
      %dma_start3A_1556 = tpu.memref_squeeze %dma_start3A_1555 : memref<1x400x64xf32, #tpu.memory_space<vmem>> -> memref<400x64xf32, #tpu.memory_space<vmem>>
      %dma_start3A_1557 = arith.constant 350 : i32
      %dma_start3A_1558 = arith.constant 0 : i32
      %dma_start3A_1559 = tpu.memref_slice %dma_start3A_1556[%dma_start3A_1557, %dma_start3A_1558] : memref<400x64xf32, #tpu.memory_space<vmem>> -> memref<50x64xf32, #tpu.memory_space<vmem>>
      tpu.enqueue_dma source(%dma_start3A_1559 : memref<50x64xf32, #tpu.memory_space<vmem>>) target(%dma_start3A_1552 : memref<50x64xf32, #tpu.memory_space<hbm>>) target_semaphore(%dma_start3A_1548 : memref<!tpu.dma_semaphore, #tpu.memory_space<semaphore_mem>>)
      %add3A_1560 = arith.constant 0 : i32
      %add3A_1561 = arith.addi %add3A_1027, %add3A_1560 : i32
      %mul3A_1562 = arith.constant 8 : i32
      %mul3A_1563 = arith.muli %add3A_1561, %mul3A_1562 : i32
      %add3A_1564 = arith.addi %mul3A_2, %mul3A_1563 : i32
      %add3A_1565 = arith.constant 0 : i32
      %add3A_1566 = arith.addi %add3A_1564, %add3A_1565 : i32
      %dma_wait3A_1567 = arith.constant 0 : i32
      %dma_wait3A_1568 = arith.constant 0 : i32
      %dma_wait3A_1569 = arith.constant 0 : i32
      %dma_wait3A_1570 = arith.constant 0 : i32
      %dma_wait3A_1571 = tpu.memref_slice %arg11[%dma_wait3A_1567, %dma_wait3A_1569, %dma_wait3A_1570] : memref<2x400x64xf32, #tpu.memory_space<vmem>> -> memref<1x400x64xf32, #tpu.memory_space<vmem>>
      %dma_wait3A_1572 = tpu.memref_squeeze %dma_wait3A_1571 : memref<1x400x64xf32, #tpu.memory_space<vmem>> -> memref<400x64xf32, #tpu.memory_space<vmem>>
      %dma_wait3A_1573 = arith.constant 0 : i32
      %dma_wait3A_1574 = arith.constant 0 : i32
      %dma_wait3A_1575 = tpu.memref_slice %dma_wait3A_1572[%dma_wait3A_1573, %dma_wait3A_1574] : memref<400x64xf32, #tpu.memory_space<vmem>> -> memref<50x64xf32, #tpu.memory_space<vmem>>
      %dma_wait3A_1576 = arith.constant 0 : i32
      %dma_wait3A_1577 = arith.constant 0 : i32
      %dma_wait3A_1578 = tpu.memref_slice %arg7[%add3A_1566, %dma_wait3A_1576, %dma_wait3A_1577] : memref<4096x56x128xf32, #tpu.memory_space<hbm>> -> memref<1x50x64xf32, #tpu.memory_space<hbm>>
      %dma_wait3A_1579 = tpu.memref_squeeze %dma_wait3A_1578 : memref<1x50x64xf32, #tpu.memory_space<hbm>> -> memref<50x64xf32, #tpu.memory_space<hbm>>
      %dma_wait3A_1580 = tpu.memref_slice %arg13[%dma_wait3A_1568] : memref<2x!tpu.dma_semaphore, #tpu.memory_space<semaphore_mem>> -> memref<1x!tpu.dma_semaphore, #tpu.memory_space<semaphore_mem>>
      %dma_wait3A_1581 = tpu.memref_squeeze %dma_wait3A_1580 : memref<1x!tpu.dma_semaphore, #tpu.memory_space<semaphore_mem>> -> memref<!tpu.dma_semaphore, #tpu.memory_space<semaphore_mem>>
      %dma_wait3A_1582 = arith.constant 0 : i32
      %dma_wait3A_1583 = arith.constant 0 : i32
      %dma_wait3A_1584 = tpu.memref_slice %arg7[%add3A_1566, %dma_wait3A_1582, %dma_wait3A_1583] : memref<4096x56x128xf32, #tpu.memory_space<hbm>> -> memref<1x50x64xf32, #tpu.memory_space<hbm>>
      %dma_wait3A_1585 = tpu.memref_squeeze %dma_wait3A_1584 : memref<1x50x64xf32, #tpu.memory_space<hbm>> -> memref<50x64xf32, #tpu.memory_space<hbm>>
      %dma_wait3A_1586 = arith.constant 0 : i32
      %dma_wait3A_1587 = arith.constant 0 : i32
      %dma_wait3A_1588 = tpu.memref_slice %arg11[%dma_wait3A_1567, %dma_wait3A_1586, %dma_wait3A_1587] : memref<2x400x64xf32, #tpu.memory_space<vmem>> -> memref<1x400x64xf32, #tpu.memory_space<vmem>>
      %dma_wait3A_1589 = tpu.memref_squeeze %dma_wait3A_1588 : memref<1x400x64xf32, #tpu.memory_space<vmem>> -> memref<400x64xf32, #tpu.memory_space<vmem>>
      %dma_wait3A_1590 = arith.constant 0 : i32
      %dma_wait3A_1591 = arith.constant 0 : i32
      %dma_wait3A_1592 = tpu.memref_slice %dma_wait3A_1589[%dma_wait3A_1590, %dma_wait3A_1591] : memref<400x64xf32, #tpu.memory_space<vmem>> -> memref<50x64xf32, #tpu.memory_space<vmem>>
      tpu.wait_dma2 semaphore(%dma_wait3A_1581 : memref<!tpu.dma_semaphore, #tpu.memory_space<semaphore_mem>>) src(%dma_wait3A_1592 : memref<50x64xf32, #tpu.memory_space<vmem>>) dst(%dma_wait3A_1585 : memref<50x64xf32, #tpu.memory_space<hbm>>)
      %mul3A_1593 = arith.constant 8 : i32
      %mul3A_1594 = arith.muli %add3A_1561, %mul3A_1593 : i32
      %add3A_1595 = arith.addi %mul3A_2, %mul3A_1594 : i32
      %add3A_1596 = arith.constant 1 : i32
      %add3A_1597 = arith.addi %add3A_1595, %add3A_1596 : i32
      %dma_wait3A_1598 = arith.constant 0 : i32
      %dma_wait3A_1599 = arith.constant 0 : i32
      %dma_wait3A_1600 = arith.constant 0 : i32
      %dma_wait3A_1601 = arith.constant 0 : i32
      %dma_wait3A_1602 = tpu.memref_slice %arg11[%dma_wait3A_1598, %dma_wait3A_1600, %dma_wait3A_1601] : memref<2x400x64xf32, #tpu.memory_space<vmem>> -> memref<1x400x64xf32, #tpu.memory_space<vmem>>
      %dma_wait3A_1603 = tpu.memref_squeeze %dma_wait3A_1602 : memref<1x400x64xf32, #tpu.memory_space<vmem>> -> memref<400x64xf32, #tpu.memory_space<vmem>>
      %dma_wait3A_1604 = arith.constant 50 : i32
      %dma_wait3A_1605 = arith.constant 0 : i32
      %dma_wait3A_1606 = tpu.memref_slice %dma_wait3A_1603[%dma_wait3A_1604, %dma_wait3A_1605] : memref<400x64xf32, #tpu.memory_space<vmem>> -> memref<50x64xf32, #tpu.memory_space<vmem>>
      %dma_wait3A_1607 = arith.constant 0 : i32
      %dma_wait3A_1608 = arith.constant 0 : i32
      %dma_wait3A_1609 = tpu.memref_slice %arg7[%add3A_1597, %dma_wait3A_1607, %dma_wait3A_1608] : memref<4096x56x128xf32, #tpu.memory_space<hbm>> -> memref<1x50x64xf32, #tpu.memory_space<hbm>>
      %dma_wait3A_1610 = tpu.memref_squeeze %dma_wait3A_1609 : memref<1x50x64xf32, #tpu.memory_space<hbm>> -> memref<50x64xf32, #tpu.memory_space<hbm>>
      %dma_wait3A_1611 = tpu.memref_slice %arg13[%dma_wait3A_1599] : memref<2x!tpu.dma_semaphore, #tpu.memory_space<semaphore_mem>> -> memref<1x!tpu.dma_semaphore, #tpu.memory_space<semaphore_mem>>
      %dma_wait3A_1612 = tpu.memref_squeeze %dma_wait3A_1611 : memref<1x!tpu.dma_semaphore, #tpu.memory_space<semaphore_mem>> -> memref<!tpu.dma_semaphore, #tpu.memory_space<semaphore_mem>>
      %dma_wait3A_1613 = arith.constant 0 : i32
      %dma_wait3A_1614 = arith.constant 0 : i32
      %dma_wait3A_1615 = tpu.memref_slice %arg7[%add3A_1597, %dma_wait3A_1613, %dma_wait3A_1614] : memref<4096x56x128xf32, #tpu.memory_space<hbm>> -> memref<1x50x64xf32, #tpu.memory_space<hbm>>
      %dma_wait3A_1616 = tpu.memref_squeeze %dma_wait3A_1615 : memref<1x50x64xf32, #tpu.memory_space<hbm>> -> memref<50x64xf32, #tpu.memory_space<hbm>>
      %dma_wait3A_1617 = arith.constant 0 : i32
      %dma_wait3A_1618 = arith.constant 0 : i32
      %dma_wait3A_1619 = tpu.memref_slice %arg11[%dma_wait3A_1598, %dma_wait3A_1617, %dma_wait3A_1618] : memref<2x400x64xf32, #tpu.memory_space<vmem>> -> memref<1x400x64xf32, #tpu.memory_space<vmem>>
      %dma_wait3A_1620 = tpu.memref_squeeze %dma_wait3A_1619 : memref<1x400x64xf32, #tpu.memory_space<vmem>> -> memref<400x64xf32, #tpu.memory_space<vmem>>
      %dma_wait3A_1621 = arith.constant 50 : i32
      %dma_wait3A_1622 = arith.constant 0 : i32
      %dma_wait3A_1623 = tpu.memref_slice %dma_wait3A_1620[%dma_wait3A_1621, %dma_wait3A_1622] : memref<400x64xf32, #tpu.memory_space<vmem>> -> memref<50x64xf32, #tpu.memory_space<vmem>>
      tpu.wait_dma2 semaphore(%dma_wait3A_1612 : memref<!tpu.dma_semaphore, #tpu.memory_space<semaphore_mem>>) src(%dma_wait3A_1623 : memref<50x64xf32, #tpu.memory_space<vmem>>) dst(%dma_wait3A_1616 : memref<50x64xf32, #tpu.memory_space<hbm>>)
      %mul3A_1624 = arith.constant 8 : i32
      %mul3A_1625 = arith.muli %add3A_1561, %mul3A_1624 : i32
      %add3A_1626 = arith.addi %mul3A_2, %mul3A_1625 : i32
      %add3A_1627 = arith.constant 2 : i32
      %add3A_1628 = arith.addi %add3A_1626, %add3A_1627 : i32
      %dma_wait3A_1629 = arith.constant 0 : i32
      %dma_wait3A_1630 = arith.constant 0 : i32
      %dma_wait3A_1631 = arith.constant 0 : i32
      %dma_wait3A_1632 = arith.constant 0 : i32
      %dma_wait3A_1633 = tpu.memref_slice %arg11[%dma_wait3A_1629, %dma_wait3A_1631, %dma_wait3A_1632] : memref<2x400x64xf32, #tpu.memory_space<vmem>> -> memref<1x400x64xf32, #tpu.memory_space<vmem>>
      %dma_wait3A_1634 = tpu.memref_squeeze %dma_wait3A_1633 : memref<1x400x64xf32, #tpu.memory_space<vmem>> -> memref<400x64xf32, #tpu.memory_space<vmem>>
      %dma_wait3A_1635 = arith.constant 100 : i32
      %dma_wait3A_1636 = arith.constant 0 : i32
      %dma_wait3A_1637 = tpu.memref_slice %dma_wait3A_1634[%dma_wait3A_1635, %dma_wait3A_1636] : memref<400x64xf32, #tpu.memory_space<vmem>> -> memref<50x64xf32, #tpu.memory_space<vmem>>
      %dma_wait3A_1638 = arith.constant 0 : i32
      %dma_wait3A_1639 = arith.constant 0 : i32
      %dma_wait3A_1640 = tpu.memref_slice %arg7[%add3A_1628, %dma_wait3A_1638, %dma_wait3A_1639] : memref<4096x56x128xf32, #tpu.memory_space<hbm>> -> memref<1x50x64xf32, #tpu.memory_space<hbm>>
      %dma_wait3A_1641 = tpu.memref_squeeze %dma_wait3A_1640 : memref<1x50x64xf32, #tpu.memory_space<hbm>> -> memref<50x64xf32, #tpu.memory_space<hbm>>
      %dma_wait3A_1642 = tpu.memref_slice %arg13[%dma_wait3A_1630] : memref<2x!tpu.dma_semaphore, #tpu.memory_space<semaphore_mem>> -> memref<1x!tpu.dma_semaphore, #tpu.memory_space<semaphore_mem>>
      %dma_wait3A_1643 = tpu.memref_squeeze %dma_wait3A_1642 : memref<1x!tpu.dma_semaphore, #tpu.memory_space<semaphore_mem>> -> memref<!tpu.dma_semaphore, #tpu.memory_space<semaphore_mem>>
      %dma_wait3A_1644 = arith.constant 0 : i32
      %dma_wait3A_1645 = arith.constant 0 : i32
      %dma_wait3A_1646 = tpu.memref_slice %arg7[%add3A_1628, %dma_wait3A_1644, %dma_wait3A_1645] : memref<4096x56x128xf32, #tpu.memory_space<hbm>> -> memref<1x50x64xf32, #tpu.memory_space<hbm>>
      %dma_wait3A_1647 = tpu.memref_squeeze %dma_wait3A_1646 : memref<1x50x64xf32, #tpu.memory_space<hbm>> -> memref<50x64xf32, #tpu.memory_space<hbm>>
      %dma_wait3A_1648 = arith.constant 0 : i32
      %dma_wait3A_1649 = arith.constant 0 : i32
      %dma_wait3A_1650 = tpu.memref_slice %arg11[%dma_wait3A_1629, %dma_wait3A_1648, %dma_wait3A_1649] : memref<2x400x64xf32, #tpu.memory_space<vmem>> -> memref<1x400x64xf32, #tpu.memory_space<vmem>>
      %dma_wait3A_1651 = tpu.memref_squeeze %dma_wait3A_1650 : memref<1x400x64xf32, #tpu.memory_space<vmem>> -> memref<400x64xf32, #tpu.memory_space<vmem>>
      %dma_wait3A_1652 = arith.constant 100 : i32
      %dma_wait3A_1653 = arith.constant 0 : i32
      %dma_wait3A_1654 = tpu.memref_slice %dma_wait3A_1651[%dma_wait3A_1652, %dma_wait3A_1653] : memref<400x64xf32, #tpu.memory_space<vmem>> -> memref<50x64xf32, #tpu.memory_space<vmem>>
      tpu.wait_dma2 semaphore(%dma_wait3A_1643 : memref<!tpu.dma_semaphore, #tpu.memory_space<semaphore_mem>>) src(%dma_wait3A_1654 : memref<50x64xf32, #tpu.memory_space<vmem>>) dst(%dma_wait3A_1647 : memref<50x64xf32, #tpu.memory_space<hbm>>)
      %mul3A_1655 = arith.constant 8 : i32
      %mul3A_1656 = arith.muli %add3A_1561, %mul3A_1655 : i32
      %add3A_1657 = arith.addi %mul3A_2, %mul3A_1656 : i32
      %add3A_1658 = arith.constant 3 : i32
      %add3A_1659 = arith.addi %add3A_1657, %add3A_1658 : i32
      %dma_wait3A_1660 = arith.constant 0 : i32
      %dma_wait3A_1661 = arith.constant 0 : i32
      %dma_wait3A_1662 = arith.constant 0 : i32
      %dma_wait3A_1663 = arith.constant 0 : i32
      %dma_wait3A_1664 = tpu.memref_slice %arg11[%dma_wait3A_1660, %dma_wait3A_1662, %dma_wait3A_1663] : memref<2x400x64xf32, #tpu.memory_space<vmem>> -> memref<1x400x64xf32, #tpu.memory_space<vmem>>
      %dma_wait3A_1665 = tpu.memref_squeeze %dma_wait3A_1664 : memref<1x400x64xf32, #tpu.memory_space<vmem>> -> memref<400x64xf32, #tpu.memory_space<vmem>>
      %dma_wait3A_1666 = arith.constant 150 : i32
      %dma_wait3A_1667 = arith.constant 0 : i32
      %dma_wait3A_1668 = tpu.memref_slice %dma_wait3A_1665[%dma_wait3A_1666, %dma_wait3A_1667] : memref<400x64xf32, #tpu.memory_space<vmem>> -> memref<50x64xf32, #tpu.memory_space<vmem>>
      %dma_wait3A_1669 = arith.constant 0 : i32
      %dma_wait3A_1670 = arith.constant 0 : i32
      %dma_wait3A_1671 = tpu.memref_slice %arg7[%add3A_1659, %dma_wait3A_1669, %dma_wait3A_1670] : memref<4096x56x128xf32, #tpu.memory_space<hbm>> -> memref<1x50x64xf32, #tpu.memory_space<hbm>>
      %dma_wait3A_1672 = tpu.memref_squeeze %dma_wait3A_1671 : memref<1x50x64xf32, #tpu.memory_space<hbm>> -> memref<50x64xf32, #tpu.memory_space<hbm>>
      %dma_wait3A_1673 = tpu.memref_slice %arg13[%dma_wait3A_1661] : memref<2x!tpu.dma_semaphore, #tpu.memory_space<semaphore_mem>> -> memref<1x!tpu.dma_semaphore, #tpu.memory_space<semaphore_mem>>
      %dma_wait3A_1674 = tpu.memref_squeeze %dma_wait3A_1673 : memref<1x!tpu.dma_semaphore, #tpu.memory_space<semaphore_mem>> -> memref<!tpu.dma_semaphore, #tpu.memory_space<semaphore_mem>>
      %dma_wait3A_1675 = arith.constant 0 : i32
      %dma_wait3A_1676 = arith.constant 0 : i32
      %dma_wait3A_1677 = tpu.memref_slice %arg7[%add3A_1659, %dma_wait3A_1675, %dma_wait3A_1676] : memref<4096x56x128xf32, #tpu.memory_space<hbm>> -> memref<1x50x64xf32, #tpu.memory_space<hbm>>
      %dma_wait3A_1678 = tpu.memref_squeeze %dma_wait3A_1677 : memref<1x50x64xf32, #tpu.memory_space<hbm>> -> memref<50x64xf32, #tpu.memory_space<hbm>>
      %dma_wait3A_1679 = arith.constant 0 : i32
      %dma_wait3A_1680 = arith.constant 0 : i32
      %dma_wait3A_1681 = tpu.memref_slice %arg11[%dma_wait3A_1660, %dma_wait3A_1679, %dma_wait3A_1680] : memref<2x400x64xf32, #tpu.memory_space<vmem>> -> memref<1x400x64xf32, #tpu.memory_space<vmem>>
      %dma_wait3A_1682 = tpu.memref_squeeze %dma_wait3A_1681 : memref<1x400x64xf32, #tpu.memory_space<vmem>> -> memref<400x64xf32, #tpu.memory_space<vmem>>
      %dma_wait3A_1683 = arith.constant 150 : i32
      %dma_wait3A_1684 = arith.constant 0 : i32
      %dma_wait3A_1685 = tpu.memref_slice %dma_wait3A_1682[%dma_wait3A_1683, %dma_wait3A_1684] : memref<400x64xf32, #tpu.memory_space<vmem>> -> memref<50x64xf32, #tpu.memory_space<vmem>>
      tpu.wait_dma2 semaphore(%dma_wait3A_1674 : memref<!tpu.dma_semaphore, #tpu.memory_space<semaphore_mem>>) src(%dma_wait3A_1685 : memref<50x64xf32, #tpu.memory_space<vmem>>) dst(%dma_wait3A_1678 : memref<50x64xf32, #tpu.memory_space<hbm>>)
      %mul3A_1686 = arith.constant 8 : i32
      %mul3A_1687 = arith.muli %add3A_1561, %mul3A_1686 : i32
      %add3A_1688 = arith.addi %mul3A_2, %mul3A_1687 : i32
      %add3A_1689 = arith.constant 4 : i32
      %add3A_1690 = arith.addi %add3A_1688, %add3A_1689 : i32
      %dma_wait3A_1691 = arith.constant 0 : i32
      %dma_wait3A_1692 = arith.constant 0 : i32
      %dma_wait3A_1693 = arith.constant 0 : i32
      %dma_wait3A_1694 = arith.constant 0 : i32
      %dma_wait3A_1695 = tpu.memref_slice %arg11[%dma_wait3A_1691, %dma_wait3A_1693, %dma_wait3A_1694] : memref<2x400x64xf32, #tpu.memory_space<vmem>> -> memref<1x400x64xf32, #tpu.memory_space<vmem>>
      %dma_wait3A_1696 = tpu.memref_squeeze %dma_wait3A_1695 : memref<1x400x64xf32, #tpu.memory_space<vmem>> -> memref<400x64xf32, #tpu.memory_space<vmem>>
      %dma_wait3A_1697 = arith.constant 200 : i32
      %dma_wait3A_1698 = arith.constant 0 : i32
      %dma_wait3A_1699 = tpu.memref_slice %dma_wait3A_1696[%dma_wait3A_1697, %dma_wait3A_1698] : memref<400x64xf32, #tpu.memory_space<vmem>> -> memref<50x64xf32, #tpu.memory_space<vmem>>
      %dma_wait3A_1700 = arith.constant 0 : i32
      %dma_wait3A_1701 = arith.constant 0 : i32
      %dma_wait3A_1702 = tpu.memref_slice %arg7[%add3A_1690, %dma_wait3A_1700, %dma_wait3A_1701] : memref<4096x56x128xf32, #tpu.memory_space<hbm>> -> memref<1x50x64xf32, #tpu.memory_space<hbm>>
      %dma_wait3A_1703 = tpu.memref_squeeze %dma_wait3A_1702 : memref<1x50x64xf32, #tpu.memory_space<hbm>> -> memref<50x64xf32, #tpu.memory_space<hbm>>
      %dma_wait3A_1704 = tpu.memref_slice %arg13[%dma_wait3A_1692] : memref<2x!tpu.dma_semaphore, #tpu.memory_space<semaphore_mem>> -> memref<1x!tpu.dma_semaphore, #tpu.memory_space<semaphore_mem>>
      %dma_wait3A_1705 = tpu.memref_squeeze %dma_wait3A_1704 : memref<1x!tpu.dma_semaphore, #tpu.memory_space<semaphore_mem>> -> memref<!tpu.dma_semaphore, #tpu.memory_space<semaphore_mem>>
      %dma_wait3A_1706 = arith.constant 0 : i32
      %dma_wait3A_1707 = arith.constant 0 : i32
      %dma_wait3A_1708 = tpu.memref_slice %arg7[%add3A_1690, %dma_wait3A_1706, %dma_wait3A_1707] : memref<4096x56x128xf32, #tpu.memory_space<hbm>> -> memref<1x50x64xf32, #tpu.memory_space<hbm>>
      %dma_wait3A_1709 = tpu.memref_squeeze %dma_wait3A_1708 : memref<1x50x64xf32, #tpu.memory_space<hbm>> -> memref<50x64xf32, #tpu.memory_space<hbm>>
      %dma_wait3A_1710 = arith.constant 0 : i32
      %dma_wait3A_1711 = arith.constant 0 : i32
      %dma_wait3A_1712 = tpu.memref_slice %arg11[%dma_wait3A_1691, %dma_wait3A_1710, %dma_wait3A_1711] : memref<2x400x64xf32, #tpu.memory_space<vmem>> -> memref<1x400x64xf32, #tpu.memory_space<vmem>>
      %dma_wait3A_1713 = tpu.memref_squeeze %dma_wait3A_1712 : memref<1x400x64xf32, #tpu.memory_space<vmem>> -> memref<400x64xf32, #tpu.memory_space<vmem>>
      %dma_wait3A_1714 = arith.constant 200 : i32
      %dma_wait3A_1715 = arith.constant 0 : i32
      %dma_wait3A_1716 = tpu.memref_slice %dma_wait3A_1713[%dma_wait3A_1714, %dma_wait3A_1715] : memref<400x64xf32, #tpu.memory_space<vmem>> -> memref<50x64xf32, #tpu.memory_space<vmem>>
      tpu.wait_dma2 semaphore(%dma_wait3A_1705 : memref<!tpu.dma_semaphore, #tpu.memory_space<semaphore_mem>>) src(%dma_wait3A_1716 : memref<50x64xf32, #tpu.memory_space<vmem>>) dst(%dma_wait3A_1709 : memref<50x64xf32, #tpu.memory_space<hbm>>)
      %mul3A_1717 = arith.constant 8 : i32
      %mul3A_1718 = arith.muli %add3A_1561, %mul3A_1717 : i32
      %add3A_1719 = arith.addi %mul3A_2, %mul3A_1718 : i32
      %add3A_1720 = arith.constant 5 : i32
      %add3A_1721 = arith.addi %add3A_1719, %add3A_1720 : i32
      %dma_wait3A_1722 = arith.constant 0 : i32
      %dma_wait3A_1723 = arith.constant 0 : i32
      %dma_wait3A_1724 = arith.constant 0 : i32
      %dma_wait3A_1725 = arith.constant 0 : i32
      %dma_wait3A_1726 = tpu.memref_slice %arg11[%dma_wait3A_1722, %dma_wait3A_1724, %dma_wait3A_1725] : memref<2x400x64xf32, #tpu.memory_space<vmem>> -> memref<1x400x64xf32, #tpu.memory_space<vmem>>
      %dma_wait3A_1727 = tpu.memref_squeeze %dma_wait3A_1726 : memref<1x400x64xf32, #tpu.memory_space<vmem>> -> memref<400x64xf32, #tpu.memory_space<vmem>>
      %dma_wait3A_1728 = arith.constant 250 : i32
      %dma_wait3A_1729 = arith.constant 0 : i32
      %dma_wait3A_1730 = tpu.memref_slice %dma_wait3A_1727[%dma_wait3A_1728, %dma_wait3A_1729] : memref<400x64xf32, #tpu.memory_space<vmem>> -> memref<50x64xf32, #tpu.memory_space<vmem>>
      %dma_wait3A_1731 = arith.constant 0 : i32
      %dma_wait3A_1732 = arith.constant 0 : i32
      %dma_wait3A_1733 = tpu.memref_slice %arg7[%add3A_1721, %dma_wait3A_1731, %dma_wait3A_1732] : memref<4096x56x128xf32, #tpu.memory_space<hbm>> -> memref<1x50x64xf32, #tpu.memory_space<hbm>>
      %dma_wait3A_1734 = tpu.memref_squeeze %dma_wait3A_1733 : memref<1x50x64xf32, #tpu.memory_space<hbm>> -> memref<50x64xf32, #tpu.memory_space<hbm>>
      %dma_wait3A_1735 = tpu.memref_slice %arg13[%dma_wait3A_1723] : memref<2x!tpu.dma_semaphore, #tpu.memory_space<semaphore_mem>> -> memref<1x!tpu.dma_semaphore, #tpu.memory_space<semaphore_mem>>
      %dma_wait3A_1736 = tpu.memref_squeeze %dma_wait3A_1735 : memref<1x!tpu.dma_semaphore, #tpu.memory_space<semaphore_mem>> -> memref<!tpu.dma_semaphore, #tpu.memory_space<semaphore_mem>>
      %dma_wait3A_1737 = arith.constant 0 : i32
      %dma_wait3A_1738 = arith.constant 0 : i32
      %dma_wait3A_1739 = tpu.memref_slice %arg7[%add3A_1721, %dma_wait3A_1737, %dma_wait3A_1738] : memref<4096x56x128xf32, #tpu.memory_space<hbm>> -> memref<1x50x64xf32, #tpu.memory_space<hbm>>
      %dma_wait3A_1740 = tpu.memref_squeeze %dma_wait3A_1739 : memref<1x50x64xf32, #tpu.memory_space<hbm>> -> memref<50x64xf32, #tpu.memory_space<hbm>>
      %dma_wait3A_1741 = arith.constant 0 : i32
      %dma_wait3A_1742 = arith.constant 0 : i32
      %dma_wait3A_1743 = tpu.memref_slice %arg11[%dma_wait3A_1722, %dma_wait3A_1741, %dma_wait3A_1742] : memref<2x400x64xf32, #tpu.memory_space<vmem>> -> memref<1x400x64xf32, #tpu.memory_space<vmem>>
      %dma_wait3A_1744 = tpu.memref_squeeze %dma_wait3A_1743 : memref<1x400x64xf32, #tpu.memory_space<vmem>> -> memref<400x64xf32, #tpu.memory_space<vmem>>
      %dma_wait3A_1745 = arith.constant 250 : i32
      %dma_wait3A_1746 = arith.constant 0 : i32
      %dma_wait3A_1747 = tpu.memref_slice %dma_wait3A_1744[%dma_wait3A_1745, %dma_wait3A_1746] : memref<400x64xf32, #tpu.memory_space<vmem>> -> memref<50x64xf32, #tpu.memory_space<vmem>>
      tpu.wait_dma2 semaphore(%dma_wait3A_1736 : memref<!tpu.dma_semaphore, #tpu.memory_space<semaphore_mem>>) src(%dma_wait3A_1747 : memref<50x64xf32, #tpu.memory_space<vmem>>) dst(%dma_wait3A_1740 : memref<50x64xf32, #tpu.memory_space<hbm>>)
      %mul3A_1748 = arith.constant 8 : i32
      %mul3A_1749 = arith.muli %add3A_1561, %mul3A_1748 : i32
      %add3A_1750 = arith.addi %mul3A_2, %mul3A_1749 : i32
      %add3A_1751 = arith.constant 6 : i32
      %add3A_1752 = arith.addi %add3A_1750, %add3A_1751 : i32
      %dma_wait3A_1753 = arith.constant 0 : i32
      %dma_wait3A_1754 = arith.constant 0 : i32
      %dma_wait3A_1755 = arith.constant 0 : i32
      %dma_wait3A_1756 = arith.constant 0 : i32
      %dma_wait3A_1757 = tpu.memref_slice %arg11[%dma_wait3A_1753, %dma_wait3A_1755, %dma_wait3A_1756] : memref<2x400x64xf32, #tpu.memory_space<vmem>> -> memref<1x400x64xf32, #tpu.memory_space<vmem>>
      %dma_wait3A_1758 = tpu.memref_squeeze %dma_wait3A_1757 : memref<1x400x64xf32, #tpu.memory_space<vmem>> -> memref<400x64xf32, #tpu.memory_space<vmem>>
      %dma_wait3A_1759 = arith.constant 300 : i32
      %dma_wait3A_1760 = arith.constant 0 : i32
      %dma_wait3A_1761 = tpu.memref_slice %dma_wait3A_1758[%dma_wait3A_1759, %dma_wait3A_1760] : memref<400x64xf32, #tpu.memory_space<vmem>> -> memref<50x64xf32, #tpu.memory_space<vmem>>
      %dma_wait3A_1762 = arith.constant 0 : i32
      %dma_wait3A_1763 = arith.constant 0 : i32
      %dma_wait3A_1764 = tpu.memref_slice %arg7[%add3A_1752, %dma_wait3A_1762, %dma_wait3A_1763] : memref<4096x56x128xf32, #tpu.memory_space<hbm>> -> memref<1x50x64xf32, #tpu.memory_space<hbm>>
      %dma_wait3A_1765 = tpu.memref_squeeze %dma_wait3A_1764 : memref<1x50x64xf32, #tpu.memory_space<hbm>> -> memref<50x64xf32, #tpu.memory_space<hbm>>
      %dma_wait3A_1766 = tpu.memref_slice %arg13[%dma_wait3A_1754] : memref<2x!tpu.dma_semaphore, #tpu.memory_space<semaphore_mem>> -> memref<1x!tpu.dma_semaphore, #tpu.memory_space<semaphore_mem>>
      %dma_wait3A_1767 = tpu.memref_squeeze %dma_wait3A_1766 : memref<1x!tpu.dma_semaphore, #tpu.memory_space<semaphore_mem>> -> memref<!tpu.dma_semaphore, #tpu.memory_space<semaphore_mem>>
      %dma_wait3A_1768 = arith.constant 0 : i32
      %dma_wait3A_1769 = arith.constant 0 : i32
      %dma_wait3A_1770 = tpu.memref_slice %arg7[%add3A_1752, %dma_wait3A_1768, %dma_wait3A_1769] : memref<4096x56x128xf32, #tpu.memory_space<hbm>> -> memref<1x50x64xf32, #tpu.memory_space<hbm>>
      %dma_wait3A_1771 = tpu.memref_squeeze %dma_wait3A_1770 : memref<1x50x64xf32, #tpu.memory_space<hbm>> -> memref<50x64xf32, #tpu.memory_space<hbm>>
      %dma_wait3A_1772 = arith.constant 0 : i32
      %dma_wait3A_1773 = arith.constant 0 : i32
      %dma_wait3A_1774 = tpu.memref_slice %arg11[%dma_wait3A_1753, %dma_wait3A_1772, %dma_wait3A_1773] : memref<2x400x64xf32, #tpu.memory_space<vmem>> -> memref<1x400x64xf32, #tpu.memory_space<vmem>>
      %dma_wait3A_1775 = tpu.memref_squeeze %dma_wait3A_1774 : memref<1x400x64xf32, #tpu.memory_space<vmem>> -> memref<400x64xf32, #tpu.memory_space<vmem>>
      %dma_wait3A_1776 = arith.constant 300 : i32
      %dma_wait3A_1777 = arith.constant 0 : i32
      %dma_wait3A_1778 = tpu.memref_slice %dma_wait3A_1775[%dma_wait3A_1776, %dma_wait3A_1777] : memref<400x64xf32, #tpu.memory_space<vmem>> -> memref<50x64xf32, #tpu.memory_space<vmem>>
      tpu.wait_dma2 semaphore(%dma_wait3A_1767 : memref<!tpu.dma_semaphore, #tpu.memory_space<semaphore_mem>>) src(%dma_wait3A_1778 : memref<50x64xf32, #tpu.memory_space<vmem>>) dst(%dma_wait3A_1771 : memref<50x64xf32, #tpu.memory_space<hbm>>)
      %mul3A_1779 = arith.constant 8 : i32
      %mul3A_1780 = arith.muli %add3A_1561, %mul3A_1779 : i32
      %add3A_1781 = arith.addi %mul3A_2, %mul3A_1780 : i32
      %add3A_1782 = arith.constant 7 : i32
      %add3A_1783 = arith.addi %add3A_1781, %add3A_1782 : i32
      %dma_wait3A_1784 = arith.constant 0 : i32
      %dma_wait3A_1785 = arith.constant 0 : i32
      %dma_wait3A_1786 = arith.constant 0 : i32
      %dma_wait3A_1787 = arith.constant 0 : i32
      %dma_wait3A_1788 = tpu.memref_slice %arg11[%dma_wait3A_1784, %dma_wait3A_1786, %dma_wait3A_1787] : memref<2x400x64xf32, #tpu.memory_space<vmem>> -> memref<1x400x64xf32, #tpu.memory_space<vmem>>
      %dma_wait3A_1789 = tpu.memref_squeeze %dma_wait3A_1788 : memref<1x400x64xf32, #tpu.memory_space<vmem>> -> memref<400x64xf32, #tpu.memory_space<vmem>>
      %dma_wait3A_1790 = arith.constant 350 : i32
      %dma_wait3A_1791 = arith.constant 0 : i32
      %dma_wait3A_1792 = tpu.memref_slice %dma_wait3A_1789[%dma_wait3A_1790, %dma_wait3A_1791] : memref<400x64xf32, #tpu.memory_space<vmem>> -> memref<50x64xf32, #tpu.memory_space<vmem>>
      %dma_wait3A_1793 = arith.constant 0 : i32
      %dma_wait3A_1794 = arith.constant 0 : i32
      %dma_wait3A_1795 = tpu.memref_slice %arg7[%add3A_1783, %dma_wait3A_1793, %dma_wait3A_1794] : memref<4096x56x128xf32, #tpu.memory_space<hbm>> -> memref<1x50x64xf32, #tpu.memory_space<hbm>>
      %dma_wait3A_1796 = tpu.memref_squeeze %dma_wait3A_1795 : memref<1x50x64xf32, #tpu.memory_space<hbm>> -> memref<50x64xf32, #tpu.memory_space<hbm>>
      %dma_wait3A_1797 = tpu.memref_slice %arg13[%dma_wait3A_1785] : memref<2x!tpu.dma_semaphore, #tpu.memory_space<semaphore_mem>> -> memref<1x!tpu.dma_semaphore, #tpu.memory_space<semaphore_mem>>
      %dma_wait3A_1798 = tpu.memref_squeeze %dma_wait3A_1797 : memref<1x!tpu.dma_semaphore, #tpu.memory_space<semaphore_mem>> -> memref<!tpu.dma_semaphore, #tpu.memory_space<semaphore_mem>>
      %dma_wait3A_1799 = arith.constant 0 : i32
      %dma_wait3A_1800 = arith.constant 0 : i32
      %dma_wait3A_1801 = tpu.memref_slice %arg7[%add3A_1783, %dma_wait3A_1799, %dma_wait3A_1800] : memref<4096x56x128xf32, #tpu.memory_space<hbm>> -> memref<1x50x64xf32, #tpu.memory_space<hbm>>
      %dma_wait3A_1802 = tpu.memref_squeeze %dma_wait3A_1801 : memref<1x50x64xf32, #tpu.memory_space<hbm>> -> memref<50x64xf32, #tpu.memory_space<hbm>>
      %dma_wait3A_1803 = arith.constant 0 : i32
      %dma_wait3A_1804 = arith.constant 0 : i32
      %dma_wait3A_1805 = tpu.memref_slice %arg11[%dma_wait3A_1784, %dma_wait3A_1803, %dma_wait3A_1804] : memref<2x400x64xf32, #tpu.memory_space<vmem>> -> memref<1x400x64xf32, #tpu.memory_space<vmem>>
      %dma_wait3A_1806 = tpu.memref_squeeze %dma_wait3A_1805 : memref<1x400x64xf32, #tpu.memory_space<vmem>> -> memref<400x64xf32, #tpu.memory_space<vmem>>
      %dma_wait3A_1807 = arith.constant 350 : i32
      %dma_wait3A_1808 = arith.constant 0 : i32
      %dma_wait3A_1809 = tpu.memref_slice %dma_wait3A_1806[%dma_wait3A_1807, %dma_wait3A_1808] : memref<400x64xf32, #tpu.memory_space<vmem>> -> memref<50x64xf32, #tpu.memory_space<vmem>>
      tpu.wait_dma2 semaphore(%dma_wait3A_1798 : memref<!tpu.dma_semaphore, #tpu.memory_space<semaphore_mem>>) src(%dma_wait3A_1809 : memref<50x64xf32, #tpu.memory_space<vmem>>) dst(%dma_wait3A_1802 : memref<50x64xf32, #tpu.memory_space<hbm>>)
      %add3A_1810 = arith.constant 0 : i32
      %add3A_1811 = arith.addi %add3A_1027, %add3A_1810 : i32
      %add3A_1812 = arith.constant 2 : i32
      %add3A_1813 = arith.addi %add3A_1811, %add3A_1812 : i32
      %mul3A_1814 = arith.constant 400 : i32
      %mul3A_1815 = arith.muli %add3A_1813, %mul3A_1814 : i32
      %dma_start3A_1816 = arith.constant 0 : i32
      %dma_start3A_1817 = arith.constant 0 : i32
      %dma_start3A_1818 = arith.constant 0 : i32
      %dma_start3A_1819 = arith.constant 0 : i32
      %dma_start3A_1820 = tpu.memref_slice %arg11[%dma_start3A_1816, %dma_start3A_1818, %dma_start3A_1819] : memref<2x400x64xf32, #tpu.memory_space<vmem>> -> memref<1x400x64xf32, #tpu.memory_space<vmem>>
      %dma_start3A_1821 = tpu.memref_squeeze %dma_start3A_1820 : memref<1x400x64xf32, #tpu.memory_space<vmem>> -> memref<400x64xf32, #tpu.memory_space<vmem>>
      %dma_start3A_1822 = tpu.memref_slice %arg10[%mul3A_1815] : memref<6400xi32, #tpu.memory_space<vmem>> -> memref<400xi32, #tpu.memory_space<vmem>>
      %dma_start3A_1823 = arith.constant 0 : i32
      %dma_start3A_1824 = arith.constant 0 : i32
      %dma_start3A_1825 = tpu.memref_slice %arg3[%dma_start3A_1823, %dma_start3A_1824] : memref<100000x64xf32, #tpu.memory_space<hbm>> -> memref<100000x64xf32, #tpu.memory_space<hbm>>
      %dma_start3A_1826 = tpu.memref_slice %arg12[%dma_start3A_1817] : memref<2x!tpu.dma_semaphore, #tpu.memory_space<semaphore_mem>> -> memref<1x!tpu.dma_semaphore, #tpu.memory_space<semaphore_mem>>
      %dma_start3A_1827 = tpu.memref_squeeze %dma_start3A_1826 : memref<1x!tpu.dma_semaphore, #tpu.memory_space<semaphore_mem>> -> memref<!tpu.dma_semaphore, #tpu.memory_space<semaphore_mem>>
      tpu.enqueue_indirect_dma source(%dma_start3A_1825 : memref<100000x64xf32, #tpu.memory_space<hbm>>) target(%dma_start3A_1821 : memref<400x64xf32, #tpu.memory_space<vmem>>) offsets(%dma_start3A_1822 : memref<400xi32, #tpu.memory_space<vmem>>) semaphore(%dma_start3A_1827 : memref<!tpu.dma_semaphore, #tpu.memory_space<semaphore_mem>>)
      %add3A_1828 = arith.constant 1 : i32
      %add3A_1829 = arith.addi %add3A_1027, %add3A_1828 : i32
      %mul3A_1830 = arith.constant 8 : i32
      %mul3A_1831 = arith.muli %add3A_1829, %mul3A_1830 : i32
      %add3A_1832 = arith.addi %mul3A_2, %mul3A_1831 : i32
      %add3A_1833 = arith.constant 0 : i32
      %add3A_1834 = arith.addi %add3A_1832, %add3A_1833 : i32
      %dma_wait3A_1835 = arith.constant 1 : i32
      %dma_wait3A_1836 = arith.constant 1 : i32
      %dma_wait3A_1837 = arith.constant 0 : i32
      %dma_wait3A_1838 = arith.constant 0 : i32
      %dma_wait3A_1839 = tpu.memref_slice %arg11[%dma_wait3A_1835, %dma_wait3A_1837, %dma_wait3A_1838] : memref<2x400x64xf32, #tpu.memory_space<vmem>> -> memref<1x400x64xf32, #tpu.memory_space<vmem>>
      %dma_wait3A_1840 = tpu.memref_squeeze %dma_wait3A_1839 : memref<1x400x64xf32, #tpu.memory_space<vmem>> -> memref<400x64xf32, #tpu.memory_space<vmem>>
      %dma_wait3A_1841 = arith.constant 0 : i32
      %dma_wait3A_1842 = arith.constant 0 : i32
      %dma_wait3A_1843 = tpu.memref_slice %dma_wait3A_1840[%dma_wait3A_1841, %dma_wait3A_1842] : memref<400x64xf32, #tpu.memory_space<vmem>> -> memref<50x64xf32, #tpu.memory_space<vmem>>
      %dma_wait3A_1844 = arith.constant 0 : i32
      %dma_wait3A_1845 = arith.constant 0 : i32
      %dma_wait3A_1846 = tpu.memref_slice %arg7[%add3A_1834, %dma_wait3A_1844, %dma_wait3A_1845] : memref<4096x56x128xf32, #tpu.memory_space<hbm>> -> memref<1x50x64xf32, #tpu.memory_space<hbm>>
      %dma_wait3A_1847 = tpu.memref_squeeze %dma_wait3A_1846 : memref<1x50x64xf32, #tpu.memory_space<hbm>> -> memref<50x64xf32, #tpu.memory_space<hbm>>
      %dma_wait3A_1848 = tpu.memref_slice %arg13[%dma_wait3A_1836] : memref<2x!tpu.dma_semaphore, #tpu.memory_space<semaphore_mem>> -> memref<1x!tpu.dma_semaphore, #tpu.memory_space<semaphore_mem>>
      %dma_wait3A_1849 = tpu.memref_squeeze %dma_wait3A_1848 : memref<1x!tpu.dma_semaphore, #tpu.memory_space<semaphore_mem>> -> memref<!tpu.dma_semaphore, #tpu.memory_space<semaphore_mem>>
      %dma_wait3A_1850 = arith.constant 0 : i32
      %dma_wait3A_1851 = arith.constant 0 : i32
      %dma_wait3A_1852 = tpu.memref_slice %arg7[%add3A_1834, %dma_wait3A_1850, %dma_wait3A_1851] : memref<4096x56x128xf32, #tpu.memory_space<hbm>> -> memref<1x50x64xf32, #tpu.memory_space<hbm>>
      %dma_wait3A_1853 = tpu.memref_squeeze %dma_wait3A_1852 : memref<1x50x64xf32, #tpu.memory_space<hbm>> -> memref<50x64xf32, #tpu.memory_space<hbm>>
      %dma_wait3A_1854 = arith.constant 0 : i32
      %dma_wait3A_1855 = arith.constant 0 : i32
      %dma_wait3A_1856 = tpu.memref_slice %arg11[%dma_wait3A_1835, %dma_wait3A_1854, %dma_wait3A_1855] : memref<2x400x64xf32, #tpu.memory_space<vmem>> -> memref<1x400x64xf32, #tpu.memory_space<vmem>>
      %dma_wait3A_1857 = tpu.memref_squeeze %dma_wait3A_1856 : memref<1x400x64xf32, #tpu.memory_space<vmem>> -> memref<400x64xf32, #tpu.memory_space<vmem>>
      %dma_wait3A_1858 = arith.constant 0 : i32
      %dma_wait3A_1859 = arith.constant 0 : i32
      %dma_wait3A_1860 = tpu.memref_slice %dma_wait3A_1857[%dma_wait3A_1858, %dma_wait3A_1859] : memref<400x64xf32, #tpu.memory_space<vmem>> -> memref<50x64xf32, #tpu.memory_space<vmem>>
      tpu.wait_dma2 semaphore(%dma_wait3A_1849 : memref<!tpu.dma_semaphore, #tpu.memory_space<semaphore_mem>>) src(%dma_wait3A_1860 : memref<50x64xf32, #tpu.memory_space<vmem>>) dst(%dma_wait3A_1853 : memref<50x64xf32, #tpu.memory_space<hbm>>)
      %mul3A_1861 = arith.constant 8 : i32
      %mul3A_1862 = arith.muli %add3A_1829, %mul3A_1861 : i32
      %add3A_1863 = arith.addi %mul3A_2, %mul3A_1862 : i32
      %add3A_1864 = arith.constant 1 : i32
      %add3A_1865 = arith.addi %add3A_1863, %add3A_1864 : i32
      %dma_wait3A_1866 = arith.constant 1 : i32
      %dma_wait3A_1867 = arith.constant 1 : i32
      %dma_wait3A_1868 = arith.constant 0 : i32
      %dma_wait3A_1869 = arith.constant 0 : i32
      %dma_wait3A_1870 = tpu.memref_slice %arg11[%dma_wait3A_1866, %dma_wait3A_1868, %dma_wait3A_1869] : memref<2x400x64xf32, #tpu.memory_space<vmem>> -> memref<1x400x64xf32, #tpu.memory_space<vmem>>
      %dma_wait3A_1871 = tpu.memref_squeeze %dma_wait3A_1870 : memref<1x400x64xf32, #tpu.memory_space<vmem>> -> memref<400x64xf32, #tpu.memory_space<vmem>>
      %dma_wait3A_1872 = arith.constant 50 : i32
      %dma_wait3A_1873 = arith.constant 0 : i32
      %dma_wait3A_1874 = tpu.memref_slice %dma_wait3A_1871[%dma_wait3A_1872, %dma_wait3A_1873] : memref<400x64xf32, #tpu.memory_space<vmem>> -> memref<50x64xf32, #tpu.memory_space<vmem>>
      %dma_wait3A_1875 = arith.constant 0 : i32
      %dma_wait3A_1876 = arith.constant 0 : i32
      %dma_wait3A_1877 = tpu.memref_slice %arg7[%add3A_1865, %dma_wait3A_1875, %dma_wait3A_1876] : memref<4096x56x128xf32, #tpu.memory_space<hbm>> -> memref<1x50x64xf32, #tpu.memory_space<hbm>>
      %dma_wait3A_1878 = tpu.memref_squeeze %dma_wait3A_1877 : memref<1x50x64xf32, #tpu.memory_space<hbm>> -> memref<50x64xf32, #tpu.memory_space<hbm>>
      %dma_wait3A_1879 = tpu.memref_slice %arg13[%dma_wait3A_1867] : memref<2x!tpu.dma_semaphore, #tpu.memory_space<semaphore_mem>> -> memref<1x!tpu.dma_semaphore, #tpu.memory_space<semaphore_mem>>
      %dma_wait3A_1880 = tpu.memref_squeeze %dma_wait3A_1879 : memref<1x!tpu.dma_semaphore, #tpu.memory_space<semaphore_mem>> -> memref<!tpu.dma_semaphore, #tpu.memory_space<semaphore_mem>>
      %dma_wait3A_1881 = arith.constant 0 : i32
      %dma_wait3A_1882 = arith.constant 0 : i32
      %dma_wait3A_1883 = tpu.memref_slice %arg7[%add3A_1865, %dma_wait3A_1881, %dma_wait3A_1882] : memref<4096x56x128xf32, #tpu.memory_space<hbm>> -> memref<1x50x64xf32, #tpu.memory_space<hbm>>
      %dma_wait3A_1884 = tpu.memref_squeeze %dma_wait3A_1883 : memref<1x50x64xf32, #tpu.memory_space<hbm>> -> memref<50x64xf32, #tpu.memory_space<hbm>>
      %dma_wait3A_1885 = arith.constant 0 : i32
      %dma_wait3A_1886 = arith.constant 0 : i32
      %dma_wait3A_1887 = tpu.memref_slice %arg11[%dma_wait3A_1866, %dma_wait3A_1885, %dma_wait3A_1886] : memref<2x400x64xf32, #tpu.memory_space<vmem>> -> memref<1x400x64xf32, #tpu.memory_space<vmem>>
      %dma_wait3A_1888 = tpu.memref_squeeze %dma_wait3A_1887 : memref<1x400x64xf32, #tpu.memory_space<vmem>> -> memref<400x64xf32, #tpu.memory_space<vmem>>
      %dma_wait3A_1889 = arith.constant 50 : i32
      %dma_wait3A_1890 = arith.constant 0 : i32
      %dma_wait3A_1891 = tpu.memref_slice %dma_wait3A_1888[%dma_wait3A_1889, %dma_wait3A_1890] : memref<400x64xf32, #tpu.memory_space<vmem>> -> memref<50x64xf32, #tpu.memory_space<vmem>>
      tpu.wait_dma2 semaphore(%dma_wait3A_1880 : memref<!tpu.dma_semaphore, #tpu.memory_space<semaphore_mem>>) src(%dma_wait3A_1891 : memref<50x64xf32, #tpu.memory_space<vmem>>) dst(%dma_wait3A_1884 : memref<50x64xf32, #tpu.memory_space<hbm>>)
      %mul3A_1892 = arith.constant 8 : i32
      %mul3A_1893 = arith.muli %add3A_1829, %mul3A_1892 : i32
      %add3A_1894 = arith.addi %mul3A_2, %mul3A_1893 : i32
      %add3A_1895 = arith.constant 2 : i32
      %add3A_1896 = arith.addi %add3A_1894, %add3A_1895 : i32
      %dma_wait3A_1897 = arith.constant 1 : i32
      %dma_wait3A_1898 = arith.constant 1 : i32
      %dma_wait3A_1899 = arith.constant 0 : i32
      %dma_wait3A_1900 = arith.constant 0 : i32
      %dma_wait3A_1901 = tpu.memref_slice %arg11[%dma_wait3A_1897, %dma_wait3A_1899, %dma_wait3A_1900] : memref<2x400x64xf32, #tpu.memory_space<vmem>> -> memref<1x400x64xf32, #tpu.memory_space<vmem>>
      %dma_wait3A_1902 = tpu.memref_squeeze %dma_wait3A_1901 : memref<1x400x64xf32, #tpu.memory_space<vmem>> -> memref<400x64xf32, #tpu.memory_space<vmem>>
      %dma_wait3A_1903 = arith.constant 100 : i32
      %dma_wait3A_1904 = arith.constant 0 : i32
      %dma_wait3A_1905 = tpu.memref_slice %dma_wait3A_1902[%dma_wait3A_1903, %dma_wait3A_1904] : memref<400x64xf32, #tpu.memory_space<vmem>> -> memref<50x64xf32, #tpu.memory_space<vmem>>
      %dma_wait3A_1906 = arith.constant 0 : i32
      %dma_wait3A_1907 = arith.constant 0 : i32
      %dma_wait3A_1908 = tpu.memref_slice %arg7[%add3A_1896, %dma_wait3A_1906, %dma_wait3A_1907] : memref<4096x56x128xf32, #tpu.memory_space<hbm>> -> memref<1x50x64xf32, #tpu.memory_space<hbm>>
      %dma_wait3A_1909 = tpu.memref_squeeze %dma_wait3A_1908 : memref<1x50x64xf32, #tpu.memory_space<hbm>> -> memref<50x64xf32, #tpu.memory_space<hbm>>
      %dma_wait3A_1910 = tpu.memref_slice %arg13[%dma_wait3A_1898] : memref<2x!tpu.dma_semaphore, #tpu.memory_space<semaphore_mem>> -> memref<1x!tpu.dma_semaphore, #tpu.memory_space<semaphore_mem>>
      %dma_wait3A_1911 = tpu.memref_squeeze %dma_wait3A_1910 : memref<1x!tpu.dma_semaphore, #tpu.memory_space<semaphore_mem>> -> memref<!tpu.dma_semaphore, #tpu.memory_space<semaphore_mem>>
      %dma_wait3A_1912 = arith.constant 0 : i32
      %dma_wait3A_1913 = arith.constant 0 : i32
      %dma_wait3A_1914 = tpu.memref_slice %arg7[%add3A_1896, %dma_wait3A_1912, %dma_wait3A_1913] : memref<4096x56x128xf32, #tpu.memory_space<hbm>> -> memref<1x50x64xf32, #tpu.memory_space<hbm>>
      %dma_wait3A_1915 = tpu.memref_squeeze %dma_wait3A_1914 : memref<1x50x64xf32, #tpu.memory_space<hbm>> -> memref<50x64xf32, #tpu.memory_space<hbm>>
      %dma_wait3A_1916 = arith.constant 0 : i32
      %dma_wait3A_1917 = arith.constant 0 : i32
      %dma_wait3A_1918 = tpu.memref_slice %arg11[%dma_wait3A_1897, %dma_wait3A_1916, %dma_wait3A_1917] : memref<2x400x64xf32, #tpu.memory_space<vmem>> -> memref<1x400x64xf32, #tpu.memory_space<vmem>>
      %dma_wait3A_1919 = tpu.memref_squeeze %dma_wait3A_1918 : memref<1x400x64xf32, #tpu.memory_space<vmem>> -> memref<400x64xf32, #tpu.memory_space<vmem>>
      %dma_wait3A_1920 = arith.constant 100 : i32
      %dma_wait3A_1921 = arith.constant 0 : i32
      %dma_wait3A_1922 = tpu.memref_slice %dma_wait3A_1919[%dma_wait3A_1920, %dma_wait3A_1921] : memref<400x64xf32, #tpu.memory_space<vmem>> -> memref<50x64xf32, #tpu.memory_space<vmem>>
      tpu.wait_dma2 semaphore(%dma_wait3A_1911 : memref<!tpu.dma_semaphore, #tpu.memory_space<semaphore_mem>>) src(%dma_wait3A_1922 : memref<50x64xf32, #tpu.memory_space<vmem>>) dst(%dma_wait3A_1915 : memref<50x64xf32, #tpu.memory_space<hbm>>)
      %mul3A_1923 = arith.constant 8 : i32
      %mul3A_1924 = arith.muli %add3A_1829, %mul3A_1923 : i32
      %add3A_1925 = arith.addi %mul3A_2, %mul3A_1924 : i32
      %add3A_1926 = arith.constant 3 : i32
      %add3A_1927 = arith.addi %add3A_1925, %add3A_1926 : i32
      %dma_wait3A_1928 = arith.constant 1 : i32
      %dma_wait3A_1929 = arith.constant 1 : i32
      %dma_wait3A_1930 = arith.constant 0 : i32
      %dma_wait3A_1931 = arith.constant 0 : i32
      %dma_wait3A_1932 = tpu.memref_slice %arg11[%dma_wait3A_1928, %dma_wait3A_1930, %dma_wait3A_1931] : memref<2x400x64xf32, #tpu.memory_space<vmem>> -> memref<1x400x64xf32, #tpu.memory_space<vmem>>
      %dma_wait3A_1933 = tpu.memref_squeeze %dma_wait3A_1932 : memref<1x400x64xf32, #tpu.memory_space<vmem>> -> memref<400x64xf32, #tpu.memory_space<vmem>>
      %dma_wait3A_1934 = arith.constant 150 : i32
      %dma_wait3A_1935 = arith.constant 0 : i32
      %dma_wait3A_1936 = tpu.memref_slice %dma_wait3A_1933[%dma_wait3A_1934, %dma_wait3A_1935] : memref<400x64xf32, #tpu.memory_space<vmem>> -> memref<50x64xf32, #tpu.memory_space<vmem>>
      %dma_wait3A_1937 = arith.constant 0 : i32
      %dma_wait3A_1938 = arith.constant 0 : i32
      %dma_wait3A_1939 = tpu.memref_slice %arg7[%add3A_1927, %dma_wait3A_1937, %dma_wait3A_1938] : memref<4096x56x128xf32, #tpu.memory_space<hbm>> -> memref<1x50x64xf32, #tpu.memory_space<hbm>>
      %dma_wait3A_1940 = tpu.memref_squeeze %dma_wait3A_1939 : memref<1x50x64xf32, #tpu.memory_space<hbm>> -> memref<50x64xf32, #tpu.memory_space<hbm>>
      %dma_wait3A_1941 = tpu.memref_slice %arg13[%dma_wait3A_1929] : memref<2x!tpu.dma_semaphore, #tpu.memory_space<semaphore_mem>> -> memref<1x!tpu.dma_semaphore, #tpu.memory_space<semaphore_mem>>
      %dma_wait3A_1942 = tpu.memref_squeeze %dma_wait3A_1941 : memref<1x!tpu.dma_semaphore, #tpu.memory_space<semaphore_mem>> -> memref<!tpu.dma_semaphore, #tpu.memory_space<semaphore_mem>>
      %dma_wait3A_1943 = arith.constant 0 : i32
      %dma_wait3A_1944 = arith.constant 0 : i32
      %dma_wait3A_1945 = tpu.memref_slice %arg7[%add3A_1927, %dma_wait3A_1943, %dma_wait3A_1944] : memref<4096x56x128xf32, #tpu.memory_space<hbm>> -> memref<1x50x64xf32, #tpu.memory_space<hbm>>
      %dma_wait3A_1946 = tpu.memref_squeeze %dma_wait3A_1945 : memref<1x50x64xf32, #tpu.memory_space<hbm>> -> memref<50x64xf32, #tpu.memory_space<hbm>>
      %dma_wait3A_1947 = arith.constant 0 : i32
      %dma_wait3A_1948 = arith.constant 0 : i32
      %dma_wait3A_1949 = tpu.memref_slice %arg11[%dma_wait3A_1928, %dma_wait3A_1947, %dma_wait3A_1948] : memref<2x400x64xf32, #tpu.memory_space<vmem>> -> memref<1x400x64xf32, #tpu.memory_space<vmem>>
      %dma_wait3A_1950 = tpu.memref_squeeze %dma_wait3A_1949 : memref<1x400x64xf32, #tpu.memory_space<vmem>> -> memref<400x64xf32, #tpu.memory_space<vmem>>
      %dma_wait3A_1951 = arith.constant 150 : i32
      %dma_wait3A_1952 = arith.constant 0 : i32
      %dma_wait3A_1953 = tpu.memref_slice %dma_wait3A_1950[%dma_wait3A_1951, %dma_wait3A_1952] : memref<400x64xf32, #tpu.memory_space<vmem>> -> memref<50x64xf32, #tpu.memory_space<vmem>>
      tpu.wait_dma2 semaphore(%dma_wait3A_1942 : memref<!tpu.dma_semaphore, #tpu.memory_space<semaphore_mem>>) src(%dma_wait3A_1953 : memref<50x64xf32, #tpu.memory_space<vmem>>) dst(%dma_wait3A_1946 : memref<50x64xf32, #tpu.memory_space<hbm>>)
      %mul3A_1954 = arith.constant 8 : i32
      %mul3A_1955 = arith.muli %add3A_1829, %mul3A_1954 : i32
      %add3A_1956 = arith.addi %mul3A_2, %mul3A_1955 : i32
      %add3A_1957 = arith.constant 4 : i32
      %add3A_1958 = arith.addi %add3A_1956, %add3A_1957 : i32
      %dma_wait3A_1959 = arith.constant 1 : i32
      %dma_wait3A_1960 = arith.constant 1 : i32
      %dma_wait3A_1961 = arith.constant 0 : i32
      %dma_wait3A_1962 = arith.constant 0 : i32
      %dma_wait3A_1963 = tpu.memref_slice %arg11[%dma_wait3A_1959, %dma_wait3A_1961, %dma_wait3A_1962] : memref<2x400x64xf32, #tpu.memory_space<vmem>> -> memref<1x400x64xf32, #tpu.memory_space<vmem>>
      %dma_wait3A_1964 = tpu.memref_squeeze %dma_wait3A_1963 : memref<1x400x64xf32, #tpu.memory_space<vmem>> -> memref<400x64xf32, #tpu.memory_space<vmem>>
      %dma_wait3A_1965 = arith.constant 200 : i32
      %dma_wait3A_1966 = arith.constant 0 : i32
      %dma_wait3A_1967 = tpu.memref_slice %dma_wait3A_1964[%dma_wait3A_1965, %dma_wait3A_1966] : memref<400x64xf32, #tpu.memory_space<vmem>> -> memref<50x64xf32, #tpu.memory_space<vmem>>
      %dma_wait3A_1968 = arith.constant 0 : i32
      %dma_wait3A_1969 = arith.constant 0 : i32
      %dma_wait3A_1970 = tpu.memref_slice %arg7[%add3A_1958, %dma_wait3A_1968, %dma_wait3A_1969] : memref<4096x56x128xf32, #tpu.memory_space<hbm>> -> memref<1x50x64xf32, #tpu.memory_space<hbm>>
      %dma_wait3A_1971 = tpu.memref_squeeze %dma_wait3A_1970 : memref<1x50x64xf32, #tpu.memory_space<hbm>> -> memref<50x64xf32, #tpu.memory_space<hbm>>
      %dma_wait3A_1972 = tpu.memref_slice %arg13[%dma_wait3A_1960] : memref<2x!tpu.dma_semaphore, #tpu.memory_space<semaphore_mem>> -> memref<1x!tpu.dma_semaphore, #tpu.memory_space<semaphore_mem>>
      %dma_wait3A_1973 = tpu.memref_squeeze %dma_wait3A_1972 : memref<1x!tpu.dma_semaphore, #tpu.memory_space<semaphore_mem>> -> memref<!tpu.dma_semaphore, #tpu.memory_space<semaphore_mem>>
      %dma_wait3A_1974 = arith.constant 0 : i32
      %dma_wait3A_1975 = arith.constant 0 : i32
      %dma_wait3A_1976 = tpu.memref_slice %arg7[%add3A_1958, %dma_wait3A_1974, %dma_wait3A_1975] : memref<4096x56x128xf32, #tpu.memory_space<hbm>> -> memref<1x50x64xf32, #tpu.memory_space<hbm>>
      %dma_wait3A_1977 = tpu.memref_squeeze %dma_wait3A_1976 : memref<1x50x64xf32, #tpu.memory_space<hbm>> -> memref<50x64xf32, #tpu.memory_space<hbm>>
      %dma_wait3A_1978 = arith.constant 0 : i32
      %dma_wait3A_1979 = arith.constant 0 : i32
      %dma_wait3A_1980 = tpu.memref_slice %arg11[%dma_wait3A_1959, %dma_wait3A_1978, %dma_wait3A_1979] : memref<2x400x64xf32, #tpu.memory_space<vmem>> -> memref<1x400x64xf32, #tpu.memory_space<vmem>>
      %dma_wait3A_1981 = tpu.memref_squeeze %dma_wait3A_1980 : memref<1x400x64xf32, #tpu.memory_space<vmem>> -> memref<400x64xf32, #tpu.memory_space<vmem>>
      %dma_wait3A_1982 = arith.constant 200 : i32
      %dma_wait3A_1983 = arith.constant 0 : i32
      %dma_wait3A_1984 = tpu.memref_slice %dma_wait3A_1981[%dma_wait3A_1982, %dma_wait3A_1983] : memref<400x64xf32, #tpu.memory_space<vmem>> -> memref<50x64xf32, #tpu.memory_space<vmem>>
      tpu.wait_dma2 semaphore(%dma_wait3A_1973 : memref<!tpu.dma_semaphore, #tpu.memory_space<semaphore_mem>>) src(%dma_wait3A_1984 : memref<50x64xf32, #tpu.memory_space<vmem>>) dst(%dma_wait3A_1977 : memref<50x64xf32, #tpu.memory_space<hbm>>)
      %mul3A_1985 = arith.constant 8 : i32
      %mul3A_1986 = arith.muli %add3A_1829, %mul3A_1985 : i32
      %add3A_1987 = arith.addi %mul3A_2, %mul3A_1986 : i32
      %add3A_1988 = arith.constant 5 : i32
      %add3A_1989 = arith.addi %add3A_1987, %add3A_1988 : i32
      %dma_wait3A_1990 = arith.constant 1 : i32
      %dma_wait3A_1991 = arith.constant 1 : i32
      %dma_wait3A_1992 = arith.constant 0 : i32
      %dma_wait3A_1993 = arith.constant 0 : i32
      %dma_wait3A_1994 = tpu.memref_slice %arg11[%dma_wait3A_1990, %dma_wait3A_1992, %dma_wait3A_1993] : memref<2x400x64xf32, #tpu.memory_space<vmem>> -> memref<1x400x64xf32, #tpu.memory_space<vmem>>
      %dma_wait3A_1995 = tpu.memref_squeeze %dma_wait3A_1994 : memref<1x400x64xf32, #tpu.memory_space<vmem>> -> memref<400x64xf32, #tpu.memory_space<vmem>>
      %dma_wait3A_1996 = arith.constant 250 : i32
      %dma_wait3A_1997 = arith.constant 0 : i32
      %dma_wait3A_1998 = tpu.memref_slice %dma_wait3A_1995[%dma_wait3A_1996, %dma_wait3A_1997] : memref<400x64xf32, #tpu.memory_space<vmem>> -> memref<50x64xf32, #tpu.memory_space<vmem>>
      %dma_wait3A_1999 = arith.constant 0 : i32
      %dma_wait3A_2000 = arith.constant 0 : i32
      %dma_wait3A_2001 = tpu.memref_slice %arg7[%add3A_1989, %dma_wait3A_1999, %dma_wait3A_2000] : memref<4096x56x128xf32, #tpu.memory_space<hbm>> -> memref<1x50x64xf32, #tpu.memory_space<hbm>>
      %dma_wait3A_2002 = tpu.memref_squeeze %dma_wait3A_2001 : memref<1x50x64xf32, #tpu.memory_space<hbm>> -> memref<50x64xf32, #tpu.memory_space<hbm>>
      %dma_wait3A_2003 = tpu.memref_slice %arg13[%dma_wait3A_1991] : memref<2x!tpu.dma_semaphore, #tpu.memory_space<semaphore_mem>> -> memref<1x!tpu.dma_semaphore, #tpu.memory_space<semaphore_mem>>
      %dma_wait3A_2004 = tpu.memref_squeeze %dma_wait3A_2003 : memref<1x!tpu.dma_semaphore, #tpu.memory_space<semaphore_mem>> -> memref<!tpu.dma_semaphore, #tpu.memory_space<semaphore_mem>>
      %dma_wait3A_2005 = arith.constant 0 : i32
      %dma_wait3A_2006 = arith.constant 0 : i32
      %dma_wait3A_2007 = tpu.memref_slice %arg7[%add3A_1989, %dma_wait3A_2005, %dma_wait3A_2006] : memref<4096x56x128xf32, #tpu.memory_space<hbm>> -> memref<1x50x64xf32, #tpu.memory_space<hbm>>
      %dma_wait3A_2008 = tpu.memref_squeeze %dma_wait3A_2007 : memref<1x50x64xf32, #tpu.memory_space<hbm>> -> memref<50x64xf32, #tpu.memory_space<hbm>>
      %dma_wait3A_2009 = arith.constant 0 : i32
      %dma_wait3A_2010 = arith.constant 0 : i32
      %dma_wait3A_2011 = tpu.memref_slice %arg11[%dma_wait3A_1990, %dma_wait3A_2009, %dma_wait3A_2010] : memref<2x400x64xf32, #tpu.memory_space<vmem>> -> memref<1x400x64xf32, #tpu.memory_space<vmem>>
      %dma_wait3A_2012 = tpu.memref_squeeze %dma_wait3A_2011 : memref<1x400x64xf32, #tpu.memory_space<vmem>> -> memref<400x64xf32, #tpu.memory_space<vmem>>
      %dma_wait3A_2013 = arith.constant 250 : i32
      %dma_wait3A_2014 = arith.constant 0 : i32
      %dma_wait3A_2015 = tpu.memref_slice %dma_wait3A_2012[%dma_wait3A_2013, %dma_wait3A_2014] : memref<400x64xf32, #tpu.memory_space<vmem>> -> memref<50x64xf32, #tpu.memory_space<vmem>>
      tpu.wait_dma2 semaphore(%dma_wait3A_2004 : memref<!tpu.dma_semaphore, #tpu.memory_space<semaphore_mem>>) src(%dma_wait3A_2015 : memref<50x64xf32, #tpu.memory_space<vmem>>) dst(%dma_wait3A_2008 : memref<50x64xf32, #tpu.memory_space<hbm>>)
      %mul3A_2016 = arith.constant 8 : i32
      %mul3A_2017 = arith.muli %add3A_1829, %mul3A_2016 : i32
      %add3A_2018 = arith.addi %mul3A_2, %mul3A_2017 : i32
      %add3A_2019 = arith.constant 6 : i32
      %add3A_2020 = arith.addi %add3A_2018, %add3A_2019 : i32
      %dma_wait3A_2021 = arith.constant 1 : i32
      %dma_wait3A_2022 = arith.constant 1 : i32
      %dma_wait3A_2023 = arith.constant 0 : i32
      %dma_wait3A_2024 = arith.constant 0 : i32
      %dma_wait3A_2025 = tpu.memref_slice %arg11[%dma_wait3A_2021, %dma_wait3A_2023, %dma_wait3A_2024] : memref<2x400x64xf32, #tpu.memory_space<vmem>> -> memref<1x400x64xf32, #tpu.memory_space<vmem>>
      %dma_wait3A_2026 = tpu.memref_squeeze %dma_wait3A_2025 : memref<1x400x64xf32, #tpu.memory_space<vmem>> -> memref<400x64xf32, #tpu.memory_space<vmem>>
      %dma_wait3A_2027 = arith.constant 300 : i32
      %dma_wait3A_2028 = arith.constant 0 : i32
      %dma_wait3A_2029 = tpu.memref_slice %dma_wait3A_2026[%dma_wait3A_2027, %dma_wait3A_2028] : memref<400x64xf32, #tpu.memory_space<vmem>> -> memref<50x64xf32, #tpu.memory_space<vmem>>
      %dma_wait3A_2030 = arith.constant 0 : i32
      %dma_wait3A_2031 = arith.constant 0 : i32
      %dma_wait3A_2032 = tpu.memref_slice %arg7[%add3A_2020, %dma_wait3A_2030, %dma_wait3A_2031] : memref<4096x56x128xf32, #tpu.memory_space<hbm>> -> memref<1x50x64xf32, #tpu.memory_space<hbm>>
      %dma_wait3A_2033 = tpu.memref_squeeze %dma_wait3A_2032 : memref<1x50x64xf32, #tpu.memory_space<hbm>> -> memref<50x64xf32, #tpu.memory_space<hbm>>
      %dma_wait3A_2034 = tpu.memref_slice %arg13[%dma_wait3A_2022] : memref<2x!tpu.dma_semaphore, #tpu.memory_space<semaphore_mem>> -> memref<1x!tpu.dma_semaphore, #tpu.memory_space<semaphore_mem>>
      %dma_wait3A_2035 = tpu.memref_squeeze %dma_wait3A_2034 : memref<1x!tpu.dma_semaphore, #tpu.memory_space<semaphore_mem>> -> memref<!tpu.dma_semaphore, #tpu.memory_space<semaphore_mem>>
      %dma_wait3A_2036 = arith.constant 0 : i32
      %dma_wait3A_2037 = arith.constant 0 : i32
      %dma_wait3A_2038 = tpu.memref_slice %arg7[%add3A_2020, %dma_wait3A_2036, %dma_wait3A_2037] : memref<4096x56x128xf32, #tpu.memory_space<hbm>> -> memref<1x50x64xf32, #tpu.memory_space<hbm>>
      %dma_wait3A_2039 = tpu.memref_squeeze %dma_wait3A_2038 : memref<1x50x64xf32, #tpu.memory_space<hbm>> -> memref<50x64xf32, #tpu.memory_space<hbm>>
      %dma_wait3A_2040 = arith.constant 0 : i32
      %dma_wait3A_2041 = arith.constant 0 : i32
      %dma_wait3A_2042 = tpu.memref_slice %arg11[%dma_wait3A_2021, %dma_wait3A_2040, %dma_wait3A_2041] : memref<2x400x64xf32, #tpu.memory_space<vmem>> -> memref<1x400x64xf32, #tpu.memory_space<vmem>>
      %dma_wait3A_2043 = tpu.memref_squeeze %dma_wait3A_2042 : memref<1x400x64xf32, #tpu.memory_space<vmem>> -> memref<400x64xf32, #tpu.memory_space<vmem>>
      %dma_wait3A_2044 = arith.constant 300 : i32
      %dma_wait3A_2045 = arith.constant 0 : i32
      %dma_wait3A_2046 = tpu.memref_slice %dma_wait3A_2043[%dma_wait3A_2044, %dma_wait3A_2045] : memref<400x64xf32, #tpu.memory_space<vmem>> -> memref<50x64xf32, #tpu.memory_space<vmem>>
      tpu.wait_dma2 semaphore(%dma_wait3A_2035 : memref<!tpu.dma_semaphore, #tpu.memory_space<semaphore_mem>>) src(%dma_wait3A_2046 : memref<50x64xf32, #tpu.memory_space<vmem>>) dst(%dma_wait3A_2039 : memref<50x64xf32, #tpu.memory_space<hbm>>)
      %mul3A_2047 = arith.constant 8 : i32
      %mul3A_2048 = arith.muli %add3A_1829, %mul3A_2047 : i32
      %add3A_2049 = arith.addi %mul3A_2, %mul3A_2048 : i32
      %add3A_2050 = arith.constant 7 : i32
      %add3A_2051 = arith.addi %add3A_2049, %add3A_2050 : i32
      %dma_wait3A_2052 = arith.constant 1 : i32
      %dma_wait3A_2053 = arith.constant 1 : i32
      %dma_wait3A_2054 = arith.constant 0 : i32
      %dma_wait3A_2055 = arith.constant 0 : i32
      %dma_wait3A_2056 = tpu.memref_slice %arg11[%dma_wait3A_2052, %dma_wait3A_2054, %dma_wait3A_2055] : memref<2x400x64xf32, #tpu.memory_space<vmem>> -> memref<1x400x64xf32, #tpu.memory_space<vmem>>
      %dma_wait3A_2057 = tpu.memref_squeeze %dma_wait3A_2056 : memref<1x400x64xf32, #tpu.memory_space<vmem>> -> memref<400x64xf32, #tpu.memory_space<vmem>>
      %dma_wait3A_2058 = arith.constant 350 : i32
      %dma_wait3A_2059 = arith.constant 0 : i32
      %dma_wait3A_2060 = tpu.memref_slice %dma_wait3A_2057[%dma_wait3A_2058, %dma_wait3A_2059] : memref<400x64xf32, #tpu.memory_space<vmem>> -> memref<50x64xf32, #tpu.memory_space<vmem>>
      %dma_wait3A_2061 = arith.constant 0 : i32
      %dma_wait3A_2062 = arith.constant 0 : i32
      %dma_wait3A_2063 = tpu.memref_slice %arg7[%add3A_2051, %dma_wait3A_2061, %dma_wait3A_2062] : memref<4096x56x128xf32, #tpu.memory_space<hbm>> -> memref<1x50x64xf32, #tpu.memory_space<hbm>>
      %dma_wait3A_2064 = tpu.memref_squeeze %dma_wait3A_2063 : memref<1x50x64xf32, #tpu.memory_space<hbm>> -> memref<50x64xf32, #tpu.memory_space<hbm>>
      %dma_wait3A_2065 = tpu.memref_slice %arg13[%dma_wait3A_2053] : memref<2x!tpu.dma_semaphore, #tpu.memory_space<semaphore_mem>> -> memref<1x!tpu.dma_semaphore, #tpu.memory_space<semaphore_mem>>
      %dma_wait3A_2066 = tpu.memref_squeeze %dma_wait3A_2065 : memref<1x!tpu.dma_semaphore, #tpu.memory_space<semaphore_mem>> -> memref<!tpu.dma_semaphore, #tpu.memory_space<semaphore_mem>>
      %dma_wait3A_2067 = arith.constant 0 : i32
      %dma_wait3A_2068 = arith.constant 0 : i32
      %dma_wait3A_2069 = tpu.memref_slice %arg7[%add3A_2051, %dma_wait3A_2067, %dma_wait3A_2068] : memref<4096x56x128xf32, #tpu.memory_space<hbm>> -> memref<1x50x64xf32, #tpu.memory_space<hbm>>
      %dma_wait3A_2070 = tpu.memref_squeeze %dma_wait3A_2069 : memref<1x50x64xf32, #tpu.memory_space<hbm>> -> memref<50x64xf32, #tpu.memory_space<hbm>>
      %dma_wait3A_2071 = arith.constant 0 : i32
      %dma_wait3A_2072 = arith.constant 0 : i32
      %dma_wait3A_2073 = tpu.memref_slice %arg11[%dma_wait3A_2052, %dma_wait3A_2071, %dma_wait3A_2072] : memref<2x400x64xf32, #tpu.memory_space<vmem>> -> memref<1x400x64xf32, #tpu.memory_space<vmem>>
      %dma_wait3A_2074 = tpu.memref_squeeze %dma_wait3A_2073 : memref<1x400x64xf32, #tpu.memory_space<vmem>> -> memref<400x64xf32, #tpu.memory_space<vmem>>
      %dma_wait3A_2075 = arith.constant 350 : i32
      %dma_wait3A_2076 = arith.constant 0 : i32
      %dma_wait3A_2077 = tpu.memref_slice %dma_wait3A_2074[%dma_wait3A_2075, %dma_wait3A_2076] : memref<400x64xf32, #tpu.memory_space<vmem>> -> memref<50x64xf32, #tpu.memory_space<vmem>>
      tpu.wait_dma2 semaphore(%dma_wait3A_2066 : memref<!tpu.dma_semaphore, #tpu.memory_space<semaphore_mem>>) src(%dma_wait3A_2077 : memref<50x64xf32, #tpu.memory_space<vmem>>) dst(%dma_wait3A_2070 : memref<50x64xf32, #tpu.memory_space<hbm>>)
      %add3A_2078 = arith.constant 1 : i32
      %add3A_2079 = arith.addi %add3A_1027, %add3A_2078 : i32
      %add3A_2080 = arith.constant 2 : i32
      %add3A_2081 = arith.addi %add3A_2079, %add3A_2080 : i32
      %mul3A_2082 = arith.constant 400 : i32
      %mul3A_2083 = arith.muli %add3A_2081, %mul3A_2082 : i32
      %dma_start3A_2084 = arith.constant 1 : i32
      %dma_start3A_2085 = arith.constant 1 : i32
      %dma_start3A_2086 = arith.constant 0 : i32
      %dma_start3A_2087 = arith.constant 0 : i32
      %dma_start3A_2088 = tpu.memref_slice %arg11[%dma_start3A_2084, %dma_start3A_2086, %dma_start3A_2087] : memref<2x400x64xf32, #tpu.memory_space<vmem>> -> memref<1x400x64xf32, #tpu.memory_space<vmem>>
      %dma_start3A_2089 = tpu.memref_squeeze %dma_start3A_2088 : memref<1x400x64xf32, #tpu.memory_space<vmem>> -> memref<400x64xf32, #tpu.memory_space<vmem>>
      %dma_start3A_2090 = tpu.memref_slice %arg10[%mul3A_2083] : memref<6400xi32, #tpu.memory_space<vmem>> -> memref<400xi32, #tpu.memory_space<vmem>>
      %dma_start3A_2091 = arith.constant 0 : i32
      %dma_start3A_2092 = arith.constant 0 : i32
      %dma_start3A_2093 = tpu.memref_slice %arg3[%dma_start3A_2091, %dma_start3A_2092] : memref<100000x64xf32, #tpu.memory_space<hbm>> -> memref<100000x64xf32, #tpu.memory_space<hbm>>
      %dma_start3A_2094 = tpu.memref_slice %arg12[%dma_start3A_2085] : memref<2x!tpu.dma_semaphore, #tpu.memory_space<semaphore_mem>> -> memref<1x!tpu.dma_semaphore, #tpu.memory_space<semaphore_mem>>
      %dma_start3A_2095 = tpu.memref_squeeze %dma_start3A_2094 : memref<1x!tpu.dma_semaphore, #tpu.memory_space<semaphore_mem>> -> memref<!tpu.dma_semaphore, #tpu.memory_space<semaphore_mem>>
      tpu.enqueue_indirect_dma source(%dma_start3A_2093 : memref<100000x64xf32, #tpu.memory_space<hbm>>) target(%dma_start3A_2089 : memref<400x64xf32, #tpu.memory_space<vmem>>) offsets(%dma_start3A_2090 : memref<400xi32, #tpu.memory_space<vmem>>) semaphore(%dma_start3A_2095 : memref<!tpu.dma_semaphore, #tpu.memory_space<semaphore_mem>>)
    }
    %scan3A_36 = arith.constant 7 : i32
    %dma_wait3A_37 = arith.constant 0 : i32
    %dma_wait3A_38 = arith.constant 0 : i32
    %dma_wait3A_39 = arith.constant 0 : i32
    %dma_wait3A_40 = arith.constant 0 : i32
    %dma_wait3A_41 = tpu.memref_slice %arg11[%dma_wait3A_37, %dma_wait3A_39, %dma_wait3A_40] : memref<2x400x64xf32, #tpu.memory_space<vmem>> -> memref<1x400x64xf32, #tpu.memory_space<vmem>>
    %dma_wait3A_42 = tpu.memref_squeeze %dma_wait3A_41 : memref<1x400x64xf32, #tpu.memory_space<vmem>> -> memref<400x64xf32, #tpu.memory_space<vmem>>
    %dma_wait3A_43 = arith.constant 5600 : i32
    %dma_wait3A_44 = tpu.memref_slice %arg10[%dma_wait3A_43] : memref<6400xi32, #tpu.memory_space<vmem>> -> memref<400xi32, #tpu.memory_space<vmem>>
    %dma_wait3A_45 = arith.constant 0 : i32
    %dma_wait3A_46 = arith.constant 0 : i32
    %dma_wait3A_47 = tpu.memref_slice %arg3[%dma_wait3A_45, %dma_wait3A_46] : memref<100000x64xf32, #tpu.memory_space<hbm>> -> memref<100000x64xf32, #tpu.memory_space<hbm>>
    %dma_wait3A_48 = tpu.memref_slice %arg12[%dma_wait3A_38] : memref<2x!tpu.dma_semaphore, #tpu.memory_space<semaphore_mem>> -> memref<1x!tpu.dma_semaphore, #tpu.memory_space<semaphore_mem>>
    %dma_wait3A_49 = tpu.memref_squeeze %dma_wait3A_48 : memref<1x!tpu.dma_semaphore, #tpu.memory_space<semaphore_mem>> -> memref<!tpu.dma_semaphore, #tpu.memory_space<semaphore_mem>>
    tpu.wait_indirect_dma semaphore(%dma_wait3A_49 : memref<!tpu.dma_semaphore, #tpu.memory_space<semaphore_mem>>) src(%dma_wait3A_47 : memref<100000x64xf32, #tpu.memory_space<hbm>>) dst(%dma_wait3A_42 : memref<400x64xf32, #tpu.memory_space<vmem>>)
    %add3A_50 = arith.constant 112 : i32
    %add3A_51 = arith.addi %mul3A_2, %add3A_50 : i32
    %add3A_52 = arith.constant 0 : i32
    %add3A_53 = arith.addi %add3A_51, %add3A_52 : i32
    %dma_start3A_54 = arith.constant 0 : i32
    %dma_start3A_55 = arith.constant 0 : i32
    %dma_start3A_56 = arith.constant 0 : i32
    %dma_start3A_57 = arith.constant 0 : i32
    %dma_start3A_58 = tpu.memref_slice %arg11[%dma_start3A_54, %dma_start3A_56, %dma_start3A_57] : memref<2x400x64xf32, #tpu.memory_space<vmem>> -> memref<1x400x64xf32, #tpu.memory_space<vmem>>
    %dma_start3A_59 = tpu.memref_squeeze %dma_start3A_58 : memref<1x400x64xf32, #tpu.memory_space<vmem>> -> memref<400x64xf32, #tpu.memory_space<vmem>>
    %dma_start3A_60 = arith.constant 0 : i32
    %dma_start3A_61 = arith.constant 0 : i32
    %dma_start3A_62 = tpu.memref_slice %dma_start3A_59[%dma_start3A_60, %dma_start3A_61] : memref<400x64xf32, #tpu.memory_space<vmem>> -> memref<50x64xf32, #tpu.memory_space<vmem>>
    %dma_start3A_63 = arith.constant 0 : i32
    %dma_start3A_64 = arith.constant 0 : i32
    %dma_start3A_65 = tpu.memref_slice %arg7[%add3A_53, %dma_start3A_63, %dma_start3A_64] : memref<4096x56x128xf32, #tpu.memory_space<hbm>> -> memref<1x50x64xf32, #tpu.memory_space<hbm>>
    %dma_start3A_66 = tpu.memref_squeeze %dma_start3A_65 : memref<1x50x64xf32, #tpu.memory_space<hbm>> -> memref<50x64xf32, #tpu.memory_space<hbm>>
    %dma_start3A_67 = tpu.memref_slice %arg13[%dma_start3A_55] : memref<2x!tpu.dma_semaphore, #tpu.memory_space<semaphore_mem>> -> memref<1x!tpu.dma_semaphore, #tpu.memory_space<semaphore_mem>>
    %dma_start3A_68 = tpu.memref_squeeze %dma_start3A_67 : memref<1x!tpu.dma_semaphore, #tpu.memory_space<semaphore_mem>> -> memref<!tpu.dma_semaphore, #tpu.memory_space<semaphore_mem>>
    %dma_start3A_69 = arith.constant 0 : i32
    %dma_start3A_70 = arith.constant 0 : i32
    %dma_start3A_71 = tpu.memref_slice %arg7[%add3A_53, %dma_start3A_69, %dma_start3A_70] : memref<4096x56x128xf32, #tpu.memory_space<hbm>> -> memref<1x50x64xf32, #tpu.memory_space<hbm>>
    %dma_start3A_72 = tpu.memref_squeeze %dma_start3A_71 : memref<1x50x64xf32, #tpu.memory_space<hbm>> -> memref<50x64xf32, #tpu.memory_space<hbm>>
    %dma_start3A_73 = arith.constant 0 : i32
    %dma_start3A_74 = arith.constant 0 : i32
    %dma_start3A_75 = tpu.memref_slice %arg11[%dma_start3A_54, %dma_start3A_73, %dma_start3A_74] : memref<2x400x64xf32, #tpu.memory_space<vmem>> -> memref<1x400x64xf32, #tpu.memory_space<vmem>>
    %dma_start3A_76 = tpu.memref_squeeze %dma_start3A_75 : memref<1x400x64xf32, #tpu.memory_space<vmem>> -> memref<400x64xf32, #tpu.memory_space<vmem>>
    %dma_start3A_77 = arith.constant 0 : i32
    %dma_start3A_78 = arith.constant 0 : i32
    %dma_start3A_79 = tpu.memref_slice %dma_start3A_76[%dma_start3A_77, %dma_start3A_78] : memref<400x64xf32, #tpu.memory_space<vmem>> -> memref<50x64xf32, #tpu.memory_space<vmem>>
    tpu.enqueue_dma source(%dma_start3A_79 : memref<50x64xf32, #tpu.memory_space<vmem>>) target(%dma_start3A_72 : memref<50x64xf32, #tpu.memory_space<hbm>>) target_semaphore(%dma_start3A_68 : memref<!tpu.dma_semaphore, #tpu.memory_space<semaphore_mem>>)
    %add3A_80 = arith.constant 112 : i32
    %add3A_81 = arith.addi %mul3A_2, %add3A_80 : i32
    %add3A_82 = arith.constant 1 : i32
    %add3A_83 = arith.addi %add3A_81, %add3A_82 : i32
    %dma_start3A_84 = arith.constant 0 : i32
    %dma_start3A_85 = arith.constant 0 : i32
    %dma_start3A_86 = arith.constant 0 : i32
    %dma_start3A_87 = arith.constant 0 : i32
    %dma_start3A_88 = tpu.memref_slice %arg11[%dma_start3A_84, %dma_start3A_86, %dma_start3A_87] : memref<2x400x64xf32, #tpu.memory_space<vmem>> -> memref<1x400x64xf32, #tpu.memory_space<vmem>>
    %dma_start3A_89 = tpu.memref_squeeze %dma_start3A_88 : memref<1x400x64xf32, #tpu.memory_space<vmem>> -> memref<400x64xf32, #tpu.memory_space<vmem>>
    %dma_start3A_90 = arith.constant 50 : i32
    %dma_start3A_91 = arith.constant 0 : i32
    %dma_start3A_92 = tpu.memref_slice %dma_start3A_89[%dma_start3A_90, %dma_start3A_91] : memref<400x64xf32, #tpu.memory_space<vmem>> -> memref<50x64xf32, #tpu.memory_space<vmem>>
    %dma_start3A_93 = arith.constant 0 : i32
    %dma_start3A_94 = arith.constant 0 : i32
    %dma_start3A_95 = tpu.memref_slice %arg7[%add3A_83, %dma_start3A_93, %dma_start3A_94] : memref<4096x56x128xf32, #tpu.memory_space<hbm>> -> memref<1x50x64xf32, #tpu.memory_space<hbm>>
    %dma_start3A_96 = tpu.memref_squeeze %dma_start3A_95 : memref<1x50x64xf32, #tpu.memory_space<hbm>> -> memref<50x64xf32, #tpu.memory_space<hbm>>
    %dma_start3A_97 = tpu.memref_slice %arg13[%dma_start3A_85] : memref<2x!tpu.dma_semaphore, #tpu.memory_space<semaphore_mem>> -> memref<1x!tpu.dma_semaphore, #tpu.memory_space<semaphore_mem>>
    %dma_start3A_98 = tpu.memref_squeeze %dma_start3A_97 : memref<1x!tpu.dma_semaphore, #tpu.memory_space<semaphore_mem>> -> memref<!tpu.dma_semaphore, #tpu.memory_space<semaphore_mem>>
    %dma_start3A_99 = arith.constant 0 : i32
    %dma_start3A_100 = arith.constant 0 : i32
    %dma_start3A_101 = tpu.memref_slice %arg7[%add3A_83, %dma_start3A_99, %dma_start3A_100] : memref<4096x56x128xf32, #tpu.memory_space<hbm>> -> memref<1x50x64xf32, #tpu.memory_space<hbm>>
    %dma_start3A_102 = tpu.memref_squeeze %dma_start3A_101 : memref<1x50x64xf32, #tpu.memory_space<hbm>> -> memref<50x64xf32, #tpu.memory_space<hbm>>
    %dma_start3A_103 = arith.constant 0 : i32
    %dma_start3A_104 = arith.constant 0 : i32
    %dma_start3A_105 = tpu.memref_slice %arg11[%dma_start3A_84, %dma_start3A_103, %dma_start3A_104] : memref<2x400x64xf32, #tpu.memory_space<vmem>> -> memref<1x400x64xf32, #tpu.memory_space<vmem>>
    %dma_start3A_106 = tpu.memref_squeeze %dma_start3A_105 : memref<1x400x64xf32, #tpu.memory_space<vmem>> -> memref<400x64xf32, #tpu.memory_space<vmem>>
    %dma_start3A_107 = arith.constant 50 : i32
    %dma_start3A_108 = arith.constant 0 : i32
    %dma_start3A_109 = tpu.memref_slice %dma_start3A_106[%dma_start3A_107, %dma_start3A_108] : memref<400x64xf32, #tpu.memory_space<vmem>> -> memref<50x64xf32, #tpu.memory_space<vmem>>
    tpu.enqueue_dma source(%dma_start3A_109 : memref<50x64xf32, #tpu.memory_space<vmem>>) target(%dma_start3A_102 : memref<50x64xf32, #tpu.memory_space<hbm>>) target_semaphore(%dma_start3A_98 : memref<!tpu.dma_semaphore, #tpu.memory_space<semaphore_mem>>)
    %add3A_110 = arith.constant 112 : i32
    %add3A_111 = arith.addi %mul3A_2, %add3A_110 : i32
    %add3A_112 = arith.constant 2 : i32
    %add3A_113 = arith.addi %add3A_111, %add3A_112 : i32
    %dma_start3A_114 = arith.constant 0 : i32
    %dma_start3A_115 = arith.constant 0 : i32
    %dma_start3A_116 = arith.constant 0 : i32
    %dma_start3A_117 = arith.constant 0 : i32
    %dma_start3A_118 = tpu.memref_slice %arg11[%dma_start3A_114, %dma_start3A_116, %dma_start3A_117] : memref<2x400x64xf32, #tpu.memory_space<vmem>> -> memref<1x400x64xf32, #tpu.memory_space<vmem>>
    %dma_start3A_119 = tpu.memref_squeeze %dma_start3A_118 : memref<1x400x64xf32, #tpu.memory_space<vmem>> -> memref<400x64xf32, #tpu.memory_space<vmem>>
    %dma_start3A_120 = arith.constant 100 : i32
    %dma_start3A_121 = arith.constant 0 : i32
    %dma_start3A_122 = tpu.memref_slice %dma_start3A_119[%dma_start3A_120, %dma_start3A_121] : memref<400x64xf32, #tpu.memory_space<vmem>> -> memref<50x64xf32, #tpu.memory_space<vmem>>
    %dma_start3A_123 = arith.constant 0 : i32
    %dma_start3A_124 = arith.constant 0 : i32
    %dma_start3A_125 = tpu.memref_slice %arg7[%add3A_113, %dma_start3A_123, %dma_start3A_124] : memref<4096x56x128xf32, #tpu.memory_space<hbm>> -> memref<1x50x64xf32, #tpu.memory_space<hbm>>
    %dma_start3A_126 = tpu.memref_squeeze %dma_start3A_125 : memref<1x50x64xf32, #tpu.memory_space<hbm>> -> memref<50x64xf32, #tpu.memory_space<hbm>>
    %dma_start3A_127 = tpu.memref_slice %arg13[%dma_start3A_115] : memref<2x!tpu.dma_semaphore, #tpu.memory_space<semaphore_mem>> -> memref<1x!tpu.dma_semaphore, #tpu.memory_space<semaphore_mem>>
    %dma_start3A_128 = tpu.memref_squeeze %dma_start3A_127 : memref<1x!tpu.dma_semaphore, #tpu.memory_space<semaphore_mem>> -> memref<!tpu.dma_semaphore, #tpu.memory_space<semaphore_mem>>
    %dma_start3A_129 = arith.constant 0 : i32
    %dma_start3A_130 = arith.constant 0 : i32
    %dma_start3A_131 = tpu.memref_slice %arg7[%add3A_113, %dma_start3A_129, %dma_start3A_130] : memref<4096x56x128xf32, #tpu.memory_space<hbm>> -> memref<1x50x64xf32, #tpu.memory_space<hbm>>
    %dma_start3A_132 = tpu.memref_squeeze %dma_start3A_131 : memref<1x50x64xf32, #tpu.memory_space<hbm>> -> memref<50x64xf32, #tpu.memory_space<hbm>>
    %dma_start3A_133 = arith.constant 0 : i32
    %dma_start3A_134 = arith.constant 0 : i32
    %dma_start3A_135 = tpu.memref_slice %arg11[%dma_start3A_114, %dma_start3A_133, %dma_start3A_134] : memref<2x400x64xf32, #tpu.memory_space<vmem>> -> memref<1x400x64xf32, #tpu.memory_space<vmem>>
    %dma_start3A_136 = tpu.memref_squeeze %dma_start3A_135 : memref<1x400x64xf32, #tpu.memory_space<vmem>> -> memref<400x64xf32, #tpu.memory_space<vmem>>
    %dma_start3A_137 = arith.constant 100 : i32
    %dma_start3A_138 = arith.constant 0 : i32
    %dma_start3A_139 = tpu.memref_slice %dma_start3A_136[%dma_start3A_137, %dma_start3A_138] : memref<400x64xf32, #tpu.memory_space<vmem>> -> memref<50x64xf32, #tpu.memory_space<vmem>>
    tpu.enqueue_dma source(%dma_start3A_139 : memref<50x64xf32, #tpu.memory_space<vmem>>) target(%dma_start3A_132 : memref<50x64xf32, #tpu.memory_space<hbm>>) target_semaphore(%dma_start3A_128 : memref<!tpu.dma_semaphore, #tpu.memory_space<semaphore_mem>>)
    %add3A_140 = arith.constant 112 : i32
    %add3A_141 = arith.addi %mul3A_2, %add3A_140 : i32
    %add3A_142 = arith.constant 3 : i32
    %add3A_143 = arith.addi %add3A_141, %add3A_142 : i32
    %dma_start3A_144 = arith.constant 0 : i32
    %dma_start3A_145 = arith.constant 0 : i32
    %dma_start3A_146 = arith.constant 0 : i32
    %dma_start3A_147 = arith.constant 0 : i32
    %dma_start3A_148 = tpu.memref_slice %arg11[%dma_start3A_144, %dma_start3A_146, %dma_start3A_147] : memref<2x400x64xf32, #tpu.memory_space<vmem>> -> memref<1x400x64xf32, #tpu.memory_space<vmem>>
    %dma_start3A_149 = tpu.memref_squeeze %dma_start3A_148 : memref<1x400x64xf32, #tpu.memory_space<vmem>> -> memref<400x64xf32, #tpu.memory_space<vmem>>
    %dma_start3A_150 = arith.constant 150 : i32
    %dma_start3A_151 = arith.constant 0 : i32
    %dma_start3A_152 = tpu.memref_slice %dma_start3A_149[%dma_start3A_150, %dma_start3A_151] : memref<400x64xf32, #tpu.memory_space<vmem>> -> memref<50x64xf32, #tpu.memory_space<vmem>>
    %dma_start3A_153 = arith.constant 0 : i32
    %dma_start3A_154 = arith.constant 0 : i32
    %dma_start3A_155 = tpu.memref_slice %arg7[%add3A_143, %dma_start3A_153, %dma_start3A_154] : memref<4096x56x128xf32, #tpu.memory_space<hbm>> -> memref<1x50x64xf32, #tpu.memory_space<hbm>>
    %dma_start3A_156 = tpu.memref_squeeze %dma_start3A_155 : memref<1x50x64xf32, #tpu.memory_space<hbm>> -> memref<50x64xf32, #tpu.memory_space<hbm>>
    %dma_start3A_157 = tpu.memref_slice %arg13[%dma_start3A_145] : memref<2x!tpu.dma_semaphore, #tpu.memory_space<semaphore_mem>> -> memref<1x!tpu.dma_semaphore, #tpu.memory_space<semaphore_mem>>
    %dma_start3A_158 = tpu.memref_squeeze %dma_start3A_157 : memref<1x!tpu.dma_semaphore, #tpu.memory_space<semaphore_mem>> -> memref<!tpu.dma_semaphore, #tpu.memory_space<semaphore_mem>>
    %dma_start3A_159 = arith.constant 0 : i32
    %dma_start3A_160 = arith.constant 0 : i32
    %dma_start3A_161 = tpu.memref_slice %arg7[%add3A_143, %dma_start3A_159, %dma_start3A_160] : memref<4096x56x128xf32, #tpu.memory_space<hbm>> -> memref<1x50x64xf32, #tpu.memory_space<hbm>>
    %dma_start3A_162 = tpu.memref_squeeze %dma_start3A_161 : memref<1x50x64xf32, #tpu.memory_space<hbm>> -> memref<50x64xf32, #tpu.memory_space<hbm>>
    %dma_start3A_163 = arith.constant 0 : i32
    %dma_start3A_164 = arith.constant 0 : i32
    %dma_start3A_165 = tpu.memref_slice %arg11[%dma_start3A_144, %dma_start3A_163, %dma_start3A_164] : memref<2x400x64xf32, #tpu.memory_space<vmem>> -> memref<1x400x64xf32, #tpu.memory_space<vmem>>
    %dma_start3A_166 = tpu.memref_squeeze %dma_start3A_165 : memref<1x400x64xf32, #tpu.memory_space<vmem>> -> memref<400x64xf32, #tpu.memory_space<vmem>>
    %dma_start3A_167 = arith.constant 150 : i32
    %dma_start3A_168 = arith.constant 0 : i32
    %dma_start3A_169 = tpu.memref_slice %dma_start3A_166[%dma_start3A_167, %dma_start3A_168] : memref<400x64xf32, #tpu.memory_space<vmem>> -> memref<50x64xf32, #tpu.memory_space<vmem>>
    tpu.enqueue_dma source(%dma_start3A_169 : memref<50x64xf32, #tpu.memory_space<vmem>>) target(%dma_start3A_162 : memref<50x64xf32, #tpu.memory_space<hbm>>) target_semaphore(%dma_start3A_158 : memref<!tpu.dma_semaphore, #tpu.memory_space<semaphore_mem>>)
    %add3A_170 = arith.constant 112 : i32
    %add3A_171 = arith.addi %mul3A_2, %add3A_170 : i32
    %add3A_172 = arith.constant 4 : i32
    %add3A_173 = arith.addi %add3A_171, %add3A_172 : i32
    %dma_start3A_174 = arith.constant 0 : i32
    %dma_start3A_175 = arith.constant 0 : i32
    %dma_start3A_176 = arith.constant 0 : i32
    %dma_start3A_177 = arith.constant 0 : i32
    %dma_start3A_178 = tpu.memref_slice %arg11[%dma_start3A_174, %dma_start3A_176, %dma_start3A_177] : memref<2x400x64xf32, #tpu.memory_space<vmem>> -> memref<1x400x64xf32, #tpu.memory_space<vmem>>
    %dma_start3A_179 = tpu.memref_squeeze %dma_start3A_178 : memref<1x400x64xf32, #tpu.memory_space<vmem>> -> memref<400x64xf32, #tpu.memory_space<vmem>>
    %dma_start3A_180 = arith.constant 200 : i32
    %dma_start3A_181 = arith.constant 0 : i32
    %dma_start3A_182 = tpu.memref_slice %dma_start3A_179[%dma_start3A_180, %dma_start3A_181] : memref<400x64xf32, #tpu.memory_space<vmem>> -> memref<50x64xf32, #tpu.memory_space<vmem>>
    %dma_start3A_183 = arith.constant 0 : i32
    %dma_start3A_184 = arith.constant 0 : i32
    %dma_start3A_185 = tpu.memref_slice %arg7[%add3A_173, %dma_start3A_183, %dma_start3A_184] : memref<4096x56x128xf32, #tpu.memory_space<hbm>> -> memref<1x50x64xf32, #tpu.memory_space<hbm>>
    %dma_start3A_186 = tpu.memref_squeeze %dma_start3A_185 : memref<1x50x64xf32, #tpu.memory_space<hbm>> -> memref<50x64xf32, #tpu.memory_space<hbm>>
    %dma_start3A_187 = tpu.memref_slice %arg13[%dma_start3A_175] : memref<2x!tpu.dma_semaphore, #tpu.memory_space<semaphore_mem>> -> memref<1x!tpu.dma_semaphore, #tpu.memory_space<semaphore_mem>>
    %dma_start3A_188 = tpu.memref_squeeze %dma_start3A_187 : memref<1x!tpu.dma_semaphore, #tpu.memory_space<semaphore_mem>> -> memref<!tpu.dma_semaphore, #tpu.memory_space<semaphore_mem>>
    %dma_start3A_189 = arith.constant 0 : i32
    %dma_start3A_190 = arith.constant 0 : i32
    %dma_start3A_191 = tpu.memref_slice %arg7[%add3A_173, %dma_start3A_189, %dma_start3A_190] : memref<4096x56x128xf32, #tpu.memory_space<hbm>> -> memref<1x50x64xf32, #tpu.memory_space<hbm>>
    %dma_start3A_192 = tpu.memref_squeeze %dma_start3A_191 : memref<1x50x64xf32, #tpu.memory_space<hbm>> -> memref<50x64xf32, #tpu.memory_space<hbm>>
    %dma_start3A_193 = arith.constant 0 : i32
    %dma_start3A_194 = arith.constant 0 : i32
    %dma_start3A_195 = tpu.memref_slice %arg11[%dma_start3A_174, %dma_start3A_193, %dma_start3A_194] : memref<2x400x64xf32, #tpu.memory_space<vmem>> -> memref<1x400x64xf32, #tpu.memory_space<vmem>>
    %dma_start3A_196 = tpu.memref_squeeze %dma_start3A_195 : memref<1x400x64xf32, #tpu.memory_space<vmem>> -> memref<400x64xf32, #tpu.memory_space<vmem>>
    %dma_start3A_197 = arith.constant 200 : i32
    %dma_start3A_198 = arith.constant 0 : i32
    %dma_start3A_199 = tpu.memref_slice %dma_start3A_196[%dma_start3A_197, %dma_start3A_198] : memref<400x64xf32, #tpu.memory_space<vmem>> -> memref<50x64xf32, #tpu.memory_space<vmem>>
    tpu.enqueue_dma source(%dma_start3A_199 : memref<50x64xf32, #tpu.memory_space<vmem>>) target(%dma_start3A_192 : memref<50x64xf32, #tpu.memory_space<hbm>>) target_semaphore(%dma_start3A_188 : memref<!tpu.dma_semaphore, #tpu.memory_space<semaphore_mem>>)
    %add3A_200 = arith.constant 112 : i32
    %add3A_201 = arith.addi %mul3A_2, %add3A_200 : i32
    %add3A_202 = arith.constant 5 : i32
    %add3A_203 = arith.addi %add3A_201, %add3A_202 : i32
    %dma_start3A_204 = arith.constant 0 : i32
    %dma_start3A_205 = arith.constant 0 : i32
    %dma_start3A_206 = arith.constant 0 : i32
    %dma_start3A_207 = arith.constant 0 : i32
    %dma_start3A_208 = tpu.memref_slice %arg11[%dma_start3A_204, %dma_start3A_206, %dma_start3A_207] : memref<2x400x64xf32, #tpu.memory_space<vmem>> -> memref<1x400x64xf32, #tpu.memory_space<vmem>>
    %dma_start3A_209 = tpu.memref_squeeze %dma_start3A_208 : memref<1x400x64xf32, #tpu.memory_space<vmem>> -> memref<400x64xf32, #tpu.memory_space<vmem>>
    %dma_start3A_210 = arith.constant 250 : i32
    %dma_start3A_211 = arith.constant 0 : i32
    %dma_start3A_212 = tpu.memref_slice %dma_start3A_209[%dma_start3A_210, %dma_start3A_211] : memref<400x64xf32, #tpu.memory_space<vmem>> -> memref<50x64xf32, #tpu.memory_space<vmem>>
    %dma_start3A_213 = arith.constant 0 : i32
    %dma_start3A_214 = arith.constant 0 : i32
    %dma_start3A_215 = tpu.memref_slice %arg7[%add3A_203, %dma_start3A_213, %dma_start3A_214] : memref<4096x56x128xf32, #tpu.memory_space<hbm>> -> memref<1x50x64xf32, #tpu.memory_space<hbm>>
    %dma_start3A_216 = tpu.memref_squeeze %dma_start3A_215 : memref<1x50x64xf32, #tpu.memory_space<hbm>> -> memref<50x64xf32, #tpu.memory_space<hbm>>
    %dma_start3A_217 = tpu.memref_slice %arg13[%dma_start3A_205] : memref<2x!tpu.dma_semaphore, #tpu.memory_space<semaphore_mem>> -> memref<1x!tpu.dma_semaphore, #tpu.memory_space<semaphore_mem>>
    %dma_start3A_218 = tpu.memref_squeeze %dma_start3A_217 : memref<1x!tpu.dma_semaphore, #tpu.memory_space<semaphore_mem>> -> memref<!tpu.dma_semaphore, #tpu.memory_space<semaphore_mem>>
    %dma_start3A_219 = arith.constant 0 : i32
    %dma_start3A_220 = arith.constant 0 : i32
    %dma_start3A_221 = tpu.memref_slice %arg7[%add3A_203, %dma_start3A_219, %dma_start3A_220] : memref<4096x56x128xf32, #tpu.memory_space<hbm>> -> memref<1x50x64xf32, #tpu.memory_space<hbm>>
    %dma_start3A_222 = tpu.memref_squeeze %dma_start3A_221 : memref<1x50x64xf32, #tpu.memory_space<hbm>> -> memref<50x64xf32, #tpu.memory_space<hbm>>
    %dma_start3A_223 = arith.constant 0 : i32
    %dma_start3A_224 = arith.constant 0 : i32
    %dma_start3A_225 = tpu.memref_slice %arg11[%dma_start3A_204, %dma_start3A_223, %dma_start3A_224] : memref<2x400x64xf32, #tpu.memory_space<vmem>> -> memref<1x400x64xf32, #tpu.memory_space<vmem>>
    %dma_start3A_226 = tpu.memref_squeeze %dma_start3A_225 : memref<1x400x64xf32, #tpu.memory_space<vmem>> -> memref<400x64xf32, #tpu.memory_space<vmem>>
    %dma_start3A_227 = arith.constant 250 : i32
    %dma_start3A_228 = arith.constant 0 : i32
    %dma_start3A_229 = tpu.memref_slice %dma_start3A_226[%dma_start3A_227, %dma_start3A_228] : memref<400x64xf32, #tpu.memory_space<vmem>> -> memref<50x64xf32, #tpu.memory_space<vmem>>
    tpu.enqueue_dma source(%dma_start3A_229 : memref<50x64xf32, #tpu.memory_space<vmem>>) target(%dma_start3A_222 : memref<50x64xf32, #tpu.memory_space<hbm>>) target_semaphore(%dma_start3A_218 : memref<!tpu.dma_semaphore, #tpu.memory_space<semaphore_mem>>)
    %add3A_230 = arith.constant 112 : i32
    %add3A_231 = arith.addi %mul3A_2, %add3A_230 : i32
    %add3A_232 = arith.constant 6 : i32
    %add3A_233 = arith.addi %add3A_231, %add3A_232 : i32
    %dma_start3A_234 = arith.constant 0 : i32
    %dma_start3A_235 = arith.constant 0 : i32
    %dma_start3A_236 = arith.constant 0 : i32
    %dma_start3A_237 = arith.constant 0 : i32
    %dma_start3A_238 = tpu.memref_slice %arg11[%dma_start3A_234, %dma_start3A_236, %dma_start3A_237] : memref<2x400x64xf32, #tpu.memory_space<vmem>> -> memref<1x400x64xf32, #tpu.memory_space<vmem>>
    %dma_start3A_239 = tpu.memref_squeeze %dma_start3A_238 : memref<1x400x64xf32, #tpu.memory_space<vmem>> -> memref<400x64xf32, #tpu.memory_space<vmem>>
    %dma_start3A_240 = arith.constant 300 : i32
    %dma_start3A_241 = arith.constant 0 : i32
    %dma_start3A_242 = tpu.memref_slice %dma_start3A_239[%dma_start3A_240, %dma_start3A_241] : memref<400x64xf32, #tpu.memory_space<vmem>> -> memref<50x64xf32, #tpu.memory_space<vmem>>
    %dma_start3A_243 = arith.constant 0 : i32
    %dma_start3A_244 = arith.constant 0 : i32
    %dma_start3A_245 = tpu.memref_slice %arg7[%add3A_233, %dma_start3A_243, %dma_start3A_244] : memref<4096x56x128xf32, #tpu.memory_space<hbm>> -> memref<1x50x64xf32, #tpu.memory_space<hbm>>
    %dma_start3A_246 = tpu.memref_squeeze %dma_start3A_245 : memref<1x50x64xf32, #tpu.memory_space<hbm>> -> memref<50x64xf32, #tpu.memory_space<hbm>>
    %dma_start3A_247 = tpu.memref_slice %arg13[%dma_start3A_235] : memref<2x!tpu.dma_semaphore, #tpu.memory_space<semaphore_mem>> -> memref<1x!tpu.dma_semaphore, #tpu.memory_space<semaphore_mem>>
    %dma_start3A_248 = tpu.memref_squeeze %dma_start3A_247 : memref<1x!tpu.dma_semaphore, #tpu.memory_space<semaphore_mem>> -> memref<!tpu.dma_semaphore, #tpu.memory_space<semaphore_mem>>
    %dma_start3A_249 = arith.constant 0 : i32
    %dma_start3A_250 = arith.constant 0 : i32
    %dma_start3A_251 = tpu.memref_slice %arg7[%add3A_233, %dma_start3A_249, %dma_start3A_250] : memref<4096x56x128xf32, #tpu.memory_space<hbm>> -> memref<1x50x64xf32, #tpu.memory_space<hbm>>
    %dma_start3A_252 = tpu.memref_squeeze %dma_start3A_251 : memref<1x50x64xf32, #tpu.memory_space<hbm>> -> memref<50x64xf32, #tpu.memory_space<hbm>>
    %dma_start3A_253 = arith.constant 0 : i32
    %dma_start3A_254 = arith.constant 0 : i32
    %dma_start3A_255 = tpu.memref_slice %arg11[%dma_start3A_234, %dma_start3A_253, %dma_start3A_254] : memref<2x400x64xf32, #tpu.memory_space<vmem>> -> memref<1x400x64xf32, #tpu.memory_space<vmem>>
    %dma_start3A_256 = tpu.memref_squeeze %dma_start3A_255 : memref<1x400x64xf32, #tpu.memory_space<vmem>> -> memref<400x64xf32, #tpu.memory_space<vmem>>
    %dma_start3A_257 = arith.constant 300 : i32
    %dma_start3A_258 = arith.constant 0 : i32
    %dma_start3A_259 = tpu.memref_slice %dma_start3A_256[%dma_start3A_257, %dma_start3A_258] : memref<400x64xf32, #tpu.memory_space<vmem>> -> memref<50x64xf32, #tpu.memory_space<vmem>>
    tpu.enqueue_dma source(%dma_start3A_259 : memref<50x64xf32, #tpu.memory_space<vmem>>) target(%dma_start3A_252 : memref<50x64xf32, #tpu.memory_space<hbm>>) target_semaphore(%dma_start3A_248 : memref<!tpu.dma_semaphore, #tpu.memory_space<semaphore_mem>>)
    %add3A_260 = arith.constant 112 : i32
    %add3A_261 = arith.addi %mul3A_2, %add3A_260 : i32
    %add3A_262 = arith.constant 7 : i32
    %add3A_263 = arith.addi %add3A_261, %add3A_262 : i32
    %dma_start3A_264 = arith.constant 0 : i32
    %dma_start3A_265 = arith.constant 0 : i32
    %dma_start3A_266 = arith.constant 0 : i32
    %dma_start3A_267 = arith.constant 0 : i32
    %dma_start3A_268 = tpu.memref_slice %arg11[%dma_start3A_264, %dma_start3A_266, %dma_start3A_267] : memref<2x400x64xf32, #tpu.memory_space<vmem>> -> memref<1x400x64xf32, #tpu.memory_space<vmem>>
    %dma_start3A_269 = tpu.memref_squeeze %dma_start3A_268 : memref<1x400x64xf32, #tpu.memory_space<vmem>> -> memref<400x64xf32, #tpu.memory_space<vmem>>
    %dma_start3A_270 = arith.constant 350 : i32
    %dma_start3A_271 = arith.constant 0 : i32
    %dma_start3A_272 = tpu.memref_slice %dma_start3A_269[%dma_start3A_270, %dma_start3A_271] : memref<400x64xf32, #tpu.memory_space<vmem>> -> memref<50x64xf32, #tpu.memory_space<vmem>>
    %dma_start3A_273 = arith.constant 0 : i32
    %dma_start3A_274 = arith.constant 0 : i32
    %dma_start3A_275 = tpu.memref_slice %arg7[%add3A_263, %dma_start3A_273, %dma_start3A_274] : memref<4096x56x128xf32, #tpu.memory_space<hbm>> -> memref<1x50x64xf32, #tpu.memory_space<hbm>>
    %dma_start3A_276 = tpu.memref_squeeze %dma_start3A_275 : memref<1x50x64xf32, #tpu.memory_space<hbm>> -> memref<50x64xf32, #tpu.memory_space<hbm>>
    %dma_start3A_277 = tpu.memref_slice %arg13[%dma_start3A_265] : memref<2x!tpu.dma_semaphore, #tpu.memory_space<semaphore_mem>> -> memref<1x!tpu.dma_semaphore, #tpu.memory_space<semaphore_mem>>
    %dma_start3A_278 = tpu.memref_squeeze %dma_start3A_277 : memref<1x!tpu.dma_semaphore, #tpu.memory_space<semaphore_mem>> -> memref<!tpu.dma_semaphore, #tpu.memory_space<semaphore_mem>>
    %dma_start3A_279 = arith.constant 0 : i32
    %dma_start3A_280 = arith.constant 0 : i32
    %dma_start3A_281 = tpu.memref_slice %arg7[%add3A_263, %dma_start3A_279, %dma_start3A_280] : memref<4096x56x128xf32, #tpu.memory_space<hbm>> -> memref<1x50x64xf32, #tpu.memory_space<hbm>>
    %dma_start3A_282 = tpu.memref_squeeze %dma_start3A_281 : memref<1x50x64xf32, #tpu.memory_space<hbm>> -> memref<50x64xf32, #tpu.memory_space<hbm>>
    %dma_start3A_283 = arith.constant 0 : i32
    %dma_start3A_284 = arith.constant 0 : i32
    %dma_start3A_285 = tpu.memref_slice %arg11[%dma_start3A_264, %dma_start3A_283, %dma_start3A_284] : memref<2x400x64xf32, #tpu.memory_space<vmem>> -> memref<1x400x64xf32, #tpu.memory_space<vmem>>
    %dma_start3A_286 = tpu.memref_squeeze %dma_start3A_285 : memref<1x400x64xf32, #tpu.memory_space<vmem>> -> memref<400x64xf32, #tpu.memory_space<vmem>>
    %dma_start3A_287 = arith.constant 350 : i32
    %dma_start3A_288 = arith.constant 0 : i32
    %dma_start3A_289 = tpu.memref_slice %dma_start3A_286[%dma_start3A_287, %dma_start3A_288] : memref<400x64xf32, #tpu.memory_space<vmem>> -> memref<50x64xf32, #tpu.memory_space<vmem>>
    tpu.enqueue_dma source(%dma_start3A_289 : memref<50x64xf32, #tpu.memory_space<vmem>>) target(%dma_start3A_282 : memref<50x64xf32, #tpu.memory_space<hbm>>) target_semaphore(%dma_start3A_278 : memref<!tpu.dma_semaphore, #tpu.memory_space<semaphore_mem>>)
    %dma_wait3A_290 = arith.constant 1 : i32
    %dma_wait3A_291 = arith.constant 1 : i32
    %dma_wait3A_292 = arith.constant 0 : i32
    %dma_wait3A_293 = arith.constant 0 : i32
    %dma_wait3A_294 = tpu.memref_slice %arg11[%dma_wait3A_290, %dma_wait3A_292, %dma_wait3A_293] : memref<2x400x64xf32, #tpu.memory_space<vmem>> -> memref<1x400x64xf32, #tpu.memory_space<vmem>>
    %dma_wait3A_295 = tpu.memref_squeeze %dma_wait3A_294 : memref<1x400x64xf32, #tpu.memory_space<vmem>> -> memref<400x64xf32, #tpu.memory_space<vmem>>
    %dma_wait3A_296 = arith.constant 6000 : i32
    %dma_wait3A_297 = tpu.memref_slice %arg10[%dma_wait3A_296] : memref<6400xi32, #tpu.memory_space<vmem>> -> memref<400xi32, #tpu.memory_space<vmem>>
    %dma_wait3A_298 = arith.constant 0 : i32
    %dma_wait3A_299 = arith.constant 0 : i32
    %dma_wait3A_300 = tpu.memref_slice %arg3[%dma_wait3A_298, %dma_wait3A_299] : memref<100000x64xf32, #tpu.memory_space<hbm>> -> memref<100000x64xf32, #tpu.memory_space<hbm>>
    %dma_wait3A_301 = tpu.memref_slice %arg12[%dma_wait3A_291] : memref<2x!tpu.dma_semaphore, #tpu.memory_space<semaphore_mem>> -> memref<1x!tpu.dma_semaphore, #tpu.memory_space<semaphore_mem>>
    %dma_wait3A_302 = tpu.memref_squeeze %dma_wait3A_301 : memref<1x!tpu.dma_semaphore, #tpu.memory_space<semaphore_mem>> -> memref<!tpu.dma_semaphore, #tpu.memory_space<semaphore_mem>>
    tpu.wait_indirect_dma semaphore(%dma_wait3A_302 : memref<!tpu.dma_semaphore, #tpu.memory_space<semaphore_mem>>) src(%dma_wait3A_300 : memref<100000x64xf32, #tpu.memory_space<hbm>>) dst(%dma_wait3A_295 : memref<400x64xf32, #tpu.memory_space<vmem>>)
    %add3A_303 = arith.constant 120 : i32
    %add3A_304 = arith.addi %mul3A_2, %add3A_303 : i32
    %add3A_305 = arith.constant 0 : i32
    %add3A_306 = arith.addi %add3A_304, %add3A_305 : i32
    %dma_start3A_307 = arith.constant 1 : i32
    %dma_start3A_308 = arith.constant 1 : i32
    %dma_start3A_309 = arith.constant 0 : i32
    %dma_start3A_310 = arith.constant 0 : i32
    %dma_start3A_311 = tpu.memref_slice %arg11[%dma_start3A_307, %dma_start3A_309, %dma_start3A_310] : memref<2x400x64xf32, #tpu.memory_space<vmem>> -> memref<1x400x64xf32, #tpu.memory_space<vmem>>
    %dma_start3A_312 = tpu.memref_squeeze %dma_start3A_311 : memref<1x400x64xf32, #tpu.memory_space<vmem>> -> memref<400x64xf32, #tpu.memory_space<vmem>>
    %dma_start3A_313 = arith.constant 0 : i32
    %dma_start3A_314 = arith.constant 0 : i32
    %dma_start3A_315 = tpu.memref_slice %dma_start3A_312[%dma_start3A_313, %dma_start3A_314] : memref<400x64xf32, #tpu.memory_space<vmem>> -> memref<50x64xf32, #tpu.memory_space<vmem>>
    %dma_start3A_316 = arith.constant 0 : i32
    %dma_start3A_317 = arith.constant 0 : i32
    %dma_start3A_318 = tpu.memref_slice %arg7[%add3A_306, %dma_start3A_316, %dma_start3A_317] : memref<4096x56x128xf32, #tpu.memory_space<hbm>> -> memref<1x50x64xf32, #tpu.memory_space<hbm>>
    %dma_start3A_319 = tpu.memref_squeeze %dma_start3A_318 : memref<1x50x64xf32, #tpu.memory_space<hbm>> -> memref<50x64xf32, #tpu.memory_space<hbm>>
    %dma_start3A_320 = tpu.memref_slice %arg13[%dma_start3A_308] : memref<2x!tpu.dma_semaphore, #tpu.memory_space<semaphore_mem>> -> memref<1x!tpu.dma_semaphore, #tpu.memory_space<semaphore_mem>>
    %dma_start3A_321 = tpu.memref_squeeze %dma_start3A_320 : memref<1x!tpu.dma_semaphore, #tpu.memory_space<semaphore_mem>> -> memref<!tpu.dma_semaphore, #tpu.memory_space<semaphore_mem>>
    %dma_start3A_322 = arith.constant 0 : i32
    %dma_start3A_323 = arith.constant 0 : i32
    %dma_start3A_324 = tpu.memref_slice %arg7[%add3A_306, %dma_start3A_322, %dma_start3A_323] : memref<4096x56x128xf32, #tpu.memory_space<hbm>> -> memref<1x50x64xf32, #tpu.memory_space<hbm>>
    %dma_start3A_325 = tpu.memref_squeeze %dma_start3A_324 : memref<1x50x64xf32, #tpu.memory_space<hbm>> -> memref<50x64xf32, #tpu.memory_space<hbm>>
    %dma_start3A_326 = arith.constant 0 : i32
    %dma_start3A_327 = arith.constant 0 : i32
    %dma_start3A_328 = tpu.memref_slice %arg11[%dma_start3A_307, %dma_start3A_326, %dma_start3A_327] : memref<2x400x64xf32, #tpu.memory_space<vmem>> -> memref<1x400x64xf32, #tpu.memory_space<vmem>>
    %dma_start3A_329 = tpu.memref_squeeze %dma_start3A_328 : memref<1x400x64xf32, #tpu.memory_space<vmem>> -> memref<400x64xf32, #tpu.memory_space<vmem>>
    %dma_start3A_330 = arith.constant 0 : i32
    %dma_start3A_331 = arith.constant 0 : i32
    %dma_start3A_332 = tpu.memref_slice %dma_start3A_329[%dma_start3A_330, %dma_start3A_331] : memref<400x64xf32, #tpu.memory_space<vmem>> -> memref<50x64xf32, #tpu.memory_space<vmem>>
    tpu.enqueue_dma source(%dma_start3A_332 : memref<50x64xf32, #tpu.memory_space<vmem>>) target(%dma_start3A_325 : memref<50x64xf32, #tpu.memory_space<hbm>>) target_semaphore(%dma_start3A_321 : memref<!tpu.dma_semaphore, #tpu.memory_space<semaphore_mem>>)
    %add3A_333 = arith.constant 120 : i32
    %add3A_334 = arith.addi %mul3A_2, %add3A_333 : i32
    %add3A_335 = arith.constant 1 : i32
    %add3A_336 = arith.addi %add3A_334, %add3A_335 : i32
    %dma_start3A_337 = arith.constant 1 : i32
    %dma_start3A_338 = arith.constant 1 : i32
    %dma_start3A_339 = arith.constant 0 : i32
    %dma_start3A_340 = arith.constant 0 : i32
    %dma_start3A_341 = tpu.memref_slice %arg11[%dma_start3A_337, %dma_start3A_339, %dma_start3A_340] : memref<2x400x64xf32, #tpu.memory_space<vmem>> -> memref<1x400x64xf32, #tpu.memory_space<vmem>>
    %dma_start3A_342 = tpu.memref_squeeze %dma_start3A_341 : memref<1x400x64xf32, #tpu.memory_space<vmem>> -> memref<400x64xf32, #tpu.memory_space<vmem>>
    %dma_start3A_343 = arith.constant 50 : i32
    %dma_start3A_344 = arith.constant 0 : i32
    %dma_start3A_345 = tpu.memref_slice %dma_start3A_342[%dma_start3A_343, %dma_start3A_344] : memref<400x64xf32, #tpu.memory_space<vmem>> -> memref<50x64xf32, #tpu.memory_space<vmem>>
    %dma_start3A_346 = arith.constant 0 : i32
    %dma_start3A_347 = arith.constant 0 : i32
    %dma_start3A_348 = tpu.memref_slice %arg7[%add3A_336, %dma_start3A_346, %dma_start3A_347] : memref<4096x56x128xf32, #tpu.memory_space<hbm>> -> memref<1x50x64xf32, #tpu.memory_space<hbm>>
    %dma_start3A_349 = tpu.memref_squeeze %dma_start3A_348 : memref<1x50x64xf32, #tpu.memory_space<hbm>> -> memref<50x64xf32, #tpu.memory_space<hbm>>
    %dma_start3A_350 = tpu.memref_slice %arg13[%dma_start3A_338] : memref<2x!tpu.dma_semaphore, #tpu.memory_space<semaphore_mem>> -> memref<1x!tpu.dma_semaphore, #tpu.memory_space<semaphore_mem>>
    %dma_start3A_351 = tpu.memref_squeeze %dma_start3A_350 : memref<1x!tpu.dma_semaphore, #tpu.memory_space<semaphore_mem>> -> memref<!tpu.dma_semaphore, #tpu.memory_space<semaphore_mem>>
    %dma_start3A_352 = arith.constant 0 : i32
    %dma_start3A_353 = arith.constant 0 : i32
    %dma_start3A_354 = tpu.memref_slice %arg7[%add3A_336, %dma_start3A_352, %dma_start3A_353] : memref<4096x56x128xf32, #tpu.memory_space<hbm>> -> memref<1x50x64xf32, #tpu.memory_space<hbm>>
    %dma_start3A_355 = tpu.memref_squeeze %dma_start3A_354 : memref<1x50x64xf32, #tpu.memory_space<hbm>> -> memref<50x64xf32, #tpu.memory_space<hbm>>
    %dma_start3A_356 = arith.constant 0 : i32
    %dma_start3A_357 = arith.constant 0 : i32
    %dma_start3A_358 = tpu.memref_slice %arg11[%dma_start3A_337, %dma_start3A_356, %dma_start3A_357] : memref<2x400x64xf32, #tpu.memory_space<vmem>> -> memref<1x400x64xf32, #tpu.memory_space<vmem>>
    %dma_start3A_359 = tpu.memref_squeeze %dma_start3A_358 : memref<1x400x64xf32, #tpu.memory_space<vmem>> -> memref<400x64xf32, #tpu.memory_space<vmem>>
    %dma_start3A_360 = arith.constant 50 : i32
    %dma_start3A_361 = arith.constant 0 : i32
    %dma_start3A_362 = tpu.memref_slice %dma_start3A_359[%dma_start3A_360, %dma_start3A_361] : memref<400x64xf32, #tpu.memory_space<vmem>> -> memref<50x64xf32, #tpu.memory_space<vmem>>
    tpu.enqueue_dma source(%dma_start3A_362 : memref<50x64xf32, #tpu.memory_space<vmem>>) target(%dma_start3A_355 : memref<50x64xf32, #tpu.memory_space<hbm>>) target_semaphore(%dma_start3A_351 : memref<!tpu.dma_semaphore, #tpu.memory_space<semaphore_mem>>)
    %add3A_363 = arith.constant 120 : i32
    %add3A_364 = arith.addi %mul3A_2, %add3A_363 : i32
    %add3A_365 = arith.constant 2 : i32
    %add3A_366 = arith.addi %add3A_364, %add3A_365 : i32
    %dma_start3A_367 = arith.constant 1 : i32
    %dma_start3A_368 = arith.constant 1 : i32
    %dma_start3A_369 = arith.constant 0 : i32
    %dma_start3A_370 = arith.constant 0 : i32
    %dma_start3A_371 = tpu.memref_slice %arg11[%dma_start3A_367, %dma_start3A_369, %dma_start3A_370] : memref<2x400x64xf32, #tpu.memory_space<vmem>> -> memref<1x400x64xf32, #tpu.memory_space<vmem>>
    %dma_start3A_372 = tpu.memref_squeeze %dma_start3A_371 : memref<1x400x64xf32, #tpu.memory_space<vmem>> -> memref<400x64xf32, #tpu.memory_space<vmem>>
    %dma_start3A_373 = arith.constant 100 : i32
    %dma_start3A_374 = arith.constant 0 : i32
    %dma_start3A_375 = tpu.memref_slice %dma_start3A_372[%dma_start3A_373, %dma_start3A_374] : memref<400x64xf32, #tpu.memory_space<vmem>> -> memref<50x64xf32, #tpu.memory_space<vmem>>
    %dma_start3A_376 = arith.constant 0 : i32
    %dma_start3A_377 = arith.constant 0 : i32
    %dma_start3A_378 = tpu.memref_slice %arg7[%add3A_366, %dma_start3A_376, %dma_start3A_377] : memref<4096x56x128xf32, #tpu.memory_space<hbm>> -> memref<1x50x64xf32, #tpu.memory_space<hbm>>
    %dma_start3A_379 = tpu.memref_squeeze %dma_start3A_378 : memref<1x50x64xf32, #tpu.memory_space<hbm>> -> memref<50x64xf32, #tpu.memory_space<hbm>>
    %dma_start3A_380 = tpu.memref_slice %arg13[%dma_start3A_368] : memref<2x!tpu.dma_semaphore, #tpu.memory_space<semaphore_mem>> -> memref<1x!tpu.dma_semaphore, #tpu.memory_space<semaphore_mem>>
    %dma_start3A_381 = tpu.memref_squeeze %dma_start3A_380 : memref<1x!tpu.dma_semaphore, #tpu.memory_space<semaphore_mem>> -> memref<!tpu.dma_semaphore, #tpu.memory_space<semaphore_mem>>
    %dma_start3A_382 = arith.constant 0 : i32
    %dma_start3A_383 = arith.constant 0 : i32
    %dma_start3A_384 = tpu.memref_slice %arg7[%add3A_366, %dma_start3A_382, %dma_start3A_383] : memref<4096x56x128xf32, #tpu.memory_space<hbm>> -> memref<1x50x64xf32, #tpu.memory_space<hbm>>
    %dma_start3A_385 = tpu.memref_squeeze %dma_start3A_384 : memref<1x50x64xf32, #tpu.memory_space<hbm>> -> memref<50x64xf32, #tpu.memory_space<hbm>>
    %dma_start3A_386 = arith.constant 0 : i32
    %dma_start3A_387 = arith.constant 0 : i32
    %dma_start3A_388 = tpu.memref_slice %arg11[%dma_start3A_367, %dma_start3A_386, %dma_start3A_387] : memref<2x400x64xf32, #tpu.memory_space<vmem>> -> memref<1x400x64xf32, #tpu.memory_space<vmem>>
    %dma_start3A_389 = tpu.memref_squeeze %dma_start3A_388 : memref<1x400x64xf32, #tpu.memory_space<vmem>> -> memref<400x64xf32, #tpu.memory_space<vmem>>
    %dma_start3A_390 = arith.constant 100 : i32
    %dma_start3A_391 = arith.constant 0 : i32
    %dma_start3A_392 = tpu.memref_slice %dma_start3A_389[%dma_start3A_390, %dma_start3A_391] : memref<400x64xf32, #tpu.memory_space<vmem>> -> memref<50x64xf32, #tpu.memory_space<vmem>>
    tpu.enqueue_dma source(%dma_start3A_392 : memref<50x64xf32, #tpu.memory_space<vmem>>) target(%dma_start3A_385 : memref<50x64xf32, #tpu.memory_space<hbm>>) target_semaphore(%dma_start3A_381 : memref<!tpu.dma_semaphore, #tpu.memory_space<semaphore_mem>>)
    %add3A_393 = arith.constant 120 : i32
    %add3A_394 = arith.addi %mul3A_2, %add3A_393 : i32
    %add3A_395 = arith.constant 3 : i32
    %add3A_396 = arith.addi %add3A_394, %add3A_395 : i32
    %dma_start3A_397 = arith.constant 1 : i32
    %dma_start3A_398 = arith.constant 1 : i32
    %dma_start3A_399 = arith.constant 0 : i32
    %dma_start3A_400 = arith.constant 0 : i32
    %dma_start3A_401 = tpu.memref_slice %arg11[%dma_start3A_397, %dma_start3A_399, %dma_start3A_400] : memref<2x400x64xf32, #tpu.memory_space<vmem>> -> memref<1x400x64xf32, #tpu.memory_space<vmem>>
    %dma_start3A_402 = tpu.memref_squeeze %dma_start3A_401 : memref<1x400x64xf32, #tpu.memory_space<vmem>> -> memref<400x64xf32, #tpu.memory_space<vmem>>
    %dma_start3A_403 = arith.constant 150 : i32
    %dma_start3A_404 = arith.constant 0 : i32
    %dma_start3A_405 = tpu.memref_slice %dma_start3A_402[%dma_start3A_403, %dma_start3A_404] : memref<400x64xf32, #tpu.memory_space<vmem>> -> memref<50x64xf32, #tpu.memory_space<vmem>>
    %dma_start3A_406 = arith.constant 0 : i32
    %dma_start3A_407 = arith.constant 0 : i32
    %dma_start3A_408 = tpu.memref_slice %arg7[%add3A_396, %dma_start3A_406, %dma_start3A_407] : memref<4096x56x128xf32, #tpu.memory_space<hbm>> -> memref<1x50x64xf32, #tpu.memory_space<hbm>>
    %dma_start3A_409 = tpu.memref_squeeze %dma_start3A_408 : memref<1x50x64xf32, #tpu.memory_space<hbm>> -> memref<50x64xf32, #tpu.memory_space<hbm>>
    %dma_start3A_410 = tpu.memref_slice %arg13[%dma_start3A_398] : memref<2x!tpu.dma_semaphore, #tpu.memory_space<semaphore_mem>> -> memref<1x!tpu.dma_semaphore, #tpu.memory_space<semaphore_mem>>
    %dma_start3A_411 = tpu.memref_squeeze %dma_start3A_410 : memref<1x!tpu.dma_semaphore, #tpu.memory_space<semaphore_mem>> -> memref<!tpu.dma_semaphore, #tpu.memory_space<semaphore_mem>>
    %dma_start3A_412 = arith.constant 0 : i32
    %dma_start3A_413 = arith.constant 0 : i32
    %dma_start3A_414 = tpu.memref_slice %arg7[%add3A_396, %dma_start3A_412, %dma_start3A_413] : memref<4096x56x128xf32, #tpu.memory_space<hbm>> -> memref<1x50x64xf32, #tpu.memory_space<hbm>>
    %dma_start3A_415 = tpu.memref_squeeze %dma_start3A_414 : memref<1x50x64xf32, #tpu.memory_space<hbm>> -> memref<50x64xf32, #tpu.memory_space<hbm>>
    %dma_start3A_416 = arith.constant 0 : i32
    %dma_start3A_417 = arith.constant 0 : i32
    %dma_start3A_418 = tpu.memref_slice %arg11[%dma_start3A_397, %dma_start3A_416, %dma_start3A_417] : memref<2x400x64xf32, #tpu.memory_space<vmem>> -> memref<1x400x64xf32, #tpu.memory_space<vmem>>
    %dma_start3A_419 = tpu.memref_squeeze %dma_start3A_418 : memref<1x400x64xf32, #tpu.memory_space<vmem>> -> memref<400x64xf32, #tpu.memory_space<vmem>>
    %dma_start3A_420 = arith.constant 150 : i32
    %dma_start3A_421 = arith.constant 0 : i32
    %dma_start3A_422 = tpu.memref_slice %dma_start3A_419[%dma_start3A_420, %dma_start3A_421] : memref<400x64xf32, #tpu.memory_space<vmem>> -> memref<50x64xf32, #tpu.memory_space<vmem>>
    tpu.enqueue_dma source(%dma_start3A_422 : memref<50x64xf32, #tpu.memory_space<vmem>>) target(%dma_start3A_415 : memref<50x64xf32, #tpu.memory_space<hbm>>) target_semaphore(%dma_start3A_411 : memref<!tpu.dma_semaphore, #tpu.memory_space<semaphore_mem>>)
    %add3A_423 = arith.constant 120 : i32
    %add3A_424 = arith.addi %mul3A_2, %add3A_423 : i32
    %add3A_425 = arith.constant 4 : i32
    %add3A_426 = arith.addi %add3A_424, %add3A_425 : i32
    %dma_start3A_427 = arith.constant 1 : i32
    %dma_start3A_428 = arith.constant 1 : i32
    %dma_start3A_429 = arith.constant 0 : i32
    %dma_start3A_430 = arith.constant 0 : i32
    %dma_start3A_431 = tpu.memref_slice %arg11[%dma_start3A_427, %dma_start3A_429, %dma_start3A_430] : memref<2x400x64xf32, #tpu.memory_space<vmem>> -> memref<1x400x64xf32, #tpu.memory_space<vmem>>
    %dma_start3A_432 = tpu.memref_squeeze %dma_start3A_431 : memref<1x400x64xf32, #tpu.memory_space<vmem>> -> memref<400x64xf32, #tpu.memory_space<vmem>>
    %dma_start3A_433 = arith.constant 200 : i32
    %dma_start3A_434 = arith.constant 0 : i32
    %dma_start3A_435 = tpu.memref_slice %dma_start3A_432[%dma_start3A_433, %dma_start3A_434] : memref<400x64xf32, #tpu.memory_space<vmem>> -> memref<50x64xf32, #tpu.memory_space<vmem>>
    %dma_start3A_436 = arith.constant 0 : i32
    %dma_start3A_437 = arith.constant 0 : i32
    %dma_start3A_438 = tpu.memref_slice %arg7[%add3A_426, %dma_start3A_436, %dma_start3A_437] : memref<4096x56x128xf32, #tpu.memory_space<hbm>> -> memref<1x50x64xf32, #tpu.memory_space<hbm>>
    %dma_start3A_439 = tpu.memref_squeeze %dma_start3A_438 : memref<1x50x64xf32, #tpu.memory_space<hbm>> -> memref<50x64xf32, #tpu.memory_space<hbm>>
    %dma_start3A_440 = tpu.memref_slice %arg13[%dma_start3A_428] : memref<2x!tpu.dma_semaphore, #tpu.memory_space<semaphore_mem>> -> memref<1x!tpu.dma_semaphore, #tpu.memory_space<semaphore_mem>>
    %dma_start3A_441 = tpu.memref_squeeze %dma_start3A_440 : memref<1x!tpu.dma_semaphore, #tpu.memory_space<semaphore_mem>> -> memref<!tpu.dma_semaphore, #tpu.memory_space<semaphore_mem>>
    %dma_start3A_442 = arith.constant 0 : i32
    %dma_start3A_443 = arith.constant 0 : i32
    %dma_start3A_444 = tpu.memref_slice %arg7[%add3A_426, %dma_start3A_442, %dma_start3A_443] : memref<4096x56x128xf32, #tpu.memory_space<hbm>> -> memref<1x50x64xf32, #tpu.memory_space<hbm>>
    %dma_start3A_445 = tpu.memref_squeeze %dma_start3A_444 : memref<1x50x64xf32, #tpu.memory_space<hbm>> -> memref<50x64xf32, #tpu.memory_space<hbm>>
    %dma_start3A_446 = arith.constant 0 : i32
    %dma_start3A_447 = arith.constant 0 : i32
    %dma_start3A_448 = tpu.memref_slice %arg11[%dma_start3A_427, %dma_start3A_446, %dma_start3A_447] : memref<2x400x64xf32, #tpu.memory_space<vmem>> -> memref<1x400x64xf32, #tpu.memory_space<vmem>>
    %dma_start3A_449 = tpu.memref_squeeze %dma_start3A_448 : memref<1x400x64xf32, #tpu.memory_space<vmem>> -> memref<400x64xf32, #tpu.memory_space<vmem>>
    %dma_start3A_450 = arith.constant 200 : i32
    %dma_start3A_451 = arith.constant 0 : i32
    %dma_start3A_452 = tpu.memref_slice %dma_start3A_449[%dma_start3A_450, %dma_start3A_451] : memref<400x64xf32, #tpu.memory_space<vmem>> -> memref<50x64xf32, #tpu.memory_space<vmem>>
    tpu.enqueue_dma source(%dma_start3A_452 : memref<50x64xf32, #tpu.memory_space<vmem>>) target(%dma_start3A_445 : memref<50x64xf32, #tpu.memory_space<hbm>>) target_semaphore(%dma_start3A_441 : memref<!tpu.dma_semaphore, #tpu.memory_space<semaphore_mem>>)
    %add3A_453 = arith.constant 120 : i32
    %add3A_454 = arith.addi %mul3A_2, %add3A_453 : i32
    %add3A_455 = arith.constant 5 : i32
    %add3A_456 = arith.addi %add3A_454, %add3A_455 : i32
    %dma_start3A_457 = arith.constant 1 : i32
    %dma_start3A_458 = arith.constant 1 : i32
    %dma_start3A_459 = arith.constant 0 : i32
    %dma_start3A_460 = arith.constant 0 : i32
    %dma_start3A_461 = tpu.memref_slice %arg11[%dma_start3A_457, %dma_start3A_459, %dma_start3A_460] : memref<2x400x64xf32, #tpu.memory_space<vmem>> -> memref<1x400x64xf32, #tpu.memory_space<vmem>>
    %dma_start3A_462 = tpu.memref_squeeze %dma_start3A_461 : memref<1x400x64xf32, #tpu.memory_space<vmem>> -> memref<400x64xf32, #tpu.memory_space<vmem>>
    %dma_start3A_463 = arith.constant 250 : i32
    %dma_start3A_464 = arith.constant 0 : i32
    %dma_start3A_465 = tpu.memref_slice %dma_start3A_462[%dma_start3A_463, %dma_start3A_464] : memref<400x64xf32, #tpu.memory_space<vmem>> -> memref<50x64xf32, #tpu.memory_space<vmem>>
    %dma_start3A_466 = arith.constant 0 : i32
    %dma_start3A_467 = arith.constant 0 : i32
    %dma_start3A_468 = tpu.memref_slice %arg7[%add3A_456, %dma_start3A_466, %dma_start3A_467] : memref<4096x56x128xf32, #tpu.memory_space<hbm>> -> memref<1x50x64xf32, #tpu.memory_space<hbm>>
    %dma_start3A_469 = tpu.memref_squeeze %dma_start3A_468 : memref<1x50x64xf32, #tpu.memory_space<hbm>> -> memref<50x64xf32, #tpu.memory_space<hbm>>
    %dma_start3A_470 = tpu.memref_slice %arg13[%dma_start3A_458] : memref<2x!tpu.dma_semaphore, #tpu.memory_space<semaphore_mem>> -> memref<1x!tpu.dma_semaphore, #tpu.memory_space<semaphore_mem>>
    %dma_start3A_471 = tpu.memref_squeeze %dma_start3A_470 : memref<1x!tpu.dma_semaphore, #tpu.memory_space<semaphore_mem>> -> memref<!tpu.dma_semaphore, #tpu.memory_space<semaphore_mem>>
    %dma_start3A_472 = arith.constant 0 : i32
    %dma_start3A_473 = arith.constant 0 : i32
    %dma_start3A_474 = tpu.memref_slice %arg7[%add3A_456, %dma_start3A_472, %dma_start3A_473] : memref<4096x56x128xf32, #tpu.memory_space<hbm>> -> memref<1x50x64xf32, #tpu.memory_space<hbm>>
    %dma_start3A_475 = tpu.memref_squeeze %dma_start3A_474 : memref<1x50x64xf32, #tpu.memory_space<hbm>> -> memref<50x64xf32, #tpu.memory_space<hbm>>
    %dma_start3A_476 = arith.constant 0 : i32
    %dma_start3A_477 = arith.constant 0 : i32
    %dma_start3A_478 = tpu.memref_slice %arg11[%dma_start3A_457, %dma_start3A_476, %dma_start3A_477] : memref<2x400x64xf32, #tpu.memory_space<vmem>> -> memref<1x400x64xf32, #tpu.memory_space<vmem>>
    %dma_start3A_479 = tpu.memref_squeeze %dma_start3A_478 : memref<1x400x64xf32, #tpu.memory_space<vmem>> -> memref<400x64xf32, #tpu.memory_space<vmem>>
    %dma_start3A_480 = arith.constant 250 : i32
    %dma_start3A_481 = arith.constant 0 : i32
    %dma_start3A_482 = tpu.memref_slice %dma_start3A_479[%dma_start3A_480, %dma_start3A_481] : memref<400x64xf32, #tpu.memory_space<vmem>> -> memref<50x64xf32, #tpu.memory_space<vmem>>
    tpu.enqueue_dma source(%dma_start3A_482 : memref<50x64xf32, #tpu.memory_space<vmem>>) target(%dma_start3A_475 : memref<50x64xf32, #tpu.memory_space<hbm>>) target_semaphore(%dma_start3A_471 : memref<!tpu.dma_semaphore, #tpu.memory_space<semaphore_mem>>)
    %add3A_483 = arith.constant 120 : i32
    %add3A_484 = arith.addi %mul3A_2, %add3A_483 : i32
    %add3A_485 = arith.constant 6 : i32
    %add3A_486 = arith.addi %add3A_484, %add3A_485 : i32
    %dma_start3A_487 = arith.constant 1 : i32
    %dma_start3A_488 = arith.constant 1 : i32
    %dma_start3A_489 = arith.constant 0 : i32
    %dma_start3A_490 = arith.constant 0 : i32
    %dma_start3A_491 = tpu.memref_slice %arg11[%dma_start3A_487, %dma_start3A_489, %dma_start3A_490] : memref<2x400x64xf32, #tpu.memory_space<vmem>> -> memref<1x400x64xf32, #tpu.memory_space<vmem>>
    %dma_start3A_492 = tpu.memref_squeeze %dma_start3A_491 : memref<1x400x64xf32, #tpu.memory_space<vmem>> -> memref<400x64xf32, #tpu.memory_space<vmem>>
    %dma_start3A_493 = arith.constant 300 : i32
    %dma_start3A_494 = arith.constant 0 : i32
    %dma_start3A_495 = tpu.memref_slice %dma_start3A_492[%dma_start3A_493, %dma_start3A_494] : memref<400x64xf32, #tpu.memory_space<vmem>> -> memref<50x64xf32, #tpu.memory_space<vmem>>
    %dma_start3A_496 = arith.constant 0 : i32
    %dma_start3A_497 = arith.constant 0 : i32
    %dma_start3A_498 = tpu.memref_slice %arg7[%add3A_486, %dma_start3A_496, %dma_start3A_497] : memref<4096x56x128xf32, #tpu.memory_space<hbm>> -> memref<1x50x64xf32, #tpu.memory_space<hbm>>
    %dma_start3A_499 = tpu.memref_squeeze %dma_start3A_498 : memref<1x50x64xf32, #tpu.memory_space<hbm>> -> memref<50x64xf32, #tpu.memory_space<hbm>>
    %dma_start3A_500 = tpu.memref_slice %arg13[%dma_start3A_488] : memref<2x!tpu.dma_semaphore, #tpu.memory_space<semaphore_mem>> -> memref<1x!tpu.dma_semaphore, #tpu.memory_space<semaphore_mem>>
    %dma_start3A_501 = tpu.memref_squeeze %dma_start3A_500 : memref<1x!tpu.dma_semaphore, #tpu.memory_space<semaphore_mem>> -> memref<!tpu.dma_semaphore, #tpu.memory_space<semaphore_mem>>
    %dma_start3A_502 = arith.constant 0 : i32
    %dma_start3A_503 = arith.constant 0 : i32
    %dma_start3A_504 = tpu.memref_slice %arg7[%add3A_486, %dma_start3A_502, %dma_start3A_503] : memref<4096x56x128xf32, #tpu.memory_space<hbm>> -> memref<1x50x64xf32, #tpu.memory_space<hbm>>
    %dma_start3A_505 = tpu.memref_squeeze %dma_start3A_504 : memref<1x50x64xf32, #tpu.memory_space<hbm>> -> memref<50x64xf32, #tpu.memory_space<hbm>>
    %dma_start3A_506 = arith.constant 0 : i32
    %dma_start3A_507 = arith.constant 0 : i32
    %dma_start3A_508 = tpu.memref_slice %arg11[%dma_start3A_487, %dma_start3A_506, %dma_start3A_507] : memref<2x400x64xf32, #tpu.memory_space<vmem>> -> memref<1x400x64xf32, #tpu.memory_space<vmem>>
    %dma_start3A_509 = tpu.memref_squeeze %dma_start3A_508 : memref<1x400x64xf32, #tpu.memory_space<vmem>> -> memref<400x64xf32, #tpu.memory_space<vmem>>
    %dma_start3A_510 = arith.constant 300 : i32
    %dma_start3A_511 = arith.constant 0 : i32
    %dma_start3A_512 = tpu.memref_slice %dma_start3A_509[%dma_start3A_510, %dma_start3A_511] : memref<400x64xf32, #tpu.memory_space<vmem>> -> memref<50x64xf32, #tpu.memory_space<vmem>>
    tpu.enqueue_dma source(%dma_start3A_512 : memref<50x64xf32, #tpu.memory_space<vmem>>) target(%dma_start3A_505 : memref<50x64xf32, #tpu.memory_space<hbm>>) target_semaphore(%dma_start3A_501 : memref<!tpu.dma_semaphore, #tpu.memory_space<semaphore_mem>>)
    %add3A_513 = arith.constant 120 : i32
    %add3A_514 = arith.addi %mul3A_2, %add3A_513 : i32
    %add3A_515 = arith.constant 7 : i32
    %add3A_516 = arith.addi %add3A_514, %add3A_515 : i32
    %dma_start3A_517 = arith.constant 1 : i32
    %dma_start3A_518 = arith.constant 1 : i32
    %dma_start3A_519 = arith.constant 0 : i32
    %dma_start3A_520 = arith.constant 0 : i32
    %dma_start3A_521 = tpu.memref_slice %arg11[%dma_start3A_517, %dma_start3A_519, %dma_start3A_520] : memref<2x400x64xf32, #tpu.memory_space<vmem>> -> memref<1x400x64xf32, #tpu.memory_space<vmem>>
    %dma_start3A_522 = tpu.memref_squeeze %dma_start3A_521 : memref<1x400x64xf32, #tpu.memory_space<vmem>> -> memref<400x64xf32, #tpu.memory_space<vmem>>
    %dma_start3A_523 = arith.constant 350 : i32
    %dma_start3A_524 = arith.constant 0 : i32
    %dma_start3A_525 = tpu.memref_slice %dma_start3A_522[%dma_start3A_523, %dma_start3A_524] : memref<400x64xf32, #tpu.memory_space<vmem>> -> memref<50x64xf32, #tpu.memory_space<vmem>>
    %dma_start3A_526 = arith.constant 0 : i32
    %dma_start3A_527 = arith.constant 0 : i32
    %dma_start3A_528 = tpu.memref_slice %arg7[%add3A_516, %dma_start3A_526, %dma_start3A_527] : memref<4096x56x128xf32, #tpu.memory_space<hbm>> -> memref<1x50x64xf32, #tpu.memory_space<hbm>>
    %dma_start3A_529 = tpu.memref_squeeze %dma_start3A_528 : memref<1x50x64xf32, #tpu.memory_space<hbm>> -> memref<50x64xf32, #tpu.memory_space<hbm>>
    %dma_start3A_530 = tpu.memref_slice %arg13[%dma_start3A_518] : memref<2x!tpu.dma_semaphore, #tpu.memory_space<semaphore_mem>> -> memref<1x!tpu.dma_semaphore, #tpu.memory_space<semaphore_mem>>
    %dma_start3A_531 = tpu.memref_squeeze %dma_start3A_530 : memref<1x!tpu.dma_semaphore, #tpu.memory_space<semaphore_mem>> -> memref<!tpu.dma_semaphore, #tpu.memory_space<semaphore_mem>>
    %dma_start3A_532 = arith.constant 0 : i32
    %dma_start3A_533 = arith.constant 0 : i32
    %dma_start3A_534 = tpu.memref_slice %arg7[%add3A_516, %dma_start3A_532, %dma_start3A_533] : memref<4096x56x128xf32, #tpu.memory_space<hbm>> -> memref<1x50x64xf32, #tpu.memory_space<hbm>>
    %dma_start3A_535 = tpu.memref_squeeze %dma_start3A_534 : memref<1x50x64xf32, #tpu.memory_space<hbm>> -> memref<50x64xf32, #tpu.memory_space<hbm>>
    %dma_start3A_536 = arith.constant 0 : i32
    %dma_start3A_537 = arith.constant 0 : i32
    %dma_start3A_538 = tpu.memref_slice %arg11[%dma_start3A_517, %dma_start3A_536, %dma_start3A_537] : memref<2x400x64xf32, #tpu.memory_space<vmem>> -> memref<1x400x64xf32, #tpu.memory_space<vmem>>
    %dma_start3A_539 = tpu.memref_squeeze %dma_start3A_538 : memref<1x400x64xf32, #tpu.memory_space<vmem>> -> memref<400x64xf32, #tpu.memory_space<vmem>>
    %dma_start3A_540 = arith.constant 350 : i32
    %dma_start3A_541 = arith.constant 0 : i32
    %dma_start3A_542 = tpu.memref_slice %dma_start3A_539[%dma_start3A_540, %dma_start3A_541] : memref<400x64xf32, #tpu.memory_space<vmem>> -> memref<50x64xf32, #tpu.memory_space<vmem>>
    tpu.enqueue_dma source(%dma_start3A_542 : memref<50x64xf32, #tpu.memory_space<vmem>>) target(%dma_start3A_535 : memref<50x64xf32, #tpu.memory_space<hbm>>) target_semaphore(%dma_start3A_531 : memref<!tpu.dma_semaphore, #tpu.memory_space<semaphore_mem>>)
    %add3A_543 = arith.constant 112 : i32
    %add3A_544 = arith.addi %mul3A_2, %add3A_543 : i32
    %add3A_545 = arith.constant 0 : i32
    %add3A_546 = arith.addi %add3A_544, %add3A_545 : i32
    %dma_wait3A_547 = arith.constant 0 : i32
    %dma_wait3A_548 = arith.constant 0 : i32
    %dma_wait3A_549 = arith.constant 0 : i32
    %dma_wait3A_550 = arith.constant 0 : i32
    %dma_wait3A_551 = tpu.memref_slice %arg11[%dma_wait3A_547, %dma_wait3A_549, %dma_wait3A_550] : memref<2x400x64xf32, #tpu.memory_space<vmem>> -> memref<1x400x64xf32, #tpu.memory_space<vmem>>
    %dma_wait3A_552 = tpu.memref_squeeze %dma_wait3A_551 : memref<1x400x64xf32, #tpu.memory_space<vmem>> -> memref<400x64xf32, #tpu.memory_space<vmem>>
    %dma_wait3A_553 = arith.constant 0 : i32
    %dma_wait3A_554 = arith.constant 0 : i32
    %dma_wait3A_555 = tpu.memref_slice %dma_wait3A_552[%dma_wait3A_553, %dma_wait3A_554] : memref<400x64xf32, #tpu.memory_space<vmem>> -> memref<50x64xf32, #tpu.memory_space<vmem>>
    %dma_wait3A_556 = arith.constant 0 : i32
    %dma_wait3A_557 = arith.constant 0 : i32
    %dma_wait3A_558 = tpu.memref_slice %arg7[%add3A_546, %dma_wait3A_556, %dma_wait3A_557] : memref<4096x56x128xf32, #tpu.memory_space<hbm>> -> memref<1x50x64xf32, #tpu.memory_space<hbm>>
    %dma_wait3A_559 = tpu.memref_squeeze %dma_wait3A_558 : memref<1x50x64xf32, #tpu.memory_space<hbm>> -> memref<50x64xf32, #tpu.memory_space<hbm>>
    %dma_wait3A_560 = tpu.memref_slice %arg13[%dma_wait3A_548] : memref<2x!tpu.dma_semaphore, #tpu.memory_space<semaphore_mem>> -> memref<1x!tpu.dma_semaphore, #tpu.memory_space<semaphore_mem>>
    %dma_wait3A_561 = tpu.memref_squeeze %dma_wait3A_560 : memref<1x!tpu.dma_semaphore, #tpu.memory_space<semaphore_mem>> -> memref<!tpu.dma_semaphore, #tpu.memory_space<semaphore_mem>>
    %dma_wait3A_562 = arith.constant 0 : i32
    %dma_wait3A_563 = arith.constant 0 : i32
    %dma_wait3A_564 = tpu.memref_slice %arg7[%add3A_546, %dma_wait3A_562, %dma_wait3A_563] : memref<4096x56x128xf32, #tpu.memory_space<hbm>> -> memref<1x50x64xf32, #tpu.memory_space<hbm>>
    %dma_wait3A_565 = tpu.memref_squeeze %dma_wait3A_564 : memref<1x50x64xf32, #tpu.memory_space<hbm>> -> memref<50x64xf32, #tpu.memory_space<hbm>>
    %dma_wait3A_566 = arith.constant 0 : i32
    %dma_wait3A_567 = arith.constant 0 : i32
    %dma_wait3A_568 = tpu.memref_slice %arg11[%dma_wait3A_547, %dma_wait3A_566, %dma_wait3A_567] : memref<2x400x64xf32, #tpu.memory_space<vmem>> -> memref<1x400x64xf32, #tpu.memory_space<vmem>>
    %dma_wait3A_569 = tpu.memref_squeeze %dma_wait3A_568 : memref<1x400x64xf32, #tpu.memory_space<vmem>> -> memref<400x64xf32, #tpu.memory_space<vmem>>
    %dma_wait3A_570 = arith.constant 0 : i32
    %dma_wait3A_571 = arith.constant 0 : i32
    %dma_wait3A_572 = tpu.memref_slice %dma_wait3A_569[%dma_wait3A_570, %dma_wait3A_571] : memref<400x64xf32, #tpu.memory_space<vmem>> -> memref<50x64xf32, #tpu.memory_space<vmem>>
    tpu.wait_dma2 semaphore(%dma_wait3A_561 : memref<!tpu.dma_semaphore, #tpu.memory_space<semaphore_mem>>) src(%dma_wait3A_572 : memref<50x64xf32, #tpu.memory_space<vmem>>) dst(%dma_wait3A_565 : memref<50x64xf32, #tpu.memory_space<hbm>>)
    %add3A_573 = arith.constant 112 : i32
    %add3A_574 = arith.addi %mul3A_2, %add3A_573 : i32
    %add3A_575 = arith.constant 1 : i32
    %add3A_576 = arith.addi %add3A_574, %add3A_575 : i32
    %dma_wait3A_577 = arith.constant 0 : i32
    %dma_wait3A_578 = arith.constant 0 : i32
    %dma_wait3A_579 = arith.constant 0 : i32
    %dma_wait3A_580 = arith.constant 0 : i32
    %dma_wait3A_581 = tpu.memref_slice %arg11[%dma_wait3A_577, %dma_wait3A_579, %dma_wait3A_580] : memref<2x400x64xf32, #tpu.memory_space<vmem>> -> memref<1x400x64xf32, #tpu.memory_space<vmem>>
    %dma_wait3A_582 = tpu.memref_squeeze %dma_wait3A_581 : memref<1x400x64xf32, #tpu.memory_space<vmem>> -> memref<400x64xf32, #tpu.memory_space<vmem>>
    %dma_wait3A_583 = arith.constant 50 : i32
    %dma_wait3A_584 = arith.constant 0 : i32
    %dma_wait3A_585 = tpu.memref_slice %dma_wait3A_582[%dma_wait3A_583, %dma_wait3A_584] : memref<400x64xf32, #tpu.memory_space<vmem>> -> memref<50x64xf32, #tpu.memory_space<vmem>>
    %dma_wait3A_586 = arith.constant 0 : i32
    %dma_wait3A_587 = arith.constant 0 : i32
    %dma_wait3A_588 = tpu.memref_slice %arg7[%add3A_576, %dma_wait3A_586, %dma_wait3A_587] : memref<4096x56x128xf32, #tpu.memory_space<hbm>> -> memref<1x50x64xf32, #tpu.memory_space<hbm>>
    %dma_wait3A_589 = tpu.memref_squeeze %dma_wait3A_588 : memref<1x50x64xf32, #tpu.memory_space<hbm>> -> memref<50x64xf32, #tpu.memory_space<hbm>>
    %dma_wait3A_590 = tpu.memref_slice %arg13[%dma_wait3A_578] : memref<2x!tpu.dma_semaphore, #tpu.memory_space<semaphore_mem>> -> memref<1x!tpu.dma_semaphore, #tpu.memory_space<semaphore_mem>>
    %dma_wait3A_591 = tpu.memref_squeeze %dma_wait3A_590 : memref<1x!tpu.dma_semaphore, #tpu.memory_space<semaphore_mem>> -> memref<!tpu.dma_semaphore, #tpu.memory_space<semaphore_mem>>
    %dma_wait3A_592 = arith.constant 0 : i32
    %dma_wait3A_593 = arith.constant 0 : i32
    %dma_wait3A_594 = tpu.memref_slice %arg7[%add3A_576, %dma_wait3A_592, %dma_wait3A_593] : memref<4096x56x128xf32, #tpu.memory_space<hbm>> -> memref<1x50x64xf32, #tpu.memory_space<hbm>>
    %dma_wait3A_595 = tpu.memref_squeeze %dma_wait3A_594 : memref<1x50x64xf32, #tpu.memory_space<hbm>> -> memref<50x64xf32, #tpu.memory_space<hbm>>
    %dma_wait3A_596 = arith.constant 0 : i32
    %dma_wait3A_597 = arith.constant 0 : i32
    %dma_wait3A_598 = tpu.memref_slice %arg11[%dma_wait3A_577, %dma_wait3A_596, %dma_wait3A_597] : memref<2x400x64xf32, #tpu.memory_space<vmem>> -> memref<1x400x64xf32, #tpu.memory_space<vmem>>
    %dma_wait3A_599 = tpu.memref_squeeze %dma_wait3A_598 : memref<1x400x64xf32, #tpu.memory_space<vmem>> -> memref<400x64xf32, #tpu.memory_space<vmem>>
    %dma_wait3A_600 = arith.constant 50 : i32
    %dma_wait3A_601 = arith.constant 0 : i32
    %dma_wait3A_602 = tpu.memref_slice %dma_wait3A_599[%dma_wait3A_600, %dma_wait3A_601] : memref<400x64xf32, #tpu.memory_space<vmem>> -> memref<50x64xf32, #tpu.memory_space<vmem>>
    tpu.wait_dma2 semaphore(%dma_wait3A_591 : memref<!tpu.dma_semaphore, #tpu.memory_space<semaphore_mem>>) src(%dma_wait3A_602 : memref<50x64xf32, #tpu.memory_space<vmem>>) dst(%dma_wait3A_595 : memref<50x64xf32, #tpu.memory_space<hbm>>)
    %add3A_603 = arith.constant 112 : i32
    %add3A_604 = arith.addi %mul3A_2, %add3A_603 : i32
    %add3A_605 = arith.constant 2 : i32
    %add3A_606 = arith.addi %add3A_604, %add3A_605 : i32
    %dma_wait3A_607 = arith.constant 0 : i32
    %dma_wait3A_608 = arith.constant 0 : i32
    %dma_wait3A_609 = arith.constant 0 : i32
    %dma_wait3A_610 = arith.constant 0 : i32
    %dma_wait3A_611 = tpu.memref_slice %arg11[%dma_wait3A_607, %dma_wait3A_609, %dma_wait3A_610] : memref<2x400x64xf32, #tpu.memory_space<vmem>> -> memref<1x400x64xf32, #tpu.memory_space<vmem>>
    %dma_wait3A_612 = tpu.memref_squeeze %dma_wait3A_611 : memref<1x400x64xf32, #tpu.memory_space<vmem>> -> memref<400x64xf32, #tpu.memory_space<vmem>>
    %dma_wait3A_613 = arith.constant 100 : i32
    %dma_wait3A_614 = arith.constant 0 : i32
    %dma_wait3A_615 = tpu.memref_slice %dma_wait3A_612[%dma_wait3A_613, %dma_wait3A_614] : memref<400x64xf32, #tpu.memory_space<vmem>> -> memref<50x64xf32, #tpu.memory_space<vmem>>
    %dma_wait3A_616 = arith.constant 0 : i32
    %dma_wait3A_617 = arith.constant 0 : i32
    %dma_wait3A_618 = tpu.memref_slice %arg7[%add3A_606, %dma_wait3A_616, %dma_wait3A_617] : memref<4096x56x128xf32, #tpu.memory_space<hbm>> -> memref<1x50x64xf32, #tpu.memory_space<hbm>>
    %dma_wait3A_619 = tpu.memref_squeeze %dma_wait3A_618 : memref<1x50x64xf32, #tpu.memory_space<hbm>> -> memref<50x64xf32, #tpu.memory_space<hbm>>
    %dma_wait3A_620 = tpu.memref_slice %arg13[%dma_wait3A_608] : memref<2x!tpu.dma_semaphore, #tpu.memory_space<semaphore_mem>> -> memref<1x!tpu.dma_semaphore, #tpu.memory_space<semaphore_mem>>
    %dma_wait3A_621 = tpu.memref_squeeze %dma_wait3A_620 : memref<1x!tpu.dma_semaphore, #tpu.memory_space<semaphore_mem>> -> memref<!tpu.dma_semaphore, #tpu.memory_space<semaphore_mem>>
    %dma_wait3A_622 = arith.constant 0 : i32
    %dma_wait3A_623 = arith.constant 0 : i32
    %dma_wait3A_624 = tpu.memref_slice %arg7[%add3A_606, %dma_wait3A_622, %dma_wait3A_623] : memref<4096x56x128xf32, #tpu.memory_space<hbm>> -> memref<1x50x64xf32, #tpu.memory_space<hbm>>
    %dma_wait3A_625 = tpu.memref_squeeze %dma_wait3A_624 : memref<1x50x64xf32, #tpu.memory_space<hbm>> -> memref<50x64xf32, #tpu.memory_space<hbm>>
    %dma_wait3A_626 = arith.constant 0 : i32
    %dma_wait3A_627 = arith.constant 0 : i32
    %dma_wait3A_628 = tpu.memref_slice %arg11[%dma_wait3A_607, %dma_wait3A_626, %dma_wait3A_627] : memref<2x400x64xf32, #tpu.memory_space<vmem>> -> memref<1x400x64xf32, #tpu.memory_space<vmem>>
    %dma_wait3A_629 = tpu.memref_squeeze %dma_wait3A_628 : memref<1x400x64xf32, #tpu.memory_space<vmem>> -> memref<400x64xf32, #tpu.memory_space<vmem>>
    %dma_wait3A_630 = arith.constant 100 : i32
    %dma_wait3A_631 = arith.constant 0 : i32
    %dma_wait3A_632 = tpu.memref_slice %dma_wait3A_629[%dma_wait3A_630, %dma_wait3A_631] : memref<400x64xf32, #tpu.memory_space<vmem>> -> memref<50x64xf32, #tpu.memory_space<vmem>>
    tpu.wait_dma2 semaphore(%dma_wait3A_621 : memref<!tpu.dma_semaphore, #tpu.memory_space<semaphore_mem>>) src(%dma_wait3A_632 : memref<50x64xf32, #tpu.memory_space<vmem>>) dst(%dma_wait3A_625 : memref<50x64xf32, #tpu.memory_space<hbm>>)
    %add3A_633 = arith.constant 112 : i32
    %add3A_634 = arith.addi %mul3A_2, %add3A_633 : i32
    %add3A_635 = arith.constant 3 : i32
    %add3A_636 = arith.addi %add3A_634, %add3A_635 : i32
    %dma_wait3A_637 = arith.constant 0 : i32
    %dma_wait3A_638 = arith.constant 0 : i32
    %dma_wait3A_639 = arith.constant 0 : i32
    %dma_wait3A_640 = arith.constant 0 : i32
    %dma_wait3A_641 = tpu.memref_slice %arg11[%dma_wait3A_637, %dma_wait3A_639, %dma_wait3A_640] : memref<2x400x64xf32, #tpu.memory_space<vmem>> -> memref<1x400x64xf32, #tpu.memory_space<vmem>>
    %dma_wait3A_642 = tpu.memref_squeeze %dma_wait3A_641 : memref<1x400x64xf32, #tpu.memory_space<vmem>> -> memref<400x64xf32, #tpu.memory_space<vmem>>
    %dma_wait3A_643 = arith.constant 150 : i32
    %dma_wait3A_644 = arith.constant 0 : i32
    %dma_wait3A_645 = tpu.memref_slice %dma_wait3A_642[%dma_wait3A_643, %dma_wait3A_644] : memref<400x64xf32, #tpu.memory_space<vmem>> -> memref<50x64xf32, #tpu.memory_space<vmem>>
    %dma_wait3A_646 = arith.constant 0 : i32
    %dma_wait3A_647 = arith.constant 0 : i32
    %dma_wait3A_648 = tpu.memref_slice %arg7[%add3A_636, %dma_wait3A_646, %dma_wait3A_647] : memref<4096x56x128xf32, #tpu.memory_space<hbm>> -> memref<1x50x64xf32, #tpu.memory_space<hbm>>
    %dma_wait3A_649 = tpu.memref_squeeze %dma_wait3A_648 : memref<1x50x64xf32, #tpu.memory_space<hbm>> -> memref<50x64xf32, #tpu.memory_space<hbm>>
    %dma_wait3A_650 = tpu.memref_slice %arg13[%dma_wait3A_638] : memref<2x!tpu.dma_semaphore, #tpu.memory_space<semaphore_mem>> -> memref<1x!tpu.dma_semaphore, #tpu.memory_space<semaphore_mem>>
    %dma_wait3A_651 = tpu.memref_squeeze %dma_wait3A_650 : memref<1x!tpu.dma_semaphore, #tpu.memory_space<semaphore_mem>> -> memref<!tpu.dma_semaphore, #tpu.memory_space<semaphore_mem>>
    %dma_wait3A_652 = arith.constant 0 : i32
    %dma_wait3A_653 = arith.constant 0 : i32
    %dma_wait3A_654 = tpu.memref_slice %arg7[%add3A_636, %dma_wait3A_652, %dma_wait3A_653] : memref<4096x56x128xf32, #tpu.memory_space<hbm>> -> memref<1x50x64xf32, #tpu.memory_space<hbm>>
    %dma_wait3A_655 = tpu.memref_squeeze %dma_wait3A_654 : memref<1x50x64xf32, #tpu.memory_space<hbm>> -> memref<50x64xf32, #tpu.memory_space<hbm>>
    %dma_wait3A_656 = arith.constant 0 : i32
    %dma_wait3A_657 = arith.constant 0 : i32
    %dma_wait3A_658 = tpu.memref_slice %arg11[%dma_wait3A_637, %dma_wait3A_656, %dma_wait3A_657] : memref<2x400x64xf32, #tpu.memory_space<vmem>> -> memref<1x400x64xf32, #tpu.memory_space<vmem>>
    %dma_wait3A_659 = tpu.memref_squeeze %dma_wait3A_658 : memref<1x400x64xf32, #tpu.memory_space<vmem>> -> memref<400x64xf32, #tpu.memory_space<vmem>>
    %dma_wait3A_660 = arith.constant 150 : i32
    %dma_wait3A_661 = arith.constant 0 : i32
    %dma_wait3A_662 = tpu.memref_slice %dma_wait3A_659[%dma_wait3A_660, %dma_wait3A_661] : memref<400x64xf32, #tpu.memory_space<vmem>> -> memref<50x64xf32, #tpu.memory_space<vmem>>
    tpu.wait_dma2 semaphore(%dma_wait3A_651 : memref<!tpu.dma_semaphore, #tpu.memory_space<semaphore_mem>>) src(%dma_wait3A_662 : memref<50x64xf32, #tpu.memory_space<vmem>>) dst(%dma_wait3A_655 : memref<50x64xf32, #tpu.memory_space<hbm>>)
    %add3A_663 = arith.constant 112 : i32
    %add3A_664 = arith.addi %mul3A_2, %add3A_663 : i32
    %add3A_665 = arith.constant 4 : i32
    %add3A_666 = arith.addi %add3A_664, %add3A_665 : i32
    %dma_wait3A_667 = arith.constant 0 : i32
    %dma_wait3A_668 = arith.constant 0 : i32
    %dma_wait3A_669 = arith.constant 0 : i32
    %dma_wait3A_670 = arith.constant 0 : i32
    %dma_wait3A_671 = tpu.memref_slice %arg11[%dma_wait3A_667, %dma_wait3A_669, %dma_wait3A_670] : memref<2x400x64xf32, #tpu.memory_space<vmem>> -> memref<1x400x64xf32, #tpu.memory_space<vmem>>
    %dma_wait3A_672 = tpu.memref_squeeze %dma_wait3A_671 : memref<1x400x64xf32, #tpu.memory_space<vmem>> -> memref<400x64xf32, #tpu.memory_space<vmem>>
    %dma_wait3A_673 = arith.constant 200 : i32
    %dma_wait3A_674 = arith.constant 0 : i32
    %dma_wait3A_675 = tpu.memref_slice %dma_wait3A_672[%dma_wait3A_673, %dma_wait3A_674] : memref<400x64xf32, #tpu.memory_space<vmem>> -> memref<50x64xf32, #tpu.memory_space<vmem>>
    %dma_wait3A_676 = arith.constant 0 : i32
    %dma_wait3A_677 = arith.constant 0 : i32
    %dma_wait3A_678 = tpu.memref_slice %arg7[%add3A_666, %dma_wait3A_676, %dma_wait3A_677] : memref<4096x56x128xf32, #tpu.memory_space<hbm>> -> memref<1x50x64xf32, #tpu.memory_space<hbm>>
    %dma_wait3A_679 = tpu.memref_squeeze %dma_wait3A_678 : memref<1x50x64xf32, #tpu.memory_space<hbm>> -> memref<50x64xf32, #tpu.memory_space<hbm>>
    %dma_wait3A_680 = tpu.memref_slice %arg13[%dma_wait3A_668] : memref<2x!tpu.dma_semaphore, #tpu.memory_space<semaphore_mem>> -> memref<1x!tpu.dma_semaphore, #tpu.memory_space<semaphore_mem>>
    %dma_wait3A_681 = tpu.memref_squeeze %dma_wait3A_680 : memref<1x!tpu.dma_semaphore, #tpu.memory_space<semaphore_mem>> -> memref<!tpu.dma_semaphore, #tpu.memory_space<semaphore_mem>>
    %dma_wait3A_682 = arith.constant 0 : i32
    %dma_wait3A_683 = arith.constant 0 : i32
    %dma_wait3A_684 = tpu.memref_slice %arg7[%add3A_666, %dma_wait3A_682, %dma_wait3A_683] : memref<4096x56x128xf32, #tpu.memory_space<hbm>> -> memref<1x50x64xf32, #tpu.memory_space<hbm>>
    %dma_wait3A_685 = tpu.memref_squeeze %dma_wait3A_684 : memref<1x50x64xf32, #tpu.memory_space<hbm>> -> memref<50x64xf32, #tpu.memory_space<hbm>>
    %dma_wait3A_686 = arith.constant 0 : i32
    %dma_wait3A_687 = arith.constant 0 : i32
    %dma_wait3A_688 = tpu.memref_slice %arg11[%dma_wait3A_667, %dma_wait3A_686, %dma_wait3A_687] : memref<2x400x64xf32, #tpu.memory_space<vmem>> -> memref<1x400x64xf32, #tpu.memory_space<vmem>>
    %dma_wait3A_689 = tpu.memref_squeeze %dma_wait3A_688 : memref<1x400x64xf32, #tpu.memory_space<vmem>> -> memref<400x64xf32, #tpu.memory_space<vmem>>
    %dma_wait3A_690 = arith.constant 200 : i32
    %dma_wait3A_691 = arith.constant 0 : i32
    %dma_wait3A_692 = tpu.memref_slice %dma_wait3A_689[%dma_wait3A_690, %dma_wait3A_691] : memref<400x64xf32, #tpu.memory_space<vmem>> -> memref<50x64xf32, #tpu.memory_space<vmem>>
    tpu.wait_dma2 semaphore(%dma_wait3A_681 : memref<!tpu.dma_semaphore, #tpu.memory_space<semaphore_mem>>) src(%dma_wait3A_692 : memref<50x64xf32, #tpu.memory_space<vmem>>) dst(%dma_wait3A_685 : memref<50x64xf32, #tpu.memory_space<hbm>>)
    %add3A_693 = arith.constant 112 : i32
    %add3A_694 = arith.addi %mul3A_2, %add3A_693 : i32
    %add3A_695 = arith.constant 5 : i32
    %add3A_696 = arith.addi %add3A_694, %add3A_695 : i32
    %dma_wait3A_697 = arith.constant 0 : i32
    %dma_wait3A_698 = arith.constant 0 : i32
    %dma_wait3A_699 = arith.constant 0 : i32
    %dma_wait3A_700 = arith.constant 0 : i32
    %dma_wait3A_701 = tpu.memref_slice %arg11[%dma_wait3A_697, %dma_wait3A_699, %dma_wait3A_700] : memref<2x400x64xf32, #tpu.memory_space<vmem>> -> memref<1x400x64xf32, #tpu.memory_space<vmem>>
    %dma_wait3A_702 = tpu.memref_squeeze %dma_wait3A_701 : memref<1x400x64xf32, #tpu.memory_space<vmem>> -> memref<400x64xf32, #tpu.memory_space<vmem>>
    %dma_wait3A_703 = arith.constant 250 : i32
    %dma_wait3A_704 = arith.constant 0 : i32
    %dma_wait3A_705 = tpu.memref_slice %dma_wait3A_702[%dma_wait3A_703, %dma_wait3A_704] : memref<400x64xf32, #tpu.memory_space<vmem>> -> memref<50x64xf32, #tpu.memory_space<vmem>>
    %dma_wait3A_706 = arith.constant 0 : i32
    %dma_wait3A_707 = arith.constant 0 : i32
    %dma_wait3A_708 = tpu.memref_slice %arg7[%add3A_696, %dma_wait3A_706, %dma_wait3A_707] : memref<4096x56x128xf32, #tpu.memory_space<hbm>> -> memref<1x50x64xf32, #tpu.memory_space<hbm>>
    %dma_wait3A_709 = tpu.memref_squeeze %dma_wait3A_708 : memref<1x50x64xf32, #tpu.memory_space<hbm>> -> memref<50x64xf32, #tpu.memory_space<hbm>>
    %dma_wait3A_710 = tpu.memref_slice %arg13[%dma_wait3A_698] : memref<2x!tpu.dma_semaphore, #tpu.memory_space<semaphore_mem>> -> memref<1x!tpu.dma_semaphore, #tpu.memory_space<semaphore_mem>>
    %dma_wait3A_711 = tpu.memref_squeeze %dma_wait3A_710 : memref<1x!tpu.dma_semaphore, #tpu.memory_space<semaphore_mem>> -> memref<!tpu.dma_semaphore, #tpu.memory_space<semaphore_mem>>
    %dma_wait3A_712 = arith.constant 0 : i32
    %dma_wait3A_713 = arith.constant 0 : i32
    %dma_wait3A_714 = tpu.memref_slice %arg7[%add3A_696, %dma_wait3A_712, %dma_wait3A_713] : memref<4096x56x128xf32, #tpu.memory_space<hbm>> -> memref<1x50x64xf32, #tpu.memory_space<hbm>>
    %dma_wait3A_715 = tpu.memref_squeeze %dma_wait3A_714 : memref<1x50x64xf32, #tpu.memory_space<hbm>> -> memref<50x64xf32, #tpu.memory_space<hbm>>
    %dma_wait3A_716 = arith.constant 0 : i32
    %dma_wait3A_717 = arith.constant 0 : i32
    %dma_wait3A_718 = tpu.memref_slice %arg11[%dma_wait3A_697, %dma_wait3A_716, %dma_wait3A_717] : memref<2x400x64xf32, #tpu.memory_space<vmem>> -> memref<1x400x64xf32, #tpu.memory_space<vmem>>
    %dma_wait3A_719 = tpu.memref_squeeze %dma_wait3A_718 : memref<1x400x64xf32, #tpu.memory_space<vmem>> -> memref<400x64xf32, #tpu.memory_space<vmem>>
    %dma_wait3A_720 = arith.constant 250 : i32
    %dma_wait3A_721 = arith.constant 0 : i32
    %dma_wait3A_722 = tpu.memref_slice %dma_wait3A_719[%dma_wait3A_720, %dma_wait3A_721] : memref<400x64xf32, #tpu.memory_space<vmem>> -> memref<50x64xf32, #tpu.memory_space<vmem>>
    tpu.wait_dma2 semaphore(%dma_wait3A_711 : memref<!tpu.dma_semaphore, #tpu.memory_space<semaphore_mem>>) src(%dma_wait3A_722 : memref<50x64xf32, #tpu.memory_space<vmem>>) dst(%dma_wait3A_715 : memref<50x64xf32, #tpu.memory_space<hbm>>)
    %add3A_723 = arith.constant 112 : i32
    %add3A_724 = arith.addi %mul3A_2, %add3A_723 : i32
    %add3A_725 = arith.constant 6 : i32
    %add3A_726 = arith.addi %add3A_724, %add3A_725 : i32
    %dma_wait3A_727 = arith.constant 0 : i32
    %dma_wait3A_728 = arith.constant 0 : i32
    %dma_wait3A_729 = arith.constant 0 : i32
    %dma_wait3A_730 = arith.constant 0 : i32
    %dma_wait3A_731 = tpu.memref_slice %arg11[%dma_wait3A_727, %dma_wait3A_729, %dma_wait3A_730] : memref<2x400x64xf32, #tpu.memory_space<vmem>> -> memref<1x400x64xf32, #tpu.memory_space<vmem>>
    %dma_wait3A_732 = tpu.memref_squeeze %dma_wait3A_731 : memref<1x400x64xf32, #tpu.memory_space<vmem>> -> memref<400x64xf32, #tpu.memory_space<vmem>>
    %dma_wait3A_733 = arith.constant 300 : i32
    %dma_wait3A_734 = arith.constant 0 : i32
    %dma_wait3A_735 = tpu.memref_slice %dma_wait3A_732[%dma_wait3A_733, %dma_wait3A_734] : memref<400x64xf32, #tpu.memory_space<vmem>> -> memref<50x64xf32, #tpu.memory_space<vmem>>
    %dma_wait3A_736 = arith.constant 0 : i32
    %dma_wait3A_737 = arith.constant 0 : i32
    %dma_wait3A_738 = tpu.memref_slice %arg7[%add3A_726, %dma_wait3A_736, %dma_wait3A_737] : memref<4096x56x128xf32, #tpu.memory_space<hbm>> -> memref<1x50x64xf32, #tpu.memory_space<hbm>>
    %dma_wait3A_739 = tpu.memref_squeeze %dma_wait3A_738 : memref<1x50x64xf32, #tpu.memory_space<hbm>> -> memref<50x64xf32, #tpu.memory_space<hbm>>
    %dma_wait3A_740 = tpu.memref_slice %arg13[%dma_wait3A_728] : memref<2x!tpu.dma_semaphore, #tpu.memory_space<semaphore_mem>> -> memref<1x!tpu.dma_semaphore, #tpu.memory_space<semaphore_mem>>
    %dma_wait3A_741 = tpu.memref_squeeze %dma_wait3A_740 : memref<1x!tpu.dma_semaphore, #tpu.memory_space<semaphore_mem>> -> memref<!tpu.dma_semaphore, #tpu.memory_space<semaphore_mem>>
    %dma_wait3A_742 = arith.constant 0 : i32
    %dma_wait3A_743 = arith.constant 0 : i32
    %dma_wait3A_744 = tpu.memref_slice %arg7[%add3A_726, %dma_wait3A_742, %dma_wait3A_743] : memref<4096x56x128xf32, #tpu.memory_space<hbm>> -> memref<1x50x64xf32, #tpu.memory_space<hbm>>
    %dma_wait3A_745 = tpu.memref_squeeze %dma_wait3A_744 : memref<1x50x64xf32, #tpu.memory_space<hbm>> -> memref<50x64xf32, #tpu.memory_space<hbm>>
    %dma_wait3A_746 = arith.constant 0 : i32
    %dma_wait3A_747 = arith.constant 0 : i32
    %dma_wait3A_748 = tpu.memref_slice %arg11[%dma_wait3A_727, %dma_wait3A_746, %dma_wait3A_747] : memref<2x400x64xf32, #tpu.memory_space<vmem>> -> memref<1x400x64xf32, #tpu.memory_space<vmem>>
    %dma_wait3A_749 = tpu.memref_squeeze %dma_wait3A_748 : memref<1x400x64xf32, #tpu.memory_space<vmem>> -> memref<400x64xf32, #tpu.memory_space<vmem>>
    %dma_wait3A_750 = arith.constant 300 : i32
    %dma_wait3A_751 = arith.constant 0 : i32
    %dma_wait3A_752 = tpu.memref_slice %dma_wait3A_749[%dma_wait3A_750, %dma_wait3A_751] : memref<400x64xf32, #tpu.memory_space<vmem>> -> memref<50x64xf32, #tpu.memory_space<vmem>>
    tpu.wait_dma2 semaphore(%dma_wait3A_741 : memref<!tpu.dma_semaphore, #tpu.memory_space<semaphore_mem>>) src(%dma_wait3A_752 : memref<50x64xf32, #tpu.memory_space<vmem>>) dst(%dma_wait3A_745 : memref<50x64xf32, #tpu.memory_space<hbm>>)
    %add3A_753 = arith.constant 112 : i32
    %add3A_754 = arith.addi %mul3A_2, %add3A_753 : i32
    %add3A_755 = arith.constant 7 : i32
    %add3A_756 = arith.addi %add3A_754, %add3A_755 : i32
    %dma_wait3A_757 = arith.constant 0 : i32
    %dma_wait3A_758 = arith.constant 0 : i32
    %dma_wait3A_759 = arith.constant 0 : i32
    %dma_wait3A_760 = arith.constant 0 : i32
    %dma_wait3A_761 = tpu.memref_slice %arg11[%dma_wait3A_757, %dma_wait3A_759, %dma_wait3A_760] : memref<2x400x64xf32, #tpu.memory_space<vmem>> -> memref<1x400x64xf32, #tpu.memory_space<vmem>>
    %dma_wait3A_762 = tpu.memref_squeeze %dma_wait3A_761 : memref<1x400x64xf32, #tpu.memory_space<vmem>> -> memref<400x64xf32, #tpu.memory_space<vmem>>
    %dma_wait3A_763 = arith.constant 350 : i32
    %dma_wait3A_764 = arith.constant 0 : i32
    %dma_wait3A_765 = tpu.memref_slice %dma_wait3A_762[%dma_wait3A_763, %dma_wait3A_764] : memref<400x64xf32, #tpu.memory_space<vmem>> -> memref<50x64xf32, #tpu.memory_space<vmem>>
    %dma_wait3A_766 = arith.constant 0 : i32
    %dma_wait3A_767 = arith.constant 0 : i32
    %dma_wait3A_768 = tpu.memref_slice %arg7[%add3A_756, %dma_wait3A_766, %dma_wait3A_767] : memref<4096x56x128xf32, #tpu.memory_space<hbm>> -> memref<1x50x64xf32, #tpu.memory_space<hbm>>
    %dma_wait3A_769 = tpu.memref_squeeze %dma_wait3A_768 : memref<1x50x64xf32, #tpu.memory_space<hbm>> -> memref<50x64xf32, #tpu.memory_space<hbm>>
    %dma_wait3A_770 = tpu.memref_slice %arg13[%dma_wait3A_758] : memref<2x!tpu.dma_semaphore, #tpu.memory_space<semaphore_mem>> -> memref<1x!tpu.dma_semaphore, #tpu.memory_space<semaphore_mem>>
    %dma_wait3A_771 = tpu.memref_squeeze %dma_wait3A_770 : memref<1x!tpu.dma_semaphore, #tpu.memory_space<semaphore_mem>> -> memref<!tpu.dma_semaphore, #tpu.memory_space<semaphore_mem>>
    %dma_wait3A_772 = arith.constant 0 : i32
    %dma_wait3A_773 = arith.constant 0 : i32
    %dma_wait3A_774 = tpu.memref_slice %arg7[%add3A_756, %dma_wait3A_772, %dma_wait3A_773] : memref<4096x56x128xf32, #tpu.memory_space<hbm>> -> memref<1x50x64xf32, #tpu.memory_space<hbm>>
    %dma_wait3A_775 = tpu.memref_squeeze %dma_wait3A_774 : memref<1x50x64xf32, #tpu.memory_space<hbm>> -> memref<50x64xf32, #tpu.memory_space<hbm>>
    %dma_wait3A_776 = arith.constant 0 : i32
    %dma_wait3A_777 = arith.constant 0 : i32
    %dma_wait3A_778 = tpu.memref_slice %arg11[%dma_wait3A_757, %dma_wait3A_776, %dma_wait3A_777] : memref<2x400x64xf32, #tpu.memory_space<vmem>> -> memref<1x400x64xf32, #tpu.memory_space<vmem>>
    %dma_wait3A_779 = tpu.memref_squeeze %dma_wait3A_778 : memref<1x400x64xf32, #tpu.memory_space<vmem>> -> memref<400x64xf32, #tpu.memory_space<vmem>>
    %dma_wait3A_780 = arith.constant 350 : i32
    %dma_wait3A_781 = arith.constant 0 : i32
    %dma_wait3A_782 = tpu.memref_slice %dma_wait3A_779[%dma_wait3A_780, %dma_wait3A_781] : memref<400x64xf32, #tpu.memory_space<vmem>> -> memref<50x64xf32, #tpu.memory_space<vmem>>
    tpu.wait_dma2 semaphore(%dma_wait3A_771 : memref<!tpu.dma_semaphore, #tpu.memory_space<semaphore_mem>>) src(%dma_wait3A_782 : memref<50x64xf32, #tpu.memory_space<vmem>>) dst(%dma_wait3A_775 : memref<50x64xf32, #tpu.memory_space<hbm>>)
    %add3A_783 = arith.constant 120 : i32
    %add3A_784 = arith.addi %mul3A_2, %add3A_783 : i32
    %add3A_785 = arith.constant 0 : i32
    %add3A_786 = arith.addi %add3A_784, %add3A_785 : i32
    %dma_wait3A_787 = arith.constant 1 : i32
    %dma_wait3A_788 = arith.constant 1 : i32
    %dma_wait3A_789 = arith.constant 0 : i32
    %dma_wait3A_790 = arith.constant 0 : i32
    %dma_wait3A_791 = tpu.memref_slice %arg11[%dma_wait3A_787, %dma_wait3A_789, %dma_wait3A_790] : memref<2x400x64xf32, #tpu.memory_space<vmem>> -> memref<1x400x64xf32, #tpu.memory_space<vmem>>
    %dma_wait3A_792 = tpu.memref_squeeze %dma_wait3A_791 : memref<1x400x64xf32, #tpu.memory_space<vmem>> -> memref<400x64xf32, #tpu.memory_space<vmem>>
    %dma_wait3A_793 = arith.constant 0 : i32
    %dma_wait3A_794 = arith.constant 0 : i32
    %dma_wait3A_795 = tpu.memref_slice %dma_wait3A_792[%dma_wait3A_793, %dma_wait3A_794] : memref<400x64xf32, #tpu.memory_space<vmem>> -> memref<50x64xf32, #tpu.memory_space<vmem>>
    %dma_wait3A_796 = arith.constant 0 : i32
    %dma_wait3A_797 = arith.constant 0 : i32
    %dma_wait3A_798 = tpu.memref_slice %arg7[%add3A_786, %dma_wait3A_796, %dma_wait3A_797] : memref<4096x56x128xf32, #tpu.memory_space<hbm>> -> memref<1x50x64xf32, #tpu.memory_space<hbm>>
    %dma_wait3A_799 = tpu.memref_squeeze %dma_wait3A_798 : memref<1x50x64xf32, #tpu.memory_space<hbm>> -> memref<50x64xf32, #tpu.memory_space<hbm>>
    %dma_wait3A_800 = tpu.memref_slice %arg13[%dma_wait3A_788] : memref<2x!tpu.dma_semaphore, #tpu.memory_space<semaphore_mem>> -> memref<1x!tpu.dma_semaphore, #tpu.memory_space<semaphore_mem>>
    %dma_wait3A_801 = tpu.memref_squeeze %dma_wait3A_800 : memref<1x!tpu.dma_semaphore, #tpu.memory_space<semaphore_mem>> -> memref<!tpu.dma_semaphore, #tpu.memory_space<semaphore_mem>>
    %dma_wait3A_802 = arith.constant 0 : i32
    %dma_wait3A_803 = arith.constant 0 : i32
    %dma_wait3A_804 = tpu.memref_slice %arg7[%add3A_786, %dma_wait3A_802, %dma_wait3A_803] : memref<4096x56x128xf32, #tpu.memory_space<hbm>> -> memref<1x50x64xf32, #tpu.memory_space<hbm>>
    %dma_wait3A_805 = tpu.memref_squeeze %dma_wait3A_804 : memref<1x50x64xf32, #tpu.memory_space<hbm>> -> memref<50x64xf32, #tpu.memory_space<hbm>>
    %dma_wait3A_806 = arith.constant 0 : i32
    %dma_wait3A_807 = arith.constant 0 : i32
    %dma_wait3A_808 = tpu.memref_slice %arg11[%dma_wait3A_787, %dma_wait3A_806, %dma_wait3A_807] : memref<2x400x64xf32, #tpu.memory_space<vmem>> -> memref<1x400x64xf32, #tpu.memory_space<vmem>>
    %dma_wait3A_809 = tpu.memref_squeeze %dma_wait3A_808 : memref<1x400x64xf32, #tpu.memory_space<vmem>> -> memref<400x64xf32, #tpu.memory_space<vmem>>
    %dma_wait3A_810 = arith.constant 0 : i32
    %dma_wait3A_811 = arith.constant 0 : i32
    %dma_wait3A_812 = tpu.memref_slice %dma_wait3A_809[%dma_wait3A_810, %dma_wait3A_811] : memref<400x64xf32, #tpu.memory_space<vmem>> -> memref<50x64xf32, #tpu.memory_space<vmem>>
    tpu.wait_dma2 semaphore(%dma_wait3A_801 : memref<!tpu.dma_semaphore, #tpu.memory_space<semaphore_mem>>) src(%dma_wait3A_812 : memref<50x64xf32, #tpu.memory_space<vmem>>) dst(%dma_wait3A_805 : memref<50x64xf32, #tpu.memory_space<hbm>>)
    %add3A_813 = arith.constant 120 : i32
    %add3A_814 = arith.addi %mul3A_2, %add3A_813 : i32
    %add3A_815 = arith.constant 1 : i32
    %add3A_816 = arith.addi %add3A_814, %add3A_815 : i32
    %dma_wait3A_817 = arith.constant 1 : i32
    %dma_wait3A_818 = arith.constant 1 : i32
    %dma_wait3A_819 = arith.constant 0 : i32
    %dma_wait3A_820 = arith.constant 0 : i32
    %dma_wait3A_821 = tpu.memref_slice %arg11[%dma_wait3A_817, %dma_wait3A_819, %dma_wait3A_820] : memref<2x400x64xf32, #tpu.memory_space<vmem>> -> memref<1x400x64xf32, #tpu.memory_space<vmem>>
    %dma_wait3A_822 = tpu.memref_squeeze %dma_wait3A_821 : memref<1x400x64xf32, #tpu.memory_space<vmem>> -> memref<400x64xf32, #tpu.memory_space<vmem>>
    %dma_wait3A_823 = arith.constant 50 : i32
    %dma_wait3A_824 = arith.constant 0 : i32
    %dma_wait3A_825 = tpu.memref_slice %dma_wait3A_822[%dma_wait3A_823, %dma_wait3A_824] : memref<400x64xf32, #tpu.memory_space<vmem>> -> memref<50x64xf32, #tpu.memory_space<vmem>>
    %dma_wait3A_826 = arith.constant 0 : i32
    %dma_wait3A_827 = arith.constant 0 : i32
    %dma_wait3A_828 = tpu.memref_slice %arg7[%add3A_816, %dma_wait3A_826, %dma_wait3A_827] : memref<4096x56x128xf32, #tpu.memory_space<hbm>> -> memref<1x50x64xf32, #tpu.memory_space<hbm>>
    %dma_wait3A_829 = tpu.memref_squeeze %dma_wait3A_828 : memref<1x50x64xf32, #tpu.memory_space<hbm>> -> memref<50x64xf32, #tpu.memory_space<hbm>>
    %dma_wait3A_830 = tpu.memref_slice %arg13[%dma_wait3A_818] : memref<2x!tpu.dma_semaphore, #tpu.memory_space<semaphore_mem>> -> memref<1x!tpu.dma_semaphore, #tpu.memory_space<semaphore_mem>>
    %dma_wait3A_831 = tpu.memref_squeeze %dma_wait3A_830 : memref<1x!tpu.dma_semaphore, #tpu.memory_space<semaphore_mem>> -> memref<!tpu.dma_semaphore, #tpu.memory_space<semaphore_mem>>
    %dma_wait3A_832 = arith.constant 0 : i32
    %dma_wait3A_833 = arith.constant 0 : i32
    %dma_wait3A_834 = tpu.memref_slice %arg7[%add3A_816, %dma_wait3A_832, %dma_wait3A_833] : memref<4096x56x128xf32, #tpu.memory_space<hbm>> -> memref<1x50x64xf32, #tpu.memory_space<hbm>>
    %dma_wait3A_835 = tpu.memref_squeeze %dma_wait3A_834 : memref<1x50x64xf32, #tpu.memory_space<hbm>> -> memref<50x64xf32, #tpu.memory_space<hbm>>
    %dma_wait3A_836 = arith.constant 0 : i32
    %dma_wait3A_837 = arith.constant 0 : i32
    %dma_wait3A_838 = tpu.memref_slice %arg11[%dma_wait3A_817, %dma_wait3A_836, %dma_wait3A_837] : memref<2x400x64xf32, #tpu.memory_space<vmem>> -> memref<1x400x64xf32, #tpu.memory_space<vmem>>
    %dma_wait3A_839 = tpu.memref_squeeze %dma_wait3A_838 : memref<1x400x64xf32, #tpu.memory_space<vmem>> -> memref<400x64xf32, #tpu.memory_space<vmem>>
    %dma_wait3A_840 = arith.constant 50 : i32
    %dma_wait3A_841 = arith.constant 0 : i32
    %dma_wait3A_842 = tpu.memref_slice %dma_wait3A_839[%dma_wait3A_840, %dma_wait3A_841] : memref<400x64xf32, #tpu.memory_space<vmem>> -> memref<50x64xf32, #tpu.memory_space<vmem>>
    tpu.wait_dma2 semaphore(%dma_wait3A_831 : memref<!tpu.dma_semaphore, #tpu.memory_space<semaphore_mem>>) src(%dma_wait3A_842 : memref<50x64xf32, #tpu.memory_space<vmem>>) dst(%dma_wait3A_835 : memref<50x64xf32, #tpu.memory_space<hbm>>)
    %add3A_843 = arith.constant 120 : i32
    %add3A_844 = arith.addi %mul3A_2, %add3A_843 : i32
    %add3A_845 = arith.constant 2 : i32
    %add3A_846 = arith.addi %add3A_844, %add3A_845 : i32
    %dma_wait3A_847 = arith.constant 1 : i32
    %dma_wait3A_848 = arith.constant 1 : i32
    %dma_wait3A_849 = arith.constant 0 : i32
    %dma_wait3A_850 = arith.constant 0 : i32
    %dma_wait3A_851 = tpu.memref_slice %arg11[%dma_wait3A_847, %dma_wait3A_849, %dma_wait3A_850] : memref<2x400x64xf32, #tpu.memory_space<vmem>> -> memref<1x400x64xf32, #tpu.memory_space<vmem>>
    %dma_wait3A_852 = tpu.memref_squeeze %dma_wait3A_851 : memref<1x400x64xf32, #tpu.memory_space<vmem>> -> memref<400x64xf32, #tpu.memory_space<vmem>>
    %dma_wait3A_853 = arith.constant 100 : i32
    %dma_wait3A_854 = arith.constant 0 : i32
    %dma_wait3A_855 = tpu.memref_slice %dma_wait3A_852[%dma_wait3A_853, %dma_wait3A_854] : memref<400x64xf32, #tpu.memory_space<vmem>> -> memref<50x64xf32, #tpu.memory_space<vmem>>
    %dma_wait3A_856 = arith.constant 0 : i32
    %dma_wait3A_857 = arith.constant 0 : i32
    %dma_wait3A_858 = tpu.memref_slice %arg7[%add3A_846, %dma_wait3A_856, %dma_wait3A_857] : memref<4096x56x128xf32, #tpu.memory_space<hbm>> -> memref<1x50x64xf32, #tpu.memory_space<hbm>>
    %dma_wait3A_859 = tpu.memref_squeeze %dma_wait3A_858 : memref<1x50x64xf32, #tpu.memory_space<hbm>> -> memref<50x64xf32, #tpu.memory_space<hbm>>
    %dma_wait3A_860 = tpu.memref_slice %arg13[%dma_wait3A_848] : memref<2x!tpu.dma_semaphore, #tpu.memory_space<semaphore_mem>> -> memref<1x!tpu.dma_semaphore, #tpu.memory_space<semaphore_mem>>
    %dma_wait3A_861 = tpu.memref_squeeze %dma_wait3A_860 : memref<1x!tpu.dma_semaphore, #tpu.memory_space<semaphore_mem>> -> memref<!tpu.dma_semaphore, #tpu.memory_space<semaphore_mem>>
    %dma_wait3A_862 = arith.constant 0 : i32
    %dma_wait3A_863 = arith.constant 0 : i32
    %dma_wait3A_864 = tpu.memref_slice %arg7[%add3A_846, %dma_wait3A_862, %dma_wait3A_863] : memref<4096x56x128xf32, #tpu.memory_space<hbm>> -> memref<1x50x64xf32, #tpu.memory_space<hbm>>
    %dma_wait3A_865 = tpu.memref_squeeze %dma_wait3A_864 : memref<1x50x64xf32, #tpu.memory_space<hbm>> -> memref<50x64xf32, #tpu.memory_space<hbm>>
    %dma_wait3A_866 = arith.constant 0 : i32
    %dma_wait3A_867 = arith.constant 0 : i32
    %dma_wait3A_868 = tpu.memref_slice %arg11[%dma_wait3A_847, %dma_wait3A_866, %dma_wait3A_867] : memref<2x400x64xf32, #tpu.memory_space<vmem>> -> memref<1x400x64xf32, #tpu.memory_space<vmem>>
    %dma_wait3A_869 = tpu.memref_squeeze %dma_wait3A_868 : memref<1x400x64xf32, #tpu.memory_space<vmem>> -> memref<400x64xf32, #tpu.memory_space<vmem>>
    %dma_wait3A_870 = arith.constant 100 : i32
    %dma_wait3A_871 = arith.constant 0 : i32
    %dma_wait3A_872 = tpu.memref_slice %dma_wait3A_869[%dma_wait3A_870, %dma_wait3A_871] : memref<400x64xf32, #tpu.memory_space<vmem>> -> memref<50x64xf32, #tpu.memory_space<vmem>>
    tpu.wait_dma2 semaphore(%dma_wait3A_861 : memref<!tpu.dma_semaphore, #tpu.memory_space<semaphore_mem>>) src(%dma_wait3A_872 : memref<50x64xf32, #tpu.memory_space<vmem>>) dst(%dma_wait3A_865 : memref<50x64xf32, #tpu.memory_space<hbm>>)
    %add3A_873 = arith.constant 120 : i32
    %add3A_874 = arith.addi %mul3A_2, %add3A_873 : i32
    %add3A_875 = arith.constant 3 : i32
    %add3A_876 = arith.addi %add3A_874, %add3A_875 : i32
    %dma_wait3A_877 = arith.constant 1 : i32
    %dma_wait3A_878 = arith.constant 1 : i32
    %dma_wait3A_879 = arith.constant 0 : i32
    %dma_wait3A_880 = arith.constant 0 : i32
    %dma_wait3A_881 = tpu.memref_slice %arg11[%dma_wait3A_877, %dma_wait3A_879, %dma_wait3A_880] : memref<2x400x64xf32, #tpu.memory_space<vmem>> -> memref<1x400x64xf32, #tpu.memory_space<vmem>>
    %dma_wait3A_882 = tpu.memref_squeeze %dma_wait3A_881 : memref<1x400x64xf32, #tpu.memory_space<vmem>> -> memref<400x64xf32, #tpu.memory_space<vmem>>
    %dma_wait3A_883 = arith.constant 150 : i32
    %dma_wait3A_884 = arith.constant 0 : i32
    %dma_wait3A_885 = tpu.memref_slice %dma_wait3A_882[%dma_wait3A_883, %dma_wait3A_884] : memref<400x64xf32, #tpu.memory_space<vmem>> -> memref<50x64xf32, #tpu.memory_space<vmem>>
    %dma_wait3A_886 = arith.constant 0 : i32
    %dma_wait3A_887 = arith.constant 0 : i32
    %dma_wait3A_888 = tpu.memref_slice %arg7[%add3A_876, %dma_wait3A_886, %dma_wait3A_887] : memref<4096x56x128xf32, #tpu.memory_space<hbm>> -> memref<1x50x64xf32, #tpu.memory_space<hbm>>
    %dma_wait3A_889 = tpu.memref_squeeze %dma_wait3A_888 : memref<1x50x64xf32, #tpu.memory_space<hbm>> -> memref<50x64xf32, #tpu.memory_space<hbm>>
    %dma_wait3A_890 = tpu.memref_slice %arg13[%dma_wait3A_878] : memref<2x!tpu.dma_semaphore, #tpu.memory_space<semaphore_mem>> -> memref<1x!tpu.dma_semaphore, #tpu.memory_space<semaphore_mem>>
    %dma_wait3A_891 = tpu.memref_squeeze %dma_wait3A_890 : memref<1x!tpu.dma_semaphore, #tpu.memory_space<semaphore_mem>> -> memref<!tpu.dma_semaphore, #tpu.memory_space<semaphore_mem>>
    %dma_wait3A_892 = arith.constant 0 : i32
    %dma_wait3A_893 = arith.constant 0 : i32
    %dma_wait3A_894 = tpu.memref_slice %arg7[%add3A_876, %dma_wait3A_892, %dma_wait3A_893] : memref<4096x56x128xf32, #tpu.memory_space<hbm>> -> memref<1x50x64xf32, #tpu.memory_space<hbm>>
    %dma_wait3A_895 = tpu.memref_squeeze %dma_wait3A_894 : memref<1x50x64xf32, #tpu.memory_space<hbm>> -> memref<50x64xf32, #tpu.memory_space<hbm>>
    %dma_wait3A_896 = arith.constant 0 : i32
    %dma_wait3A_897 = arith.constant 0 : i32
    %dma_wait3A_898 = tpu.memref_slice %arg11[%dma_wait3A_877, %dma_wait3A_896, %dma_wait3A_897] : memref<2x400x64xf32, #tpu.memory_space<vmem>> -> memref<1x400x64xf32, #tpu.memory_space<vmem>>
    %dma_wait3A_899 = tpu.memref_squeeze %dma_wait3A_898 : memref<1x400x64xf32, #tpu.memory_space<vmem>> -> memref<400x64xf32, #tpu.memory_space<vmem>>
    %dma_wait3A_900 = arith.constant 150 : i32
    %dma_wait3A_901 = arith.constant 0 : i32
    %dma_wait3A_902 = tpu.memref_slice %dma_wait3A_899[%dma_wait3A_900, %dma_wait3A_901] : memref<400x64xf32, #tpu.memory_space<vmem>> -> memref<50x64xf32, #tpu.memory_space<vmem>>
    tpu.wait_dma2 semaphore(%dma_wait3A_891 : memref<!tpu.dma_semaphore, #tpu.memory_space<semaphore_mem>>) src(%dma_wait3A_902 : memref<50x64xf32, #tpu.memory_space<vmem>>) dst(%dma_wait3A_895 : memref<50x64xf32, #tpu.memory_space<hbm>>)
    %add3A_903 = arith.constant 120 : i32
    %add3A_904 = arith.addi %mul3A_2, %add3A_903 : i32
    %add3A_905 = arith.constant 4 : i32
    %add3A_906 = arith.addi %add3A_904, %add3A_905 : i32
    %dma_wait3A_907 = arith.constant 1 : i32
    %dma_wait3A_908 = arith.constant 1 : i32
    %dma_wait3A_909 = arith.constant 0 : i32
    %dma_wait3A_910 = arith.constant 0 : i32
    %dma_wait3A_911 = tpu.memref_slice %arg11[%dma_wait3A_907, %dma_wait3A_909, %dma_wait3A_910] : memref<2x400x64xf32, #tpu.memory_space<vmem>> -> memref<1x400x64xf32, #tpu.memory_space<vmem>>
    %dma_wait3A_912 = tpu.memref_squeeze %dma_wait3A_911 : memref<1x400x64xf32, #tpu.memory_space<vmem>> -> memref<400x64xf32, #tpu.memory_space<vmem>>
    %dma_wait3A_913 = arith.constant 200 : i32
    %dma_wait3A_914 = arith.constant 0 : i32
    %dma_wait3A_915 = tpu.memref_slice %dma_wait3A_912[%dma_wait3A_913, %dma_wait3A_914] : memref<400x64xf32, #tpu.memory_space<vmem>> -> memref<50x64xf32, #tpu.memory_space<vmem>>
    %dma_wait3A_916 = arith.constant 0 : i32
    %dma_wait3A_917 = arith.constant 0 : i32
    %dma_wait3A_918 = tpu.memref_slice %arg7[%add3A_906, %dma_wait3A_916, %dma_wait3A_917] : memref<4096x56x128xf32, #tpu.memory_space<hbm>> -> memref<1x50x64xf32, #tpu.memory_space<hbm>>
    %dma_wait3A_919 = tpu.memref_squeeze %dma_wait3A_918 : memref<1x50x64xf32, #tpu.memory_space<hbm>> -> memref<50x64xf32, #tpu.memory_space<hbm>>
    %dma_wait3A_920 = tpu.memref_slice %arg13[%dma_wait3A_908] : memref<2x!tpu.dma_semaphore, #tpu.memory_space<semaphore_mem>> -> memref<1x!tpu.dma_semaphore, #tpu.memory_space<semaphore_mem>>
    %dma_wait3A_921 = tpu.memref_squeeze %dma_wait3A_920 : memref<1x!tpu.dma_semaphore, #tpu.memory_space<semaphore_mem>> -> memref<!tpu.dma_semaphore, #tpu.memory_space<semaphore_mem>>
    %dma_wait3A_922 = arith.constant 0 : i32
    %dma_wait3A_923 = arith.constant 0 : i32
    %dma_wait3A_924 = tpu.memref_slice %arg7[%add3A_906, %dma_wait3A_922, %dma_wait3A_923] : memref<4096x56x128xf32, #tpu.memory_space<hbm>> -> memref<1x50x64xf32, #tpu.memory_space<hbm>>
    %dma_wait3A_925 = tpu.memref_squeeze %dma_wait3A_924 : memref<1x50x64xf32, #tpu.memory_space<hbm>> -> memref<50x64xf32, #tpu.memory_space<hbm>>
    %dma_wait3A_926 = arith.constant 0 : i32
    %dma_wait3A_927 = arith.constant 0 : i32
    %dma_wait3A_928 = tpu.memref_slice %arg11[%dma_wait3A_907, %dma_wait3A_926, %dma_wait3A_927] : memref<2x400x64xf32, #tpu.memory_space<vmem>> -> memref<1x400x64xf32, #tpu.memory_space<vmem>>
    %dma_wait3A_929 = tpu.memref_squeeze %dma_wait3A_928 : memref<1x400x64xf32, #tpu.memory_space<vmem>> -> memref<400x64xf32, #tpu.memory_space<vmem>>
    %dma_wait3A_930 = arith.constant 200 : i32
    %dma_wait3A_931 = arith.constant 0 : i32
    %dma_wait3A_932 = tpu.memref_slice %dma_wait3A_929[%dma_wait3A_930, %dma_wait3A_931] : memref<400x64xf32, #tpu.memory_space<vmem>> -> memref<50x64xf32, #tpu.memory_space<vmem>>
    tpu.wait_dma2 semaphore(%dma_wait3A_921 : memref<!tpu.dma_semaphore, #tpu.memory_space<semaphore_mem>>) src(%dma_wait3A_932 : memref<50x64xf32, #tpu.memory_space<vmem>>) dst(%dma_wait3A_925 : memref<50x64xf32, #tpu.memory_space<hbm>>)
    %add3A_933 = arith.constant 120 : i32
    %add3A_934 = arith.addi %mul3A_2, %add3A_933 : i32
    %add3A_935 = arith.constant 5 : i32
    %add3A_936 = arith.addi %add3A_934, %add3A_935 : i32
    %dma_wait3A_937 = arith.constant 1 : i32
    %dma_wait3A_938 = arith.constant 1 : i32
    %dma_wait3A_939 = arith.constant 0 : i32
    %dma_wait3A_940 = arith.constant 0 : i32
    %dma_wait3A_941 = tpu.memref_slice %arg11[%dma_wait3A_937, %dma_wait3A_939, %dma_wait3A_940] : memref<2x400x64xf32, #tpu.memory_space<vmem>> -> memref<1x400x64xf32, #tpu.memory_space<vmem>>
    %dma_wait3A_942 = tpu.memref_squeeze %dma_wait3A_941 : memref<1x400x64xf32, #tpu.memory_space<vmem>> -> memref<400x64xf32, #tpu.memory_space<vmem>>
    %dma_wait3A_943 = arith.constant 250 : i32
    %dma_wait3A_944 = arith.constant 0 : i32
    %dma_wait3A_945 = tpu.memref_slice %dma_wait3A_942[%dma_wait3A_943, %dma_wait3A_944] : memref<400x64xf32, #tpu.memory_space<vmem>> -> memref<50x64xf32, #tpu.memory_space<vmem>>
    %dma_wait3A_946 = arith.constant 0 : i32
    %dma_wait3A_947 = arith.constant 0 : i32
    %dma_wait3A_948 = tpu.memref_slice %arg7[%add3A_936, %dma_wait3A_946, %dma_wait3A_947] : memref<4096x56x128xf32, #tpu.memory_space<hbm>> -> memref<1x50x64xf32, #tpu.memory_space<hbm>>
    %dma_wait3A_949 = tpu.memref_squeeze %dma_wait3A_948 : memref<1x50x64xf32, #tpu.memory_space<hbm>> -> memref<50x64xf32, #tpu.memory_space<hbm>>
    %dma_wait3A_950 = tpu.memref_slice %arg13[%dma_wait3A_938] : memref<2x!tpu.dma_semaphore, #tpu.memory_space<semaphore_mem>> -> memref<1x!tpu.dma_semaphore, #tpu.memory_space<semaphore_mem>>
    %dma_wait3A_951 = tpu.memref_squeeze %dma_wait3A_950 : memref<1x!tpu.dma_semaphore, #tpu.memory_space<semaphore_mem>> -> memref<!tpu.dma_semaphore, #tpu.memory_space<semaphore_mem>>
    %dma_wait3A_952 = arith.constant 0 : i32
    %dma_wait3A_953 = arith.constant 0 : i32
    %dma_wait3A_954 = tpu.memref_slice %arg7[%add3A_936, %dma_wait3A_952, %dma_wait3A_953] : memref<4096x56x128xf32, #tpu.memory_space<hbm>> -> memref<1x50x64xf32, #tpu.memory_space<hbm>>
    %dma_wait3A_955 = tpu.memref_squeeze %dma_wait3A_954 : memref<1x50x64xf32, #tpu.memory_space<hbm>> -> memref<50x64xf32, #tpu.memory_space<hbm>>
    %dma_wait3A_956 = arith.constant 0 : i32
    %dma_wait3A_957 = arith.constant 0 : i32
    %dma_wait3A_958 = tpu.memref_slice %arg11[%dma_wait3A_937, %dma_wait3A_956, %dma_wait3A_957] : memref<2x400x64xf32, #tpu.memory_space<vmem>> -> memref<1x400x64xf32, #tpu.memory_space<vmem>>
    %dma_wait3A_959 = tpu.memref_squeeze %dma_wait3A_958 : memref<1x400x64xf32, #tpu.memory_space<vmem>> -> memref<400x64xf32, #tpu.memory_space<vmem>>
    %dma_wait3A_960 = arith.constant 250 : i32
    %dma_wait3A_961 = arith.constant 0 : i32
    %dma_wait3A_962 = tpu.memref_slice %dma_wait3A_959[%dma_wait3A_960, %dma_wait3A_961] : memref<400x64xf32, #tpu.memory_space<vmem>> -> memref<50x64xf32, #tpu.memory_space<vmem>>
    tpu.wait_dma2 semaphore(%dma_wait3A_951 : memref<!tpu.dma_semaphore, #tpu.memory_space<semaphore_mem>>) src(%dma_wait3A_962 : memref<50x64xf32, #tpu.memory_space<vmem>>) dst(%dma_wait3A_955 : memref<50x64xf32, #tpu.memory_space<hbm>>)
    %add3A_963 = arith.constant 120 : i32
    %add3A_964 = arith.addi %mul3A_2, %add3A_963 : i32
    %add3A_965 = arith.constant 6 : i32
    %add3A_966 = arith.addi %add3A_964, %add3A_965 : i32
    %dma_wait3A_967 = arith.constant 1 : i32
    %dma_wait3A_968 = arith.constant 1 : i32
    %dma_wait3A_969 = arith.constant 0 : i32
    %dma_wait3A_970 = arith.constant 0 : i32
    %dma_wait3A_971 = tpu.memref_slice %arg11[%dma_wait3A_967, %dma_wait3A_969, %dma_wait3A_970] : memref<2x400x64xf32, #tpu.memory_space<vmem>> -> memref<1x400x64xf32, #tpu.memory_space<vmem>>
    %dma_wait3A_972 = tpu.memref_squeeze %dma_wait3A_971 : memref<1x400x64xf32, #tpu.memory_space<vmem>> -> memref<400x64xf32, #tpu.memory_space<vmem>>
    %dma_wait3A_973 = arith.constant 300 : i32
    %dma_wait3A_974 = arith.constant 0 : i32
    %dma_wait3A_975 = tpu.memref_slice %dma_wait3A_972[%dma_wait3A_973, %dma_wait3A_974] : memref<400x64xf32, #tpu.memory_space<vmem>> -> memref<50x64xf32, #tpu.memory_space<vmem>>
    %dma_wait3A_976 = arith.constant 0 : i32
    %dma_wait3A_977 = arith.constant 0 : i32
    %dma_wait3A_978 = tpu.memref_slice %arg7[%add3A_966, %dma_wait3A_976, %dma_wait3A_977] : memref<4096x56x128xf32, #tpu.memory_space<hbm>> -> memref<1x50x64xf32, #tpu.memory_space<hbm>>
    %dma_wait3A_979 = tpu.memref_squeeze %dma_wait3A_978 : memref<1x50x64xf32, #tpu.memory_space<hbm>> -> memref<50x64xf32, #tpu.memory_space<hbm>>
    %dma_wait3A_980 = tpu.memref_slice %arg13[%dma_wait3A_968] : memref<2x!tpu.dma_semaphore, #tpu.memory_space<semaphore_mem>> -> memref<1x!tpu.dma_semaphore, #tpu.memory_space<semaphore_mem>>
    %dma_wait3A_981 = tpu.memref_squeeze %dma_wait3A_980 : memref<1x!tpu.dma_semaphore, #tpu.memory_space<semaphore_mem>> -> memref<!tpu.dma_semaphore, #tpu.memory_space<semaphore_mem>>
    %dma_wait3A_982 = arith.constant 0 : i32
    %dma_wait3A_983 = arith.constant 0 : i32
    %dma_wait3A_984 = tpu.memref_slice %arg7[%add3A_966, %dma_wait3A_982, %dma_wait3A_983] : memref<4096x56x128xf32, #tpu.memory_space<hbm>> -> memref<1x50x64xf32, #tpu.memory_space<hbm>>
    %dma_wait3A_985 = tpu.memref_squeeze %dma_wait3A_984 : memref<1x50x64xf32, #tpu.memory_space<hbm>> -> memref<50x64xf32, #tpu.memory_space<hbm>>
    %dma_wait3A_986 = arith.constant 0 : i32
    %dma_wait3A_987 = arith.constant 0 : i32
    %dma_wait3A_988 = tpu.memref_slice %arg11[%dma_wait3A_967, %dma_wait3A_986, %dma_wait3A_987] : memref<2x400x64xf32, #tpu.memory_space<vmem>> -> memref<1x400x64xf32, #tpu.memory_space<vmem>>
    %dma_wait3A_989 = tpu.memref_squeeze %dma_wait3A_988 : memref<1x400x64xf32, #tpu.memory_space<vmem>> -> memref<400x64xf32, #tpu.memory_space<vmem>>
    %dma_wait3A_990 = arith.constant 300 : i32
    %dma_wait3A_991 = arith.constant 0 : i32
    %dma_wait3A_992 = tpu.memref_slice %dma_wait3A_989[%dma_wait3A_990, %dma_wait3A_991] : memref<400x64xf32, #tpu.memory_space<vmem>> -> memref<50x64xf32, #tpu.memory_space<vmem>>
    tpu.wait_dma2 semaphore(%dma_wait3A_981 : memref<!tpu.dma_semaphore, #tpu.memory_space<semaphore_mem>>) src(%dma_wait3A_992 : memref<50x64xf32, #tpu.memory_space<vmem>>) dst(%dma_wait3A_985 : memref<50x64xf32, #tpu.memory_space<hbm>>)
    %add3A_993 = arith.constant 120 : i32
    %add3A_994 = arith.addi %mul3A_2, %add3A_993 : i32
    %add3A_995 = arith.constant 7 : i32
    %add3A_996 = arith.addi %add3A_994, %add3A_995 : i32
    %dma_wait3A_997 = arith.constant 1 : i32
    %dma_wait3A_998 = arith.constant 1 : i32
    %dma_wait3A_999 = arith.constant 0 : i32
    %dma_wait3A_1000 = arith.constant 0 : i32
    %dma_wait3A_1001 = tpu.memref_slice %arg11[%dma_wait3A_997, %dma_wait3A_999, %dma_wait3A_1000] : memref<2x400x64xf32, #tpu.memory_space<vmem>> -> memref<1x400x64xf32, #tpu.memory_space<vmem>>
    %dma_wait3A_1002 = tpu.memref_squeeze %dma_wait3A_1001 : memref<1x400x64xf32, #tpu.memory_space<vmem>> -> memref<400x64xf32, #tpu.memory_space<vmem>>
    %dma_wait3A_1003 = arith.constant 350 : i32
    %dma_wait3A_1004 = arith.constant 0 : i32
    %dma_wait3A_1005 = tpu.memref_slice %dma_wait3A_1002[%dma_wait3A_1003, %dma_wait3A_1004] : memref<400x64xf32, #tpu.memory_space<vmem>> -> memref<50x64xf32, #tpu.memory_space<vmem>>
    %dma_wait3A_1006 = arith.constant 0 : i32
    %dma_wait3A_1007 = arith.constant 0 : i32
    %dma_wait3A_1008 = tpu.memref_slice %arg7[%add3A_996, %dma_wait3A_1006, %dma_wait3A_1007] : memref<4096x56x128xf32, #tpu.memory_space<hbm>> -> memref<1x50x64xf32, #tpu.memory_space<hbm>>
    %dma_wait3A_1009 = tpu.memref_squeeze %dma_wait3A_1008 : memref<1x50x64xf32, #tpu.memory_space<hbm>> -> memref<50x64xf32, #tpu.memory_space<hbm>>
    %dma_wait3A_1010 = tpu.memref_slice %arg13[%dma_wait3A_998] : memref<2x!tpu.dma_semaphore, #tpu.memory_space<semaphore_mem>> -> memref<1x!tpu.dma_semaphore, #tpu.memory_space<semaphore_mem>>
    %dma_wait3A_1011 = tpu.memref_squeeze %dma_wait3A_1010 : memref<1x!tpu.dma_semaphore, #tpu.memory_space<semaphore_mem>> -> memref<!tpu.dma_semaphore, #tpu.memory_space<semaphore_mem>>
    %dma_wait3A_1012 = arith.constant 0 : i32
    %dma_wait3A_1013 = arith.constant 0 : i32
    %dma_wait3A_1014 = tpu.memref_slice %arg7[%add3A_996, %dma_wait3A_1012, %dma_wait3A_1013] : memref<4096x56x128xf32, #tpu.memory_space<hbm>> -> memref<1x50x64xf32, #tpu.memory_space<hbm>>
    %dma_wait3A_1015 = tpu.memref_squeeze %dma_wait3A_1014 : memref<1x50x64xf32, #tpu.memory_space<hbm>> -> memref<50x64xf32, #tpu.memory_space<hbm>>
    %dma_wait3A_1016 = arith.constant 0 : i32
    %dma_wait3A_1017 = arith.constant 0 : i32
    %dma_wait3A_1018 = tpu.memref_slice %arg11[%dma_wait3A_997, %dma_wait3A_1016, %dma_wait3A_1017] : memref<2x400x64xf32, #tpu.memory_space<vmem>> -> memref<1x400x64xf32, #tpu.memory_space<vmem>>
    %dma_wait3A_1019 = tpu.memref_squeeze %dma_wait3A_1018 : memref<1x400x64xf32, #tpu.memory_space<vmem>> -> memref<400x64xf32, #tpu.memory_space<vmem>>
    %dma_wait3A_1020 = arith.constant 350 : i32
    %dma_wait3A_1021 = arith.constant 0 : i32
    %dma_wait3A_1022 = tpu.memref_slice %dma_wait3A_1019[%dma_wait3A_1020, %dma_wait3A_1021] : memref<400x64xf32, #tpu.memory_space<vmem>> -> memref<50x64xf32, #tpu.memory_space<vmem>>
    tpu.wait_dma2 semaphore(%dma_wait3A_1011 : memref<!tpu.dma_semaphore, #tpu.memory_space<semaphore_mem>>) src(%dma_wait3A_1022 : memref<50x64xf32, #tpu.memory_space<vmem>>) dst(%dma_wait3A_1015 : memref<50x64xf32, #tpu.memory_space<hbm>>)
    return
  }
}

</mosaic_0001>

<sc_bundles>
// kernel: _encode.3.cloned.1.call-start
scs
__scs_entry_jumppad:
0x0: {  	(pc) =	sbr.rel $0x88, $3  }
0x1: {  	(tag) =	ssettag $0x0;
	lr =	simm.s32 $0x1  }
0x2: {  	[smem:$0x3F9D] =	sst lr;
	_ =	strace $0xD0000000  }
0x3: {  	_ = 	snop  }
0x4: {  	_ = 	snop  }
0x5: {  	_ = 	snop  }
0x6: {  	_ = 	snop  }
0x7: {  	_ = 	snop  }
__scs_overlays_trampoline_lowered:
0x8: {  	[smem:$0x3FAC] =	sst s0  }
0x9: {  	[smem:$0x3FAD] =	sst s1  }
0xa: {  	[smem:$0x3FAE] =	sst s2  }
0xb: {  	[smem:$0x3FAF] =	sst s3  }
0xc: {  	[smem:$0x3FB0] =	sst s4  }
0xd: {  	[smem:$0x3FB1] =	sst s5  }
0xe: {  	[smem:$0x3FB2] =	sst s6  }
0xf: {  	[smem:$0x3FB3] =	sst s7  }
0x10: {  	[smem:$0x3FB4] =	sst s8  }
0x11: {  	[smem:$0x3FB5] =	sst s9;
	s0 =	simm.s32 @!p0 $0x0  }
0x12: {  	s1 =	sld [smem:$0x3F9B];
	s0 =	simm.s32 @p0 $0x1  }
0x13: {  	[smem:$0x3FB6] =	sst s0;
	s0 =	simm.s32 @!p1 $0x0  }
0x14: {  	s2 =	sld [smem:$0x3F9A];
	s0 =	simm.s32 @p1 $0x1  }
0x15: {  	[smem:$0x3FB7] =	sst s0;
	s0 =	simm.s32 @!p2 $0x0  }
0x16: {  	s3 =	sld [smem:$0x3FDB];
	s0 =	simm.s32 @p2 $0x1  }
0x17: {  	s4 =	simm.s32 $0x1BF5;
	[smem:$0x3FB9] =	sst s0  }
0x18: {  	s0 =	sld [smem:$0x3F9C];
	_ =	swait.ge [sflag:s4], $0x0  }
0x19: {  	s7 =	sld [smem:$0x3F9D]  }
0x1a: {  	s8 =	sadd.s32 $0xFFFFE003, lr  }
0x1b: {  	s9 =	sadd.s32 $0xFFFFFEF7, lr;
	s5 =	simm.s32 $0xFFFFFFFF;
	p2 =	slt.u32 s8, $0xFFFFF086  }
0x1c: {  	p1 =	slt.u32 s9, $0xF7A;
	s5 =	simm.s32 @!p2 $0x0  }
0x1d: {  	s5 =	simm.s32 @p1 $0x1;
	p0 =	seq.s32 s7, s2  }
0x1e: {  	s7 =	smul.u32 @!p0 $0xF7A, s2;
	p2 =	seq.s32 @!p0 s5, $0x0  }
0x1f: {  	s9 =	smul.u32 $0xF7A, s1;
	s8 =	simm.s32 @!p0 $0x1BF5;
	p2 =	por !p2, p0  }
0x20: {  	[sflag:s8] =	ssyncset.s32 @!p0 $0xFFFFF086;
	s6 =	sadd.s32 @!p0 s3, s7;
	s7 =	simm.s32 @!p0 $0x108  }
0x21: {  	s3 =	sadd.s32 s3, s9;
	s6 =	sadd.s32 @!p0 $0x88, s6;
	s7 =	simm.s32 @p2 $0x1082  }
0x22: {  	[simem:s7], [sflag:s8] =	dma.local @!p0 [hbm:s6], $0xF7A  }
0x23: {  	s9 =	sor.u32 $0xD0000000, s2;
	s6 =	simm.s32 $0x108;
	_ =	swait.ge @!p0 [sflag:s8], $0x0  }
0x24: {  	s3 =	sadd.s32 $0x88, s3;
	s6 =	simm.s32 @!p1 $0x1082;
	[sflag:s4] =	ssyncset.s32 $0xFFFFF086  }
0x25: {  	[simem:s6], [sflag:s4] =	dma.local [hbm:s3], $0xF7A  }
0x26: {  	[smem:$0x3F9D] =	sst s1;
	(tag) =	ssettag s2;
	_ =	strace s9  }
0x27: {  	s1 =	sld [smem:$0x3FAD]  }
0x28: {  	s2 =	sld [smem:$0x3FAE]  }
0x29: {  	s4 =	sld [smem:$0x3FB0]  }
0x2a: {  	p0 =	seq.s32 s5, $0x0;
	s5 =	sld [smem:$0x3FB1]  }
0x2b: {  	s6 =	sld [smem:$0x3FB2]  }
0x2c: {  	s7 =	sld [smem:$0x3FB3]  }
0x2d: {  	s3 =	simm.s32 $0x108;
	s8 =	sld [smem:$0x3FB4]  }
0x2e: {  	s3 =	simm.s32 @!p0 $0x1082;
	s9 =	sld [smem:$0x3FB5]  }
0x2f: {  	lr =	sadd.s32 s0, s3;
	s0 =	sld [smem:$0x3FAC]  }
0x30: {  	s3 =	sld [smem:$0x3FAF]  }
0x31: {  	[smem:$0x3FB8] =	sst s10  }
0x32: {  	s10 =	sld [smem:$0x3FB6];
	_ =	sdelay $0x3  }
0x33: {  	p0 =	seq.s32 s10, $0x1;
	s10 =	sld [smem:$0x3FB8];
	_ =	sdelay $0x3  }
0x34: {  	[smem:$0x3FB8] =	sst s10  }
0x35: {  	s10 =	sld [smem:$0x3FB7];
	_ =	sdelay $0x3  }
0x36: {  	p1 =	seq.s32 s10, $0x1;
	s10 =	sld [smem:$0x3FB8];
	_ =	sdelay $0x3  }
0x37: {  	[smem:$0x3FB8] =	sst s10  }
0x38: {  	s10 =	sld [smem:$0x3FB9]  }
0x39: {  	_ = 	snop;
	(pc) =	sbr.ind lr, $3  }
0x3a: {  	_ = 	snop  }
0x3b: {  	_ = 	snop  }
0x3c: {  	p2 =	seq.s32 s10, $0x1;
	s10 =	sld [smem:$0x3FB8]  }
0x3d: {  	_ =	shalt  }
0x3e: {  	_ =	shalt  }
0x3f: {  	_ =	shalt  }
0x40: {  	_ =	shalt  }
0x41: {  	_ =	shalt  }
0x42: {  	_ =	shalt  }
0x43: {  	_ =	shalt  }
0x44: {  	_ =	shalt  }
0x45: {  	_ =	shalt  }
0x46: {  	_ =	shalt  }
0x47: {  	_ =	shalt  }
0x48: {  	_ =	shalt  }
0x49: {  	_ =	shalt  }
0x4a: {  	_ =	shalt  }
0x4b: {  	_ =	shalt  }
0x4c: {  	_ =	shalt  }
0x4d: {  	_ =	shalt  }
0x4e: {  	_ =	shalt  }
0x4f: {  	_ =	shalt  }
0x50: {  	_ =	shalt  }
0x51: {  	_ =	shalt  }
0x52: {  	_ =	shalt  }
0x53: {  	_ =	shalt  }
0x54: {  	_ =	shalt  }
0x55: {  	_ =	shalt  }
0x56: {  	_ =	shalt  }
0x57: {  	_ =	shalt  }
0x58: {  	_ =	shalt  }
0x59: {  	_ =	shalt  }
0x5a: {  	_ =	shalt  }
0x5b: {  	_ =	shalt  }
0x5c: {  	_ =	shalt  }
0x5d: {  	_ =	shalt  }
0x5e: {  	_ =	shalt  }
0x5f: {  	_ =	shalt  }
0x60: {  	_ =	shalt  }
0x61: {  	_ =	shalt  }
0x62: {  	_ =	shalt  }
0x63: {  	_ =	shalt  }
0x64: {  	_ =	shalt  }
0x65: {  	_ =	shalt  }
0x66: {  	_ =	shalt  }
0x67: {  	_ =	shalt  }
0x68: {  	_ =	shalt  }
0x69: {  	_ =	shalt  }
0x6a: {  	_ =	shalt  }
0x6b: {  	_ =	shalt  }
0x6c: {  	_ =	shalt  }
0x6d: {  	_ =	shalt  }
0x6e: {  	_ =	shalt  }
0x6f: {  	_ =	shalt  }
0x70: {  	_ =	shalt  }
0x71: {  	_ =	shalt  }
0x72: {  	_ =	shalt  }
0x73: {  	_ =	shalt  }
0x74: {  	_ =	shalt  }
0x75: {  	_ =	shalt  }
0x76: {  	_ =	shalt  }
0x77: {  	_ =	shalt  }
0x78: {  	_ =	shalt  }
0x79: {  	_ =	shalt  }
0x7a: {  	_ =	shalt  }
0x7b: {  	_ =	shalt  }
0x7c: {  	_ =	shalt  }
0x7d: {  	_ =	shalt  }
0x7e: {  	_ =	shalt  }
0x7f: {  	_ =	shalt  }
0x80: {  	_ =	shalt  }
0x81: {  	_ =	shalt  }
0x82: {  	_ =	shalt  }
0x83: {  	_ =	shalt  }
0x84: {  	_ =	shalt  }
0x85: {  	_ =	shalt  }
0x86: {  	_ =	shalt  }
0x87: {  	_ =	shalt  }
.Lfunc_end0:
.L_simem_size_0:
called_computation_lowered:
.L_overlay_start_0:
0x88: {  	s2 =	sld [smem:$0x3FD9]  }
0x89: {  	s3 =	sld [smem:$0x3FFE];
	_ =	sdelay $0x1  }
0x8a: {  	s1 =	srdreg.scid  }
0x8b: {  	s0 =	sand.u32 $0x1, s1  }
0x8c: {  	s14 =	sshll.u32 s0, $0xA;
	s2 =	sadd.s32 s3, s2  }
0x8d: {  	s2 =	sadd.s32 s2, s14  }
0x8e: {  	[smem:$0x3FC4] =	sst s2  }
0x8f: {  	_ = 	snop  }
0x90: {  	s2 =	sld [smem:$0x3FD0];
	_ =	sdelay $0x2  }
0x91: {  	s4 =	simm.s32 $0xA;
	s5 =	simm.s32 $0x10;
	s15 =	sld [smem:$0x3FC7]  }
0x92: {  	[smem:s5], [sflag:s4] =	dma.local [hbm:s2], $0x1  }
0x93: {  	_ =	swait.eq [sflag:s4], $0x1  }
0x94: {  	[sflag:s4] =	ssyncset.done $0x0  }
0x95: {  	s16 =	sld [smem:$0x10];
	[sflag:s4] =	ssyncadd.s32 $0xFFFFFFFF  }
0x96: {  	s17 =	sld [smem:$0x11];
	(tm) =	ssettm $0x1  }
0x97: {  	s18 =	sld [smem:$0x3FFB];
	_ =	sdelay $0x3  }
0x98: {  	_ =	strace s18  }
0x99: {  	s5 =	sld [smem:$0x3FFC];
	_ =	sdelay $0x3  }
0x9a: {  	_ =	strace s5  }
0x9b: {  	s5 =	sld [smem:$0x3FFD];
	_ =	sdelay $0x3  }
0x9c: {  	_ =	strace s5  }
0x9d: {  	_ =	strace $0x8FFFFFFF  }
0x9e: {  	s19 =	sld [smem:$0x3FDB];
	_ =	sdelay $0x1  }
0x9f: {  	s6 =	simm.s32 $_scs_section_size  }
0xa0: {  	s7 =	simm.s32 $_size__tile_overlayer_lowered;
	s8 =	simm.s32 $_tile_overlayer_lowered  }
0xa1: {  	s22 =	simm.s32 $0x1BFF;
	s21 =	sshll.u32 s8, $0x1;
	s5 =	sadd.s32 s6, s19  }
0xa2: {  	s9 =	simm.s32 $0x0;
	s20 =	sshll.u32 s7, $0x1;
	s7 =	sadd.s32 s21, s5  }
0xa3: {  	[timem:s9], [sflag:s22] =	dma.local [hbm:s7], s20  }
0xa4: {  	_ =	swait.ge [sflag:s22], s20  }
0xa5: {  	s6 =	ssub.s32 $0x0, s20;
	[sflag:s22] =	ssyncset.done $0x0  }
0xa6: {  	[sflag:s22] =	ssyncadd.s32 s6;
	_ =	sdelay $0x1  }
0xa7: {  	s23 =	simm.s32 $0x1B8B  }
0xa8: {  	_ =	swait.ge [sflag:s23], $0x1  }
0xa9: {  	[sflag:s23] =	ssyncset.done $0x0  }
0xaa: {  	s25 =	simm.s32 $0x1B8E;
	s24 =	sld [smem:$0x3FFE];
	[sflag:s23] =	ssyncadd.s32 $0xFFFFFFFF  }
0xab: {  	s26 =	simm.s32 $execute0_lowered;
	[smem:$0x3FD2] =	sst s25  }
0xac: {  	s7 =	sshll.u32 s26, $0x1;
	_ =	strace $0x80000046;
	[dreg:$0x1] =	wrdreg $0xFFFFFFFF  }
0xad: {  	s28 =	simm.s32 $_size_execute0_lowered;
	s5 =	sadd.s32 s5, s7;
	[dreg:$0x0] =	wrdreg $0x0  }
0xae: {  	s7 =	sshll.u32 s28, $0x1;
	[dreg:$0x2] =	wrdreg s5  }
0xaf: {  	[dreg:$0x3] =	wrdreg s7  }
0xb0: {  	[dreg:$0x4] =	wrdreg $0xC0  }
0xb1: {  	_ =	task [dreg:s9], $0x5FFFF  }
0xb2: {  	[dreg:$0x1] =	wrdreg $0xFFFFFFFF  }
0xb3: {  	[dreg:$0x0] =	wrdreg $0x60  }
0xb4: {  	[dreg:$0x2] =	wrdreg s24  }
0xb5: {  	[dreg:$0x3] =	wrdreg s15  }
0xb6: {  	[dreg:$0x4] =	wrdreg s16  }
0xb7: {  	[dreg:$0x5] =	wrdreg s17  }
0xb8: {  	[dreg:$0x6] =	wrdreg $0x9  }
0xb9: {  	_ =	task.clear_ibuf [dreg:s9], $0x7FFFF;
	_ =	strace $0x90000046  }
0xba: {  	s29 =	simm.s32 $0x9;
	_ =	strace $0x80000048  }
0xbb: {  	_ =	swait.ge [sflag:s29], $0x1  }
0xbc: {  	[sflag:s29] =	ssyncadd.s32 $0xFFFFFFFF  }
0xbd: {  	_ =	strace $0x90000048  }
0xbe: {  	_ =	sfence  }
0xbf: {  	s30 =	sld [smem:$0x0];
	_ =	sdelay $0x2  }
0xc0: {  	s31 =	sshll.u32 s1, $0xD;
	s1 =	sshrl.u32 s1, $0x2  }
0xc1: {  	s3 =	sand.u32 $0x4000, s31;
	s1 =	sadd.s32 s1, s30  }
0xc2: {  	s0 =	sor.u32 s3, s0;
	s1 =	sshll.u32 s1, $0x11  }
0xc3: {  	s0 =	sor.u32 s1, s0  }
0xc4: {  	s0 =	sadd.s32 $0x8F2B, s0  }
0xc5: {  	[sflag:s0] =	ssyncadd.remote.s32 $0x1  }
0xc6: {  	_ =	sfence.sel $0xFFFF  }
0xc7: {  	[dreg:$0x0] =	wrdreg $0xFFFFFFFF;
	(pc) =	sbr.abs _section_cstart, $3  }
0xc8: {  	[dreg:$0x1] =	wrdreg $0xFFFFFFFF  }
0xc9: {  	_ =	task.clear_ibuf [dreg:s9], $0x2FFFF;
	_ =	strace $0x9FFFFFFF  }
0xca: {  	(tm) =	ssettm $0x7FFFFFFF  }
0xcb: {  	_ =	shalt  }
tec
execute0_lowered:
.L_overlay_start_1:
0x0: {  	(tag) =	ssettag $0x1  }
0x1: {  	s1 =	rddreg [dreg:$0x0]  }
0x2: {  	s2 =	rddreg [dreg:$0x1]  }
0x3: {  	s3 =	rddreg [dreg:$0x2]  }
0x4: {  	s0 =	rddreg [dreg:$0x3];
	s5 =	simm.s32 $0x0  }
0x5: {  	s4 =	srdreg.scid;
	s12 =	stileid.u32;
	s29 =	simm.s32 $0x190  }
0x6: {  	s30 =	simm.s32 $0x3980;
	s31 =	simm.s32 $0x40;
	[smem:$0x7FF] =	sst s5  }
0x7: {  	s5 =	sand.u32 $0x1, s4;
	s22 =	sshll.u32 s12, $0x1;
	s26 =	smul.u32 $0x1C0000, s12  }
0x8: {  	s6 =	sadd.s32 $0x8800, s1;
	s4 =	sadd.s32 $0xCBE00, s1;
	s28 =	smul.u32 $0xE0000, s5  }
0x9: {  	s23 =	sor.u32 s5, s22;
	s8 =	ssub.s32 $0x2, s5;
	s5 =	smul.u32 $0x1C000, s5  }
0xa: {  	_ =	strace $0x80000047;
	[dreg:$0x11] =	wrdreg s6;
	s7 =	smul.u32 $0x320, s23  }
0xb: {  	s9 =	sshrl.u32 s8, $0x1;
	s10 =	sshll.u32 s23, $0x4;
	s6 =	sshll.u32 s23, $0xB  }
0xc: {  	s11 =	smul.u32 $0xE0000, s23;
	s2 =	sadd.s32 s2, s10;
	s3 =	sadd.s32 s3, s6  }
0xd: {  	s7 =	sadd.s32 s7, s1;
	s1 =	ssub.s32 s8, s9;
	[dreg:$0x12] =	wrdreg s2  }
0xe: {  	s25 =	sshrl.u32 s11, $0x3;
	[dreg:$0x14] =	wrdreg s3;
	s3 =	sadd.s32 s28, s26  }
0xf: {  	s24 =	sadd.s32 $0x2400, s7;
	s2 =	sadd.s32 s0, s25;
	s16 =	sor.u32 $0x1A400, s3  }
0x10: {  	s20 =	sor.u32 $0x18800, s3;
	s1 =	smax.u32 s1, $0x1;
	[dreg:$0x13] =	wrdreg s24  }
0x11: {  	s22 =	sor.u32 $0x16C00, s3;
	s9 =	sadd.s32 $0x18800, s2;
	[smem:$0x7FD] =	sst s1  }
0x12: {  	s8 =	sor.u32 $0x15000, s3;
	s10 =	sadd.s32 $0x18B80, s2;
	[dreg:$0x15] =	wrdreg s9  }
0x13: {  	s26 =	sor.u32 $0x13400, s3;
	s11 =	sadd.s32 $0x18F00, s2;
	[dreg:$0x16] =	wrdreg s10  }
0x14: {  	s13 =	sadd.s32 $0x19280, s2;
	s14 =	sadd.s32 $0x19600, s2;
	[dreg:$0x17] =	wrdreg s11  }
0x15: {  	s15 =	sadd.s32 $0x19980, s2;
	s17 =	sadd.s32 $0x19D00, s2;
	[dreg:$0x18] =	wrdreg s13  }
0x16: {  	s18 =	sadd.s32 $0x1A080, s2;
	s6 =	sshrl.u32 s16, $0x3;
	[dreg:$0x19] =	wrdreg s14  }
0x17: {  	s19 =	sadd.s32 $0x1A400, s2;
	s21 =	sshrl.u32 s20, $0x3;
	[dreg:$0x1a] =	wrdreg s15  }
0x18: {  	s7 =	sshrl.u32 s22, $0x3;
	s24 =	sshrl.u32 s8, $0x3;
	[dreg:$0x1b] =	wrdreg s17  }
0x19: {  	s28 =	sadd.s32 $0x1A780, s2;
	s22 =	sor.u32 $0x7000, s3;
	[dreg:$0x1c] =	wrdreg s18  }
0x1a: {  	s8 =	simm.s32 $0x6B80;
	[dreg:$0x1d] =	wrdreg s19;
	s6 =	sadd.s32 s6, s0  }
0x1b: {  	s23 =	sadd.s32 s7, s0;
	s25 =	sadd.s32 s24, s0;
	[dreg:$0x1e] =	wrdreg s28  }
0x1c: {  	s9 =	sshrl.u32 s26, $0x3;
	s10 =	sor.u32 $0x11800, s3;
	s11 =	smul.u32 $0x38000, s12  }
0x1d: {  	s13 =	sadd.s32 $0x1AB00, s2;
	s15 =	sor.u32 $0xC400, s3;
	s17 =	sor.u32 $0xA800, s3  }
0x1e: {  	s18 =	sor.u32 $0x8C00, s3;
	s24 =	sshrl.u32 s22, $0x3;
	[dreg:$0x5] =	wrdreg s6  }
0x1f: {  	s3 =	sor.u32 $0x5400, s3;
	s26 =	sadd.s32 $0x1B580, s2;
	[dreg:$0x7] =	wrdreg s23  }
0x20: {  	s28 =	sadd.s32 $0x1B900, s2;
	s7 =	simm.s32 $0x5F00;
	[dreg:$0x8] =	wrdreg s25  }
0x21: {  	s6 =	sadd.s32 s21, s0;
	s12 =	sshrl.u32 s10, $0x3;
	[dreg:$0x1f] =	wrdreg s13  }
0x22: {  	s16 =	sshrl.u32 s15, $0x3;
	s20 =	sshrl.u32 s18, $0x3;
	s23 =	sadd.s32 $0x1AE80, s2  }
0x23: {  	s25 =	sadd.s32 $0x1B200, s2;
	[smem:$0x7FA] =	sst s26;
	s3 =	sshrl.u32 s3, $0x3  }
0x24: {  	[smem:$0x7FB] =	sst s28;
	s2 =	sadd.s32 $0x1BC80, s2;
	s26 =	simm.s32 $0x80  }
0x25: {  	s10 =	simm.s32 $0x8480;
	s13 =	simm.s32 $0xAA00;
	[dreg:$0x6] =	wrdreg s6  }
0x26: {  	s15 =	simm.s32 $0xC300;
	s18 =	simm.s32 $0xE880;
	[smem:$0x7F8] =	sst s23  }
0x27: {  	s6 =	sadd.s32 s9, s0;
	s14 =	sadd.s32 s11, s0;
	[smem:$0x7F9] =	sst s25  }
0x28: {  	s21 =	sadd.s32 s20, s0;
	[smem:$0x7FC] =	sst s2;
	s9 =	simm.s32 $0x7800  }
0x29: {  	s11 =	simm.s32 $0x9100;
	s20 =	simm.s32 $0x3;
	[dreg:$0x9] =	wrdreg s6  }
0x2a: {  	s2 =	simm.s32 $0x0;
	s6 =	sadd.s32 s12, s0;
	[dreg:$0xe] =	wrdreg s21  }
0x2b: {  	s5 =	sadd.s32 s5, s14;
	s12 =	simm.s32 $0x2;
	[dreg:$0xa] =	wrdreg s6  }
0x2c: {  	s14 =	simm.s32 $0xB680;
	s21 =	simm.s32 $0x4;
	[dreg:$0xb] =	wrdreg s5  }
0x2d: {  	s5 =	sadd.s32 s16, s0;
	s6 =	sshrl.u32 s17, $0x3;
	s16 =	simm.s32 $0xCF80  }
0x2e: {  	s17 =	simm.s32 $0xDC00;
	[dreg:$0xc] =	wrdreg s5;
	s19 =	sadd.s32 s6, s0  }
0x2f: {  	s5 =	sadd.s32 s24, s0;
	s0 =	sadd.s32 s3, s0;
	[dreg:$0xd] =	wrdreg s19  }
0x30: {  	s3 =	simm.s32 $0x1;
	s6 =	simm.s32 $0x5280;
	[dreg:$0xf] =	wrdreg s5  }
0x31: {  	[dreg:$0x10] =	wrdreg s0;
	s0 =	simm.s32 $0x9D80;
	s19 =	simm.s32 $0xF500  }
.LBB2_1:
0x32: {  	[smem:$0x7F7] =	sst s2  }
0x33: {  	s1 =	simm.s32 $0x0;
	s24 =	rddreg [dreg:$0x12];
	s5 =	simm.s32 $0x6  }
0x34: {  	[tilespmem:s1], [sflag:$0x6] =	stream.linear.gather [hbm4b:s24+s1], $0x80, $0x38;
	[tilespmem:$0x10180] =	vst v63  }
0x35: {  	_ =	swait.ge [sflag:s5], $0x80  }
0x36: {  	[sflag:s5] =	ssyncset.done $0x0  }
0x37: {  	s25 =	rddreg [dreg:$0x11];
	[sflag:s5] =	ssyncadd.s32 $0xFFFFFF80  }
0x38: {  	[tilespmem:s26], [sflag:$0x5] =	stream.indirect.gather [hbm4b:s25+s26], $0x40, s1, s26, $0xb8;
	[tilespmem:$0x10180] =	vst v63  }
0x39: {  	s22 =	simm.s32 $0x2080;
	s28 =	rddreg [dreg:$0x13]  }
0x3a: {  	[tilespmem:s22], [sflag:$0x6] =	stream.linear.gather [hbm4b:s28+s1], $0x1900, $0x38;
	[tilespmem:$0x10180] =	vst v63  }
0x3b: {  	_ =	swait.ge [sflag:s5], $0x1900  }
0x3c: {  	[sflag:s5] =	ssyncset.done $0x0  }
0x3d: {  	[sflag:s5] =	ssyncadd.s32 $0xFFFFE700  }
0x3e: {  	[tilespmem:s30], [sflag:$0x1] =	stream.indirect.gather [hbm4b:s4+s29], $0x40, s22, s29, $0xb8;
	[tilespmem:$0x10180] =	vst v63  }
0x3f: {  	s23 =	simm.s32 $0x2210;
	s24 =	simm.s32 $0x5  }
0x40: {  	[tilespmem:s0], [sflag:$0x2] =	stream.indirect.gather [hbm4b:s4+s29], $0x40, s23, s29, $0xb8;
	[tilespmem:$0x10180] =	vst v63  }
0x41: {  	_ =	swait.ge [sflag:s24], $0x2000  }
0x42: {  	[sflag:s24] =	ssyncset.done $0x0  }
0x43: {  	s25 =	rddreg [dreg:$0x14];
	[sflag:s24] =	ssyncadd.s32 $0xFFFFE000  }
0x44: {  	[hbm4b:s25+s31] =	stream.strided.scatter [tilespmem:s26], [sflag:$0x6], $0x2000, s26, s31, $0x38;
	[tilespmem:$0x10180] =	vst v63  }
0x45: {  	_ =	swait.ge [sflag:s5], $0x2000  }
0x46: {  	[sflag:s5] =	ssyncset.done $0x0  }
0x47: {  	[sflag:s5] =	ssyncadd.s32 $0xFFFFE000  }
0x48: {  	_ =	swait.ge [sflag:s3], $0x6400  }
0x49: {  	s28 =	rddreg [dreg:$0xb];
	[sflag:s3] =	ssyncset.done $0x0  }
0x4a: {  	[sflag:s3] =	ssyncadd.s32 $0xFFFF9C00;
	s2 =	sadd.s32 $0x0, s28  }
0x4b: {  	[hbm4b:s2+s31] =	stream.strided.scatter [tilespmem:s30], [sflag:$0x3], $0xC80, s26, s31, $0x38;
	[tilespmem:$0x10180] =	vst v63  }
0x4c: {  	s5 =	simm.s32 $0x4600;
	s1 =	sadd.s32 $0x380, s2  }
0x4d: {  	[hbm4b:s1+s31] =	stream.strided.scatter [tilespmem:s5], [sflag:$0x3], $0xC80, s26, s31, $0x38;
	[tilespmem:$0x10180] =	vst v63  }
0x4e: {  	s23 =	rddreg [dreg:$0x10];
	s24 =	sadd.s32 $0x700, s2  }
0x4f: {  	[hbm4b:s24+s31] =	stream.strided.scatter [tilespmem:s6], [sflag:$0x3], $0xC80, s26, s31, $0x38;
	[tilespmem:$0x10180] =	vst v63  }
0x50: {  	s25 =	rddreg [dreg:$0xf];
	s23 =	sadd.s32 $0x0, s23  }
0x51: {  	[hbm4b:s23+s31] =	stream.strided.scatter [tilespmem:s7], [sflag:$0x3], $0xC80, s26, s31, $0x38;
	[tilespmem:$0x10180] =	vst v63  }
0x52: {  	s28 =	rddreg [dreg:$0xe];
	s22 =	sadd.s32 $0x0, s25  }
0x53: {  	[hbm4b:s22+s31] =	stream.strided.scatter [tilespmem:s8], [sflag:$0x3], $0xC80, s26, s31, $0x38;
	[tilespmem:$0x10180] =	vst v63  }
0x54: {  	s1 =	rddreg [dreg:$0xd];
	s23 =	sadd.s32 $0x0, s28  }
0x55: {  	[hbm4b:s23+s31] =	stream.strided.scatter [tilespmem:s9], [sflag:$0x3], $0xC80, s26, s31, $0x38;
	[tilespmem:$0x10180] =	vst v63  }
0x56: {  	s5 =	rddreg [dreg:$0xc];
	s22 =	sadd.s32 $0x0, s1  }
0x57: {  	[hbm4b:s22+s31] =	stream.strided.scatter [tilespmem:s10], [sflag:$0x3], $0xC80, s26, s31, $0x38;
	[tilespmem:$0x10180] =	vst v63  }
0x58: {  	s23 =	sadd.s32 $0x0, s5  }
0x59: {  	[hbm4b:s23+s31] =	stream.strided.scatter [tilespmem:s11], [sflag:$0x3], $0xC80, s26, s31, $0x38;
	[tilespmem:$0x10180] =	vst v63  }
0x5a: {  	_ =	swait.ge [sflag:s12], $0x6400  }
0x5b: {  	[sflag:s12] =	ssyncset.done $0x0  }
0x5c: {  	s24 =	sadd.s32 $0x1C00, s2;
	[sflag:s12] =	ssyncadd.s32 $0xFFFF9C00  }
0x5d: {  	[hbm4b:s24+s31] =	stream.strided.scatter [tilespmem:s0], [sflag:$0x4], $0xC80, s26, s31, $0x38;
	[tilespmem:$0x10180] =	vst v63  }
0x5e: {  	s2 =	sadd.s32 $0x1F80, s2;
	s25 =	rddreg [dreg:$0xa]  }
0x5f: {  	[hbm4b:s2+s31] =	stream.strided.scatter [tilespmem:s13], [sflag:$0x4], $0xC80, s26, s31, $0x38;
	[tilespmem:$0x10180] =	vst v63  }
0x60: {  	s28 =	rddreg [dreg:$0x9];
	s1 =	sadd.s32 $0x0, s25  }
0x61: {  	[hbm4b:s1+s31] =	stream.strided.scatter [tilespmem:s14], [sflag:$0x4], $0xC80, s26, s31, $0x38;
	[tilespmem:$0x10180] =	vst v63  }
0x62: {  	s5 =	rddreg [dreg:$0x8];
	s22 =	sadd.s32 $0x0, s28  }
0x63: {  	[hbm4b:s22+s31] =	stream.strided.scatter [tilespmem:s15], [sflag:$0x4], $0xC80, s26, s31, $0x38;
	[tilespmem:$0x10180] =	vst v63  }
0x64: {  	s25 =	sadd.s32 $0x0, s5;
	s24 =	rddreg [dreg:$0x7]  }
0x65: {  	[hbm4b:s25+s31] =	stream.strided.scatter [tilespmem:s16], [sflag:$0x4], $0xC80, s26, s31, $0x38;
	[tilespmem:$0x10180] =	vst v63  }
0x66: {  	s28 =	rddreg [dreg:$0x6];
	s1 =	sadd.s32 $0x0, s24  }
0x67: {  	[hbm4b:s1+s31] =	stream.strided.scatter [tilespmem:s17], [sflag:$0x4], $0xC80, s26, s31, $0x38;
	[tilespmem:$0x10180] =	vst v63  }
0x68: {  	s5 =	rddreg [dreg:$0x5];
	s24 =	sadd.s32 $0x0, s28  }
0x69: {  	[hbm4b:s24+s31] =	stream.strided.scatter [tilespmem:s18], [sflag:$0x4], $0xC80, s26, s31, $0x38;
	[tilespmem:$0x10180] =	vst v63  }
0x6a: {  	s25 =	sadd.s32 $0x0, s5  }
0x6b: {  	[hbm4b:s25+s31] =	stream.strided.scatter [tilespmem:s19], [sflag:$0x4], $0xC80, s26, s31, $0x38;
	[tilespmem:$0x10180] =	vst v63  }
0x6c: {  	_ =	swait.ge [sflag:s20], $0xC80  }
0x6d: {  	[sflag:s20] =	ssyncset.done $0x0  }
0x6e: {  	[sflag:s20] =	ssyncadd.s32 $0xFFFFF380  }
0x6f: {  	_ =	swait.ge [sflag:s20], $0xC80  }
0x70: {  	[sflag:s20] =	ssyncset.done $0x0  }
0x71: {  	[sflag:s20] =	ssyncadd.s32 $0xFFFFF380  }
0x72: {  	_ =	swait.ge [sflag:s20], $0xC80  }
0x73: {  	[sflag:s20] =	ssyncset.done $0x0  }
0x74: {  	[sflag:s20] =	ssyncadd.s32 $0xFFFFF380  }
0x75: {  	_ =	swait.ge [sflag:s20], $0xC80  }
0x76: {  	[sflag:s20] =	ssyncset.done $0x0  }
0x77: {  	[sflag:s20] =	ssyncadd.s32 $0xFFFFF380  }
0x78: {  	_ =	swait.ge [sflag:s20], $0xC80  }
0x79: {  	[sflag:s20] =	ssyncset.done $0x0  }
0x7a: {  	[sflag:s20] =	ssyncadd.s32 $0xFFFFF380  }
0x7b: {  	_ =	swait.ge [sflag:s20], $0xC80  }
0x7c: {  	[sflag:s20] =	ssyncset.done $0x0  }
0x7d: {  	[sflag:s20] =	ssyncadd.s32 $0xFFFFF380  }
0x7e: {  	_ =	swait.ge [sflag:s20], $0xC80  }
0x7f: {  	[sflag:s20] =	ssyncset.done $0x0  }
0x80: {  	[sflag:s20] =	ssyncadd.s32 $0xFFFFF380  }
0x81: {  	_ =	swait.ge [sflag:s20], $0xC80  }
0x82: {  	[sflag:s20] =	ssyncset.done $0x0  }
0x83: {  	s28 =	simm.s32 $0x23A0;
	[sflag:s20] =	ssyncadd.s32 $0xFFFFF380  }
0x84: {  	[tilespmem:s30], [sflag:$0x1] =	stream.indirect.gather [hbm4b:s4+s29], $0x40, s28, s29, $0xb8;
	[tilespmem:$0x10180] =	vst v63  }
0x85: {  	_ =	swait.ge [sflag:s21], $0xC80  }
0x86: {  	[sflag:s21] =	ssyncset.done $0x0  }
0x87: {  	[sflag:s21] =	ssyncadd.s32 $0xFFFFF380  }
0x88: {  	_ =	swait.ge [sflag:s21], $0xC80  }
0x89: {  	[sflag:s21] =	ssyncset.done $0x0  }
0x8a: {  	[sflag:s21] =	ssyncadd.s32 $0xFFFFF380  }
0x8b: {  	_ =	swait.ge [sflag:s21], $0xC80  }
0x8c: {  	[sflag:s21] =	ssyncset.done $0x0  }
0x8d: {  	[sflag:s21] =	ssyncadd.s32 $0xFFFFF380  }
0x8e: {  	_ =	swait.ge [sflag:s21], $0xC80  }
0x8f: {  	[sflag:s21] =	ssyncset.done $0x0  }
0x90: {  	[sflag:s21] =	ssyncadd.s32 $0xFFFFF380  }
0x91: {  	_ =	swait.ge [sflag:s21], $0xC80  }
0x92: {  	[sflag:s21] =	ssyncset.done $0x0  }
0x93: {  	[sflag:s21] =	ssyncadd.s32 $0xFFFFF380  }
0x94: {  	_ =	swait.ge [sflag:s21], $0xC80  }
0x95: {  	[sflag:s21] =	ssyncset.done $0x0  }
0x96: {  	[sflag:s21] =	ssyncadd.s32 $0xFFFFF380  }
0x97: {  	_ =	swait.ge [sflag:s21], $0xC80  }
0x98: {  	[sflag:s21] =	ssyncset.done $0x0  }
0x99: {  	[sflag:s21] =	ssyncadd.s32 $0xFFFFF380  }
0x9a: {  	_ =	swait.ge [sflag:s21], $0xC80  }
0x9b: {  	s23 =	simm.s32 $0x3800;
	[sflag:s21] =	ssyncset.done $0x0  }
0x9c: {  	s22 =	simm.s32 $0x2530;
	s24 =	simm.s32 $0x2850;
	[sflag:s21] =	ssyncadd.s32 $0xFFFFF380  }
.LBB2_2:
0x9d: {  	[tilespmem:s0], [sflag:$0x2] =	stream.indirect.gather [hbm4b:s4+s29], $0x40, s22, s29, $0xb8;
	[tilespmem:$0x10180] =	vst v63  }
0x9e: {  	_ =	swait.ge [sflag:s3], $0x6400  }
0x9f: {  	s2 =	smov.u32 s23;
	s1 =	rddreg [dreg:$0xb];
	[sflag:s3] =	ssyncset.done $0x0  }
0xa0: {  	[sflag:s3] =	ssyncadd.s32 $0xFFFF9C00;
	s1 =	sadd.s32 s2, s1  }
0xa1: {  	[hbm4b:s1+s31] =	stream.strided.scatter [tilespmem:s30], [sflag:$0x3], $0xC80, s26, s31, $0x38;
	[tilespmem:$0x10180] =	vst v63  }
0xa2: {  	s5 =	simm.s32 $0x4600;
	s25 =	sadd.s32 $0x380, s1  }
0xa3: {  	[hbm4b:s25+s31] =	stream.strided.scatter [tilespmem:s5], [sflag:$0x3], $0xC80, s26, s31, $0x38;
	[tilespmem:$0x10180] =	vst v63  }
0xa4: {  	s28 =	rddreg [dreg:$0x10];
	s25 =	sadd.s32 $0x700, s1  }
0xa5: {  	[hbm4b:s25+s31] =	stream.strided.scatter [tilespmem:s6], [sflag:$0x3], $0xC80, s26, s31, $0x38;
	[tilespmem:$0x10180] =	vst v63  }
0xa6: {  	s5 =	rddreg [dreg:$0xf];
	s25 =	sadd.s32 s2, s28  }
0xa7: {  	[hbm4b:s25+s31] =	stream.strided.scatter [tilespmem:s7], [sflag:$0x3], $0xC80, s26, s31, $0x38;
	[tilespmem:$0x10180] =	vst v63  }
0xa8: {  	s5 =	sadd.s32 s2, s5;
	s28 =	rddreg [dreg:$0xe]  }
0xa9: {  	[hbm4b:s5+s31] =	stream.strided.scatter [tilespmem:s8], [sflag:$0x3], $0xC80, s26, s31, $0x38;
	[tilespmem:$0x10180] =	vst v63  }
0xaa: {  	s25 =	rddreg [dreg:$0xd];
	s5 =	sadd.s32 s2, s28  }
0xab: {  	[hbm4b:s5+s31] =	stream.strided.scatter [tilespmem:s9], [sflag:$0x3], $0xC80, s26, s31, $0x38;
	[tilespmem:$0x10180] =	vst v63  }
0xac: {  	s25 =	sadd.s32 s2, s25;
	s28 =	rddreg [dreg:$0xc]  }
0xad: {  	[hbm4b:s25+s31] =	stream.strided.scatter [tilespmem:s10], [sflag:$0x3], $0xC80, s26, s31, $0x38;
	[tilespmem:$0x10180] =	vst v63  }
0xae: {  	s28 =	sadd.s32 s2, s28  }
0xaf: {  	[hbm4b:s28+s31] =	stream.strided.scatter [tilespmem:s11], [sflag:$0x3], $0xC80, s26, s31, $0x38;
	[tilespmem:$0x10180] =	vst v63  }
0xb0: {  	_ =	swait.ge [sflag:s12], $0x6400  }
0xb1: {  	[sflag:s12] =	ssyncset.done $0x0  }
0xb2: {  	s25 =	sadd.s32 $0x1C00, s1;
	[sflag:s12] =	ssyncadd.s32 $0xFFFF9C00  }
0xb3: {  	[hbm4b:s25+s31] =	stream.strided.scatter [tilespmem:s0], [sflag:$0x4], $0xC80, s26, s31, $0x38;
	[tilespmem:$0x10180] =	vst v63  }
0xb4: {  	s1 =	sadd.s32 $0x1F80, s1;
	s28 =	rddreg [dreg:$0xa]  }
0xb5: {  	[hbm4b:s1+s31] =	stream.strided.scatter [tilespmem:s13], [sflag:$0x4], $0xC80, s26, s31, $0x38;
	[tilespmem:$0x10180] =	vst v63  }
0xb6: {  	s5 =	rddreg [dreg:$0x9];
	s28 =	sadd.s32 s2, s28  }
0xb7: {  	[hbm4b:s28+s31] =	stream.strided.scatter [tilespmem:s14], [sflag:$0x4], $0xC80, s26, s31, $0x38;
	[tilespmem:$0x10180] =	vst v63  }
0xb8: {  	s25 =	rddreg [dreg:$0x8];
	s28 =	sadd.s32 s2, s5  }
0xb9: {  	[hbm4b:s28+s31] =	stream.strided.scatter [tilespmem:s15], [sflag:$0x4], $0xC80, s26, s31, $0x38;
	[tilespmem:$0x10180] =	vst v63  }
0xba: {  	s5 =	rddreg [dreg:$0x7];
	s28 =	sadd.s32 s2, s25  }
0xbb: {  	[hbm4b:s28+s31] =	stream.strided.scatter [tilespmem:s16], [sflag:$0x4], $0xC80, s26, s31, $0x38;
	[tilespmem:$0x10180] =	vst v63  }
0xbc: {  	s25 =	rddreg [dreg:$0x6];
	s28 =	sadd.s32 s2, s5  }
0xbd: {  	[hbm4b:s28+s31] =	stream.strided.scatter [tilespmem:s17], [sflag:$0x4], $0xC80, s26, s31, $0x38;
	[tilespmem:$0x10180] =	vst v63  }
0xbe: {  	s5 =	rddreg [dreg:$0x5];
	s28 =	sadd.s32 s2, s25  }
0xbf: {  	[hbm4b:s28+s31] =	stream.strided.scatter [tilespmem:s18], [sflag:$0x4], $0xC80, s26, s31, $0x38;
	[tilespmem:$0x10180] =	vst v63  }
0xc0: {  	s25 =	sadd.s32 s2, s5  }
0xc1: {  	[hbm4b:s25+s31] =	stream.strided.scatter [tilespmem:s19], [sflag:$0x4], $0xC80, s26, s31, $0x38;
	[tilespmem:$0x10180] =	vst v63  }
0xc2: {  	_ =	swait.ge [sflag:s20], $0xC80  }
0xc3: {  	[sflag:s20] =	ssyncset.done $0x0  }
0xc4: {  	[sflag:s20] =	ssyncadd.s32 $0xFFFFF380  }
0xc5: {  	_ =	swait.ge [sflag:s20], $0xC80  }
0xc6: {  	[sflag:s20] =	ssyncset.done $0x0  }
0xc7: {  	[sflag:s20] =	ssyncadd.s32 $0xFFFFF380  }
0xc8: {  	_ =	swait.ge [sflag:s20], $0xC80  }
0xc9: {  	[sflag:s20] =	ssyncset.done $0x0  }
0xca: {  	[sflag:s20] =	ssyncadd.s32 $0xFFFFF380  }
0xcb: {  	_ =	swait.ge [sflag:s20], $0xC80  }
0xcc: {  	[sflag:s20] =	ssyncset.done $0x0  }
0xcd: {  	[sflag:s20] =	ssyncadd.s32 $0xFFFFF380  }
0xce: {  	_ =	swait.ge [sflag:s20], $0xC80  }
0xcf: {  	[sflag:s20] =	ssyncset.done $0x0  }
0xd0: {  	[sflag:s20] =	ssyncadd.s32 $0xFFFFF380  }
0xd1: {  	_ =	swait.ge [sflag:s20], $0xC80  }
0xd2: {  	[sflag:s20] =	ssyncset.done $0x0  }
0xd3: {  	[sflag:s20] =	ssyncadd.s32 $0xFFFFF380  }
0xd4: {  	_ =	swait.ge [sflag:s20], $0xC80  }
0xd5: {  	[sflag:s20] =	ssyncset.done $0x0  }
0xd6: {  	[sflag:s20] =	ssyncadd.s32 $0xFFFFF380  }
0xd7: {  	_ =	swait.ge [sflag:s20], $0xC80  }
0xd8: {  	[sflag:s20] =	ssyncset.done $0x0  }
0xd9: {  	s28 =	sadd.s32 $0xFFFFFE70, s24;
	[sflag:s20] =	ssyncadd.s32 $0xFFFFF380  }
0xda: {  	[tilespmem:s30], [sflag:$0x1] =	stream.indirect.gather [hbm4b:s4+s29], $0x40, s28, s29, $0xb8;
	[tilespmem:$0x10180] =	vst v63  }
0xdb: {  	_ =	swait.ge [sflag:s21], $0xC80  }
0xdc: {  	[sflag:s21] =	ssyncset.done $0x0  }
0xdd: {  	[sflag:s21] =	ssyncadd.s32 $0xFFFFF380  }
0xde: {  	_ =	swait.ge [sflag:s21], $0xC80  }
0xdf: {  	[sflag:s21] =	ssyncset.done $0x0  }
0xe0: {  	[sflag:s21] =	ssyncadd.s32 $0xFFFFF380  }
0xe1: {  	_ =	swait.ge [sflag:s21], $0xC80  }
0xe2: {  	[sflag:s21] =	ssyncset.done $0x0  }
0xe3: {  	[sflag:s21] =	ssyncadd.s32 $0xFFFFF380  }
0xe4: {  	_ =	swait.ge [sflag:s21], $0xC80  }
0xe5: {  	[sflag:s21] =	ssyncset.done $0x0  }
0xe6: {  	[sflag:s21] =	ssyncadd.s32 $0xFFFFF380  }
0xe7: {  	_ =	swait.ge [sflag:s21], $0xC80  }
0xe8: {  	[sflag:s21] =	ssyncset.done $0x0  }
0xe9: {  	[sflag:s21] =	ssyncadd.s32 $0xFFFFF380  }
0xea: {  	_ =	swait.ge [sflag:s21], $0xC80  }
0xeb: {  	[sflag:s21] =	ssyncset.done $0x0  }
0xec: {  	[sflag:s21] =	ssyncadd.s32 $0xFFFFF380  }
0xed: {  	p0 =	sne.s32 s23, $0x15000;
	_ =	swait.ge [sflag:s21], $0xC80  }
.Ltmp0:
0xee: {  	[sflag:s21] =	ssyncset.done $0x0;
	(pc) =	sbr.rel @p0 .LBB2_2-.Ltmp0, $4  }
0xef: {  	[sflag:s21] =	ssyncadd.s32 $0xFFFFF380  }
0xf0: {  	_ =	swait.ge [sflag:s21], $0xC80  }
0xf1: {  	s22 =	smov.u32 s24;
	[sflag:s21] =	ssyncset.done $0x0  }
0xf2: {  	s23 =	sadd.s32 $0x3800, s23;
	s24 =	sadd.s32 $0x320, s24;
	[sflag:s21] =	ssyncadd.s32 $0xFFFFF380  }
0xf3: {  	[tilespmem:s0], [sflag:$0x2] =	stream.indirect.gather [hbm4b:s4+s29], $0x40, s22, s29, $0xb8;
	[tilespmem:$0x10180] =	vst v63  }
0xf4: {  	_ =	swait.ge [sflag:s3], $0x6400  }
0xf5: {  	[sflag:s3] =	ssyncset.done $0x0  }
0xf6: {  	s1 =	rddreg [dreg:$0x15];
	[sflag:s3] =	ssyncadd.s32 $0xFFFF9C00  }
0xf7: {  	[hbm4b:s1+s31] =	stream.strided.scatter [tilespmem:s30], [sflag:$0x3], $0xC80, s26, s31, $0x38;
	[tilespmem:$0x10180] =	vst v63  }
0xf8: {  	s2 =	simm.s32 $0x4600;
	s24 =	rddreg [dreg:$0x16]  }
0xf9: {  	[hbm4b:s24+s31] =	stream.strided.scatter [tilespmem:s2], [sflag:$0x3], $0xC80, s26, s31, $0x38;
	[tilespmem:$0x10180] =	vst v63  }
0xfa: {  	s25 =	rddreg [dreg:$0x17]  }
0xfb: {  	[hbm4b:s25+s31] =	stream.strided.scatter [tilespmem:s6], [sflag:$0x3], $0xC80, s26, s31, $0x38;
	[tilespmem:$0x10180] =	vst v63  }
0xfc: {  	s28 =	rddreg [dreg:$0x18]  }
0xfd: {  	[hbm4b:s28+s31] =	stream.strided.scatter [tilespmem:s7], [sflag:$0x3], $0xC80, s26, s31, $0x38;
	[tilespmem:$0x10180] =	vst v63  }
0xfe: {  	s2 =	rddreg [dreg:$0x19]  }
0xff: {  	[hbm4b:s2+s31] =	stream.strided.scatter [tilespmem:s8], [sflag:$0x3], $0xC80, s26, s31, $0x38;
	[tilespmem:$0x10180] =	vst v63  }
0x100: {  	s5 =	rddreg [dreg:$0x1a]  }
0x101: {  	[hbm4b:s5+s31] =	stream.strided.scatter [tilespmem:s9], [sflag:$0x3], $0xC80, s26, s31, $0x38;
	[tilespmem:$0x10180] =	vst v63  }
0x102: {  	s22 =	rddreg [dreg:$0x1b]  }
0x103: {  	[hbm4b:s22+s31] =	stream.strided.scatter [tilespmem:s10], [sflag:$0x3], $0xC80, s26, s31, $0x38;
	[tilespmem:$0x10180] =	vst v63  }
0x104: {  	s23 =	rddreg [dreg:$0x1c]  }
0x105: {  	[hbm4b:s23+s31] =	stream.strided.scatter [tilespmem:s11], [sflag:$0x3], $0xC80, s26, s31, $0x38;
	[tilespmem:$0x10180] =	vst v63  }
0x106: {  	_ =	swait.ge [sflag:s12], $0x6400  }
0x107: {  	[sflag:s12] =	ssyncset.done $0x0;
	s24 =	rddreg [dreg:$0x1d]  }
0x108: {  	s25 =	rddreg [dreg:$0x1e];
	[sflag:s12] =	ssyncadd.s32 $0xFFFF9C00  }
0x109: {  	[hbm4b:s24+s31] =	stream.strided.scatter [tilespmem:s0], [sflag:$0x4], $0xC80, s26, s31, $0x38;
	[tilespmem:$0x10180] =	vst v63  }
0x10a: {  	s28 =	rddreg [dreg:$0x1f]  }
0x10b: {  	[hbm4b:s25+s31] =	stream.strided.scatter [tilespmem:s13], [sflag:$0x4], $0xC80, s26, s31, $0x38;
	[tilespmem:$0x10180] =	vst v63  }
0x10c: {  	s2 =	sld [smem:$0x7F8]  }
0x10d: {  	[hbm4b:s28+s31] =	stream.strided.scatter [tilespmem:s14], [sflag:$0x4], $0xC80, s26, s31, $0x38;
	[tilespmem:$0x10180] =	vst v63  }
0x10e: {  	s5 =	sld [smem:$0x7F9]  }
0x10f: {  	[hbm4b:s2+s31] =	stream.strided.scatter [tilespmem:s15], [sflag:$0x4], $0xC80, s26, s31, $0x38;
	[tilespmem:$0x10180] =	vst v63  }
0x110: {  	s22 =	sld [smem:$0x7FA]  }
0x111: {  	[hbm4b:s5+s31] =	stream.strided.scatter [tilespmem:s16], [sflag:$0x4], $0xC80, s26, s31, $0x38;
	[tilespmem:$0x10180] =	vst v63  }
0x112: {  	s23 =	sld [smem:$0x7FB]  }
0x113: {  	[hbm4b:s22+s31] =	stream.strided.scatter [tilespmem:s17], [sflag:$0x4], $0xC80, s26, s31, $0x38;
	[tilespmem:$0x10180] =	vst v63  }
0x114: {  	s24 =	sld [smem:$0x7FC]  }
0x115: {  	[hbm4b:s23+s31] =	stream.strided.scatter [tilespmem:s18], [sflag:$0x4], $0xC80, s26, s31, $0x38;
	[tilespmem:$0x10180] =	vst v63  }
0x116: {  	_ = 	snop  }
0x117: {  	[hbm4b:s24+s31] =	stream.strided.scatter [tilespmem:s19], [sflag:$0x4], $0xC80, s26, s31, $0x38;
	[tilespmem:$0x10180] =	vst v63  }
0x118: {  	_ =	swait.ge [sflag:s20], $0xC80  }
0x119: {  	[sflag:s20] =	ssyncset.done $0x0  }
0x11a: {  	[sflag:s20] =	ssyncadd.s32 $0xFFFFF380  }
0x11b: {  	_ =	swait.ge [sflag:s20], $0xC80  }
0x11c: {  	[sflag:s20] =	ssyncset.done $0x0  }
0x11d: {  	[sflag:s20] =	ssyncadd.s32 $0xFFFFF380  }
0x11e: {  	_ =	swait.ge [sflag:s20], $0xC80  }
0x11f: {  	[sflag:s20] =	ssyncset.done $0x0  }
0x120: {  	[sflag:s20] =	ssyncadd.s32 $0xFFFFF380  }
0x121: {  	_ =	swait.ge [sflag:s20], $0xC80  }
0x122: {  	[sflag:s20] =	ssyncset.done $0x0  }
0x123: {  	[sflag:s20] =	ssyncadd.s32 $0xFFFFF380  }
0x124: {  	_ =	swait.ge [sflag:s20], $0xC80  }
0x125: {  	[sflag:s20] =	ssyncset.done $0x0  }
0x126: {  	[sflag:s20] =	ssyncadd.s32 $0xFFFFF380  }
0x127: {  	_ =	swait.ge [sflag:s20], $0xC80  }
0x128: {  	[sflag:s20] =	ssyncset.done $0x0  }
0x129: {  	[sflag:s20] =	ssyncadd.s32 $0xFFFFF380  }
0x12a: {  	_ =	swait.ge [sflag:s20], $0xC80  }
0x12b: {  	[sflag:s20] =	ssyncset.done $0x0  }
0x12c: {  	[sflag:s20] =	ssyncadd.s32 $0xFFFFF380  }
0x12d: {  	_ =	swait.ge [sflag:s20], $0xC80  }
0x12e: {  	[sflag:s20] =	ssyncset.done $0x0  }
0x12f: {  	[sflag:s20] =	ssyncadd.s32 $0xFFFFF380  }
0x130: {  	_ =	swait.ge [sflag:s21], $0xC80  }
0x131: {  	[sflag:s21] =	ssyncset.done $0x0  }
0x132: {  	[sflag:s21] =	ssyncadd.s32 $0xFFFFF380  }
0x133: {  	_ =	swait.ge [sflag:s21], $0xC80  }
0x134: {  	[sflag:s21] =	ssyncset.done $0x0  }
0x135: {  	[sflag:s21] =	ssyncadd.s32 $0xFFFFF380  }
0x136: {  	_ =	swait.ge [sflag:s21], $0xC80  }
0x137: {  	[sflag:s21] =	ssyncset.done $0x0  }
0x138: {  	[sflag:s21] =	ssyncadd.s32 $0xFFFFF380  }
0x139: {  	_ =	swait.ge [sflag:s21], $0xC80  }
0x13a: {  	[sflag:s21] =	ssyncset.done $0x0  }
0x13b: {  	[sflag:s21] =	ssyncadd.s32 $0xFFFFF380  }
0x13c: {  	_ =	swait.ge [sflag:s21], $0xC80  }
0x13d: {  	[sflag:s21] =	ssyncset.done $0x0  }
0x13e: {  	[sflag:s21] =	ssyncadd.s32 $0xFFFFF380  }
0x13f: {  	_ =	swait.ge [sflag:s21], $0xC80  }
0x140: {  	[sflag:s21] =	ssyncset.done $0x0  }
0x141: {  	[sflag:s21] =	ssyncadd.s32 $0xFFFFF380  }
0x142: {  	_ =	swait.ge [sflag:s21], $0xC80  }
0x143: {  	[sflag:s21] =	ssyncset.done $0x0  }
0x144: {  	[sflag:s21] =	ssyncadd.s32 $0xFFFFF380  }
0x145: {  	_ =	swait.ge [sflag:s21], $0xC80  }
0x146: {  	s25 =	sld [smem:$0x7F7]  }
0x147: {  	s28 =	sld [smem:$0x7FD];
	_ =	sdelay $0x1  }
0x148: {  	s2 =	sadd.s32 $0x1, s25  }
0x149: {  	p0 =	sne.s32 s2, s28  }
.Ltmp1:
0x14a: {  	_ = 	snop;
	(pc) =	sbr.rel @p0 .LBB2_1-.Ltmp1, $3  }
0x14b: {  	_ =	sdelay $0x1  }
0x14c: {  	[sflag:s21] =	ssyncset.done $0x0  }
0x14d: {  	[sflag:s21] =	ssyncadd.s32 $0xFFFFF380  }
0x14e: {  	_ =	sfence.sel $0x180000  }
0x14f: {  	[bflag:$0x0] =	sbarrier.arrive $0xFFFF  }
0x150: {  	_ =	strace $0x90000047  }
0x151: {  	s0 =	stileid.u32;
	[bflag:$0x2] =	sbarrier.arrive $0xFFFF  }
0x152: {  	p0 =	sne.s32 s0, $0x0;
	s0 =	rddreg [dreg:$0x4]  }
0x153: {  	s0 =	sadd.s32 @!p0 $0x100000, s0  }
0x154: {  	[sflag:s0] =	ssyncadd.tile.s32 @!p0 $0x1;
	_ =	shalt  }
.Lfunc_end2:
_tile_overlayer_lowered:
.L_overlay_start_2:
0x155: {  	(tag) =	ssettag $0x2  }
0x156: {  	s0 =	rddreg [dreg:$0x0];
	s2 =	stileid.u32  }
0x157: {  	s1 =	rddreg [dreg:$0x1];
	p0 =	sne.s32 s2, $0x0  }
0x158: {  	s3 =	rddreg [dreg:$0x2];
	[bflag:$0x3] =	sbarrier.arrive $0xFFFF;
	s2 =	simm.s32 @!p0 $0x1C06  }
0x159: {  	[timem:s3], [sflag:s2] =	dma.local @!p0 [hbm:s0], s1  }
0x15a: {  	s0 =	simm.s32 @!p0 $0x6  }
0x15b: {  	_ =	swait.ge @!p0 [sflag:s0], s1  }
0x15c: {  	s1 =	ssub.s32 @!p0 $0x0, s1;
	[sflag:s0] =	ssyncset.done @!p0 $0x0  }
0x15d: {  	[sflag:s0] =	ssyncadd.s32 @!p0 s1  }
0x15e: {  	[bflag:$0x3] =	sbarrier.arrive $0xFFFF  }
0x15f: {  	_ =	shalt  }

</sc_bundles>
